<compile_context>
chip_gen: v7x
topology: tpu7x:2x2x1
jax: 0.10.2.dev20260603
libtpu: 0.0.44.dev20260713+nightly
codegen_flags: <defaults>
</compile_context>

<pallas_src>
import functools

import jax
import jax.numpy as jnp
from jax import lax
from jax.experimental import pallas as pl
from jax.experimental.pallas import tpu as pltpu
from jax.experimental.pallas import tpu_sc as plsc

N = 10000
E = 160000
F_IN = 256
H = 128
G = 128

NW = 32
CH = 64
EPW = 5120
E_PAD = NW * EPW
NCH = EPW // CH
RPT = 624
REM = N - 16 * RPT
REM_OFF = 16 * RPT
N_ACC = N + 8
BLK = 2000
NB = N // BLK

@functools.cache
def _get_sc_agg():
    mesh = plsc.VectorSubcoreMesh(core_axis_name="c", subcore_axis_name="s")

    @functools.partial(
        pl.kernel,
        out_type=jax.ShapeDtypeStruct((2 * N, H), jnp.float32),
        mesh=mesh,
        scratch_types=[
            pltpu.VMEM((NCH // 2, 2 * CH), jnp.int32),
            pltpu.VMEM((NCH, CH), jnp.int32),
            [pltpu.VMEM((CH, H), jnp.float32)] * 4,
            pltpu.VMEM_SHARED((N_ACC, H), jnp.float32),
            [pltpu.SemaphoreType.DMA] * 4,
            [pltpu.SemaphoreType.DMA] * 4,
        ],
    )
    def _sc_segment_sum(h_hbm, src_hbm, dst_hbm, zeros_hbm, out_hbm,
                        idx_s, idx_d, rows, acc, gsem, ssem):
        c = lax.axis_index("c")
        s = lax.axis_index("s")
        w = s * 2 + c
        def src_ix(jh, half):
            return idx_s.at[jh, pl.ds(half * CH, CH)]

        pltpu.sync_copy(src_hbm.at[pl.ds(w * (NCH // 2), NCH // 2)], idx_s)
        pltpu.async_copy(h_hbm.at[src_ix(0, 0)], rows[0], gsem[0])
        pltpu.async_copy(h_hbm.at[src_ix(0, 1)], rows[1], gsem[1])
        pltpu.async_copy(h_hbm.at[src_ix(1, 0)], rows[2], gsem[2])
        pltpu.sync_copy(dst_hbm.at[pl.ds(w * NCH, NCH)], idx_d)
        pltpu.sync_copy(zeros_hbm, acc.at[pl.ds(s * RPT, RPT)])

        @pl.when(s == 15)
        def _():
            pltpu.sync_copy(zeros_hbm.at[pl.ds(0, REM)],
                            acc.at[pl.ds(REM_OFF, REM)])

        plsc.subcore_barrier()


        def chunk(k, carry):
            for b in range(4):
                j = 4 * k + b
                jh = 2 * k + b // 2
                half = b % 2
                b3 = (b + 3) % 4
                jh3 = (4 * k + b + 3) // 2
                pltpu.make_async_copy(h_hbm.at[src_ix(jh, half)], rows[b],
                                      gsem[b]).wait()
                pltpu.async_copy(rows[b], acc.at[idx_d.at[j]], ssem[b],
                                 add=True)

                @pl.when((j + 3 < NCH) & (j >= 1))
                def _():
                    pltpu.make_async_copy(rows[b3], acc.at[idx_d.at[j - 1]],
                                          ssem[b3]).wait()

                @pl.when(j + 3 < NCH)
                def _():
                    pltpu.async_copy(h_hbm.at[src_ix(jh3, (half + 1) % 2)],
                                     rows[b3], gsem[b3])

            return carry

        lax.fori_loop(0, NCH // 4, chunk, 0)
        for j in range(NCH - 4, NCH):
            pltpu.make_async_copy(rows[j % 4], acc.at[idx_d.at[j]],
                                  ssem[j % 4]).wait()
        plsc.subcore_barrier()
        pltpu.sync_copy(acc.at[pl.ds(s * RPT, RPT)],
                        out_hbm.at[pl.ds(c * N + s * RPT, RPT)])

        @pl.when(s == 15)
        def _():
            pltpu.sync_copy(acc.at[pl.ds(REM_OFF, REM)],
                            out_hbm.at[pl.ds(c * N + REM_OFF, REM)])

    return _sc_segment_sum


def _proj_body(x_ref, w_ref, o_ref):
    o_ref[...] = jnp.dot(x_ref[...], w_ref[...],
                         preferred_element_type=jnp.float32)


def _proj(x, w):
    return pl.pallas_call(
        _proj_body,
        grid=(NB,),
        in_specs=[
            pl.BlockSpec((BLK, F_IN), lambda i: (i, 0)),
            pl.BlockSpec((F_IN, H), lambda i: (0, 0)),
        ],
        out_specs=pl.BlockSpec((BLK, H), lambda i: (i, 0)),
        out_shape=jax.ShapeDtypeStruct((N, H), jnp.float32),
    )(x, w)


def _stats_update(i, u, st_ref):
    @pl.when(i == 0)
    def _():
        st_ref[...] = jnp.zeros_like(st_ref)

    st_ref[0:1, :] += jnp.sum(u, axis=0, keepdims=True)
    st_ref[1:2, :] += jnp.sum(u * u, axis=0, keepdims=True)


def _l0_body(xp_ref, p0_ref, p1_ref, eps_ref, ba_ref, wb_ref, bb_ref,
             u_ref, st_ref):
    i = pl.program_id(0)
    t = ((1.0 + eps_ref[0, 0]) * xp_ref[...] + p0_ref[...] + p1_ref[...]
         + ba_ref[...])
    t = jnp.maximum(t, 0.0)
    u = jnp.dot(t, wb_ref[...], preferred_element_type=jnp.float32) + bb_ref[...]
    u_ref[...] = u
    _stats_update(i, u, st_ref)


def _lk_body(h_ref, p0_ref, p1_ref, eps_ref, wa_ref, ba_ref, wb_ref, bb_ref,
             u_ref, st_ref):
    i = pl.program_id(0)
    hp = (1.0 + eps_ref[0, 0]) * h_ref[...] + p0_ref[...] + p1_ref[...]
    t = jnp.maximum(
        jnp.dot(hp, wa_ref[...], preferred_element_type=jnp.float32)
        + ba_ref[...], 0.0)
    u = jnp.dot(t, wb_ref[...], preferred_element_type=jnp.float32) + bb_ref[...]
    u_ref[...] = u
    _stats_update(i, u, st_ref)


_BH = lambda i: (i, 0)
_P1 = lambda i: (NB + i, 0)
_W0 = lambda i: (0, 0)

_LAYER_OUT = dict(
    out_specs=[
        pl.BlockSpec((BLK, H), _BH),
        pl.BlockSpec((8, H), _W0),
    ],
    out_shape=[
        jax.ShapeDtypeStruct((N, H), jnp.float32),
        jax.ShapeDtypeStruct((8, H), jnp.float32),
    ],
)


def _run_layer0(xp, part, eps, ba, wb, bb):
    return pl.pallas_call(
        _l0_body,
        grid=(NB,),
        in_specs=[
            pl.BlockSpec((BLK, H), _BH),
            pl.BlockSpec((BLK, H), _BH),
            pl.BlockSpec((BLK, H), _P1),
            pl.BlockSpec(memory_space=pltpu.SMEM),
            pl.BlockSpec((1, H), _W0),
            pl.BlockSpec((H, H), _W0),
            pl.BlockSpec((1, H), _W0),
        ],
        **_LAYER_OUT,
    )(xp, part, part, eps, ba, wb, bb)


def _run_layerk(h, part, eps, wa, ba, wb, bb):
    return pl.pallas_call(
        _lk_body,
        grid=(NB,),
        in_specs=[
            pl.BlockSpec((BLK, H), _BH),
            pl.BlockSpec((BLK, H), _BH),
            pl.BlockSpec((BLK, H), _P1),
            pl.BlockSpec(memory_space=pltpu.SMEM),
            pl.BlockSpec((H, H), _W0),
            pl.BlockSpec((1, H), _W0),
            pl.BlockSpec((H, H), _W0),
            pl.BlockSpec((1, H), _W0),
        ],
        **_LAYER_OUT,
    )(h, part, part, eps, wa, ba, wb, bb)


def _bn_coeffs(st_ref, g_ref, b_ref):
    mean = st_ref[0:1, :] * (1.0 / N)
    ex2 = st_ref[1:2, :] * (1.0 / N)
    var = ex2 - mean * mean
    scale = g_ref[...] * lax.rsqrt(var + 1e-5)
    shift = b_ref[...] - mean * scale
    return scale, shift


def _norm_body(u_ref, st_ref, g_ref, b_ref, o_ref):
    scale, shift = _bn_coeffs(st_ref, g_ref, b_ref)
    o_ref[...] = jnp.maximum(u_ref[...] * scale + shift, 0.0)


def _run_norm(u, st, g, b):
    return pl.pallas_call(
        _norm_body,
        grid=(NB,),
        in_specs=[
            pl.BlockSpec((BLK, H), _BH),
            pl.BlockSpec((8, H), _W0),
            pl.BlockSpec((1, H), _W0),
            pl.BlockSpec((1, H), _W0),
        ],
        out_specs=pl.BlockSpec((BLK, H), _BH),
        out_shape=jax.ShapeDtypeStruct((N, H), jnp.float32),
    )(u, st, g, b)


def _pool_body(u_ref, st_ref, g_ref, b_ref, bat_ref, o_ref):
    i = pl.program_id(0)
    scale, shift = _bn_coeffs(st_ref, g_ref, b_ref)
    h = jnp.maximum(u_ref[...] * scale + shift, 0.0)
    onehot = (bat_ref[0] == lax.broadcasted_iota(jnp.int32, (BLK, G), 1)
              ).astype(jnp.float32)

    @pl.when(i == 0)
    def _():
        o_ref[...] = jnp.zeros_like(o_ref)

    o_ref[...] += lax.dot_general(onehot, h, (((0,), (0,)), ((), ())),
                                  preferred_element_type=jnp.float32)


def _run_pool(u, st, g, b, batch3):
    return pl.pallas_call(
        _pool_body,
        grid=(NB,),
        in_specs=[
            pl.BlockSpec((BLK, H), _BH),
            pl.BlockSpec((8, H), _W0),
            pl.BlockSpec((1, H), _W0),
            pl.BlockSpec((1, H), _W0),
            pl.BlockSpec((1, BLK, 1), lambda i: (i, 0, 0)),
        ],
        out_specs=pl.BlockSpec((G, H), _W0),
        out_shape=jax.ShapeDtypeStruct((G, H), jnp.float32),
    )(u, st, g, b, batch3)


def kernel(x, edge_index, batch, params):
    src = edge_index[0]
    dst = edge_index[1]
    ppw = EPW - E // NW
    pad_dst = jnp.broadcast_to(N + (jnp.arange(ppw, dtype=jnp.int32) % 8),
                               (NW, ppw))
    src_p = jnp.concatenate(
        [src.reshape(NW, E // NW),
         jnp.zeros((NW, ppw), jnp.int32)], axis=1).reshape(-1, 2 * CH)
    dst_p = jnp.concatenate(
        [dst.reshape(NW, E // NW), pad_dst], axis=1).reshape(-1, CH)
    zeros = jnp.zeros((RPT, H), jnp.float32)
    batch3 = batch.reshape(NB, BLK, 1)

    def r1h(v):
        return v.reshape(1, H)

    xp = _proj(x, params["W0a"])
    agg = _get_sc_agg()
    part = agg(xp, src_p, dst_p, zeros)
    u, st = _run_layer0(xp, part, params["eps0"].reshape(1, 1),
                        r1h(params["b0a"]), params["W0b"], r1h(params["b0b"]))
    h = _run_norm(u, st, r1h(params["gamma0"]), r1h(params["beta0"]))

    for i in (1, 2):
        part = agg(h, src_p, dst_p, zeros)
        u, st = _run_layerk(h, part, params[f"eps{i}"].reshape(1, 1),
                            params[f"W{i}a"], r1h(params[f"b{i}a"]),
                            params[f"W{i}b"], r1h(params[f"b{i}b"]))
        if i < 2:
            h = _run_norm(u, st, r1h(params[f"gamma{i}"]),
                          r1h(params[f"beta{i}"]))

    return _run_pool(u, st, r1h(params["gamma2"]), r1h(params["beta2"]),
                     batch3)

# --- scband reference (transcript-rebuilt; emitter-appended) ---
"""Pipeline reference for scband-gin-76544907149365 (READ-ONLY COPY).

The authoritative reference and input builder live on the scoring server;
editing this copy changes nothing except your own understanding.
"""

import jax, jax.numpy as jnp
import numpy as np

N = 10000
E = 160000
F_IN = 256
H = 128
G = 128
NUM_LAYERS = 3


def setup_inputs(seed: int = 0) -> dict:
    key = jax.random.key(seed)
    k0, k1, k2 = jax.random.split(key, 3)
    x = jax.random.normal(k0, (N, F_IN), dtype=jnp.float32)
    edge_index = jax.random.randint(k1, (2, E), 0, N, dtype=jnp.int32)
    batch = jnp.sort(jax.random.randint(k2, (N,), 0, G, dtype=jnp.int32))
    params = {}
    dims = [(F_IN, H)] + [(H, H)] * (NUM_LAYERS - 1)
    for i, (din, dout) in enumerate(dims):
        ka, kb = jax.random.split(jax.random.fold_in(key, i + 10))
        params[f"W{i}a"] = jax.random.normal(ka, (din, dout), dtype=jnp.float32) * (1.0 / np.sqrt(din))
        params[f"b{i}a"] = jnp.zeros((dout,), dtype=jnp.float32)
        params[f"W{i}b"] = jax.random.normal(kb, (dout, dout), dtype=jnp.float32) * (1.0 / np.sqrt(dout))
        params[f"b{i}b"] = jnp.zeros((dout,), dtype=jnp.float32)
        params[f"eps{i}"] = jnp.zeros((), dtype=jnp.float32)  # train_eps=True, init 0
        params[f"gamma{i}"] = jnp.ones((dout,), dtype=jnp.float32)
        params[f"beta{i}"] = jnp.zeros((dout,), dtype=jnp.float32)
    return {"x": x, "edge_index": edge_index, "batch": batch, "params": params}


def _gin_forward(x, edge_index, batch, params):
    src = edge_index[0]
    dst = edge_index[1]
    h = x
    for i in range(NUM_LAYERS):
        # GINConv: mlp((1 + eps) * x + sum_{j in N(i)} x_j)
        agg = jax.ops.segment_sum(h[src], dst, num_segments=h.shape[0])
        h = (1.0 + params[f"eps{i}"]) * h + agg
        h = jnp.maximum(h @ params[f"W{i}a"] + params[f"b{i}a"], 0.0)
        h = h @ params[f"W{i}b"] + params[f"b{i}b"]
        # BatchNorm1d (training mode: batch statistics, biased variance)
        mean = jnp.mean(h, axis=0)
        var = jnp.var(h, axis=0)
        h = (h - mean) / jnp.sqrt(var + 1e-5) * params[f"gamma{i}"] + params[f"beta{i}"]
        h = jnp.maximum(h, 0.0)
    # global_add_pool over graph ids
    out = jax.ops.segment_sum(h, batch, num_segments=G)
    return out


def reference(x, edge_index, batch, params):
    return _gin_forward(x, edge_index, batch, params)

if __name__ == "__main__":
    import jax
    _d = setup_inputs()
    print(jax.jit(kernel)(*tuple(_d.values())))

</pallas_src>

<mosaic_0001>
#map = affine_map<(d0, d1) -> (0, 0)>
module attributes {stable_mosaic.version = 14 : i64} {
  func.func @_sc_segment_sum(%arg0: i32, %arg1: i32, %arg2: memref<10000x128xf32, #tpu.memory_space<hbm>>, %arg3: memref<1280x128xi32, #tpu.memory_space<hbm>>, %arg4: memref<2560x64xi32, #tpu.memory_space<hbm>>, %arg5: memref<624x128xf32, #tpu.memory_space<hbm>>, %arg6: memref<20000x128xf32, #tpu.memory_space<hbm>>, %arg7: memref<40x128xi32, #tpu.memory_space<vmem>>, %arg8: memref<80x64xi32, #tpu.memory_space<vmem>>, %arg9: memref<64x128xf32, #tpu.memory_space<vmem>>, %arg10: memref<64x128xf32, #tpu.memory_space<vmem>>, %arg11: memref<64x128xf32, #tpu.memory_space<vmem>>, %arg12: memref<64x128xf32, #tpu.memory_space<vmem>>, %arg13: memref<10008x128xf32, #tpu.memory_space<vmem_shared>>, %arg14: memref<!tpu.dma_semaphore, #tpu.memory_space<semaphore_mem>>, %arg15: memref<!tpu.dma_semaphore, #tpu.memory_space<semaphore_mem>>, %arg16: memref<!tpu.dma_semaphore, #tpu.memory_space<semaphore_mem>>, %arg17: memref<!tpu.dma_semaphore, #tpu.memory_space<semaphore_mem>>, %arg18: memref<!tpu.dma_semaphore, #tpu.memory_space<semaphore_mem>>, %arg19: memref<!tpu.dma_semaphore, #tpu.memory_space<semaphore_mem>>, %arg20: memref<!tpu.dma_semaphore, #tpu.memory_space<semaphore_mem>>, %arg21: memref<!tpu.dma_semaphore, #tpu.memory_space<semaphore_mem>>) attributes {dimension_semantics = [#tpu.dimension_semantics<core_parallel>, #tpu.dimension_semantics<subcore_parallel>], iteration_bounds = array<i64: 2, 16>, scalar_prefetch = 0 : i64, scratch_operands = 15 : i64, tpu.core_type = #tpu.core_type<sc_vector_subcore>, window_params = [{transform_indices = #map}, {transform_indices = #map}, {transform_indices = #map}, {transform_indices = #map}, {transform_indices = #map}]} {
    %mul3A = arith.constant 2 : i32
    %mul3A_0 = arith.muli %arg1, %mul3A : i32
    %add3A = arith.addi %mul3A_0, %arg0 : i32
    %mul3A_1 = arith.constant 40 : i32
    %mul3A_2 = arith.muli %add3A, %mul3A_1 : i32
    "tpu.region"() ({
      %run_scoped3A = tpu.sem_alloc : memref<!tpu.dma_semaphore, #tpu.memory_space<semaphore_mem>>
      %dma_start3A_74 = arith.constant 0 : i32
      %dma_start3A_75 = tpu.memref_slice %arg3[%mul3A_2, %dma_start3A_74] : memref<1280x128xi32, #tpu.memory_space<hbm>> -> memref<40x128xi32, #tpu.memory_space<hbm>>
      %dma_start3A_76 = arith.constant 0 : i32
      %dma_start3A_77 = tpu.memref_slice %arg3[%mul3A_2, %dma_start3A_76] : memref<1280x128xi32, #tpu.memory_space<hbm>> -> memref<40x128xi32, #tpu.memory_space<hbm>>
      tpu.enqueue_dma source(%dma_start3A_77 : memref<40x128xi32, #tpu.memory_space<hbm>>) target(%arg7 : memref<40x128xi32, #tpu.memory_space<vmem>>) target_semaphore(%run_scoped3A : memref<!tpu.dma_semaphore, #tpu.memory_space<semaphore_mem>>)
      %dma_wait3A_78 = arith.constant 0 : i32
      %dma_wait3A_79 = tpu.memref_slice %arg3[%mul3A_2, %dma_wait3A_78] : memref<1280x128xi32, #tpu.memory_space<hbm>> -> memref<40x128xi32, #tpu.memory_space<hbm>>
      %dma_wait3A_80 = arith.constant 0 : i32
      %dma_wait3A_81 = tpu.memref_slice %arg3[%mul3A_2, %dma_wait3A_80] : memref<1280x128xi32, #tpu.memory_space<hbm>> -> memref<40x128xi32, #tpu.memory_space<hbm>>
      tpu.wait_dma2 semaphore(%run_scoped3A : memref<!tpu.dma_semaphore, #tpu.memory_space<semaphore_mem>>) src(%dma_wait3A_81 : memref<40x128xi32, #tpu.memory_space<hbm>>) dst(%arg7 : memref<40x128xi32, #tpu.memory_space<vmem>>)
      tpu.yield
    }) : () -> ()
    %dma_start3A = arith.constant 0 : i32
    %dma_start3A_3 = arith.constant 0 : i32
    %dma_start3A_4 = tpu.memref_slice %arg7[%dma_start3A, %dma_start3A_3] : memref<40x128xi32, #tpu.memory_space<vmem>> -> memref<1x64xi32, #tpu.memory_space<vmem>>
    %dma_start3A_5 = tpu.memref_squeeze %dma_start3A_4 : memref<1x64xi32, #tpu.memory_space<vmem>> -> memref<64xi32, #tpu.memory_space<vmem>>
    %dma_start3A_6 = arith.constant 0 : i32
    %dma_start3A_7 = arith.constant 0 : i32
    %dma_start3A_8 = tpu.memref_slice %arg2[%dma_start3A_6, %dma_start3A_7] : memref<10000x128xf32, #tpu.memory_space<hbm>> -> memref<10000x128xf32, #tpu.memory_space<hbm>>
    tpu.enqueue_indirect_dma source(%dma_start3A_8 : memref<10000x128xf32, #tpu.memory_space<hbm>>) target(%arg9 : memref<64x128xf32, #tpu.memory_space<vmem>>) offsets(%dma_start3A_5 : memref<64xi32, #tpu.memory_space<vmem>>) semaphore(%arg14 : memref<!tpu.dma_semaphore, #tpu.memory_space<semaphore_mem>>)
    %dma_start3A_9 = arith.constant 0 : i32
    %dma_start3A_10 = arith.constant 64 : i32
    %dma_start3A_11 = tpu.memref_slice %arg7[%dma_start3A_9, %dma_start3A_10] : memref<40x128xi32, #tpu.memory_space<vmem>> -> memref<1x64xi32, #tpu.memory_space<vmem>>
    %dma_start3A_12 = tpu.memref_squeeze %dma_start3A_11 : memref<1x64xi32, #tpu.memory_space<vmem>> -> memref<64xi32, #tpu.memory_space<vmem>>
    %dma_start3A_13 = arith.constant 0 : i32
    %dma_start3A_14 = arith.constant 0 : i32
    %dma_start3A_15 = tpu.memref_slice %arg2[%dma_start3A_13, %dma_start3A_14] : memref<10000x128xf32, #tpu.memory_space<hbm>> -> memref<10000x128xf32, #tpu.memory_space<hbm>>
    tpu.enqueue_indirect_dma source(%dma_start3A_15 : memref<10000x128xf32, #tpu.memory_space<hbm>>) target(%arg10 : memref<64x128xf32, #tpu.memory_space<vmem>>) offsets(%dma_start3A_12 : memref<64xi32, #tpu.memory_space<vmem>>) semaphore(%arg15 : memref<!tpu.dma_semaphore, #tpu.memory_space<semaphore_mem>>)
    %dma_start3A_16 = arith.constant 1 : i32
    %dma_start3A_17 = arith.constant 0 : i32
    %dma_start3A_18 = tpu.memref_slice %arg7[%dma_start3A_16, %dma_start3A_17] : memref<40x128xi32, #tpu.memory_space<vmem>> -> memref<1x64xi32, #tpu.memory_space<vmem>>
    %dma_start3A_19 = tpu.memref_squeeze %dma_start3A_18 : memref<1x64xi32, #tpu.memory_space<vmem>> -> memref<64xi32, #tpu.memory_space<vmem>>
    %dma_start3A_20 = arith.constant 0 : i32
    %dma_start3A_21 = arith.constant 0 : i32
    %dma_start3A_22 = tpu.memref_slice %arg2[%dma_start3A_20, %dma_start3A_21] : memref<10000x128xf32, #tpu.memory_space<hbm>> -> memref<10000x128xf32, #tpu.memory_space<hbm>>
    tpu.enqueue_indirect_dma source(%dma_start3A_22 : memref<10000x128xf32, #tpu.memory_space<hbm>>) target(%arg11 : memref<64x128xf32, #tpu.memory_space<vmem>>) offsets(%dma_start3A_19 : memref<64xi32, #tpu.memory_space<vmem>>) semaphore(%arg16 : memref<!tpu.dma_semaphore, #tpu.memory_space<semaphore_mem>>)
    %mul3A_23 = arith.constant 80 : i32
    %mul3A_24 = arith.muli %add3A, %mul3A_23 : i32
    "tpu.region"() ({
      %run_scoped3A = tpu.sem_alloc : memref<!tpu.dma_semaphore, #tpu.memory_space<semaphore_mem>>
      %dma_start3A_74 = arith.constant 0 : i32
      %dma_start3A_75 = tpu.memref_slice %arg4[%mul3A_24, %dma_start3A_74] : memref<2560x64xi32, #tpu.memory_space<hbm>> -> memref<80x64xi32, #tpu.memory_space<hbm>>
      %dma_start3A_76 = arith.constant 0 : i32
      %dma_start3A_77 = tpu.memref_slice %arg4[%mul3A_24, %dma_start3A_76] : memref<2560x64xi32, #tpu.memory_space<hbm>> -> memref<80x64xi32, #tpu.memory_space<hbm>>
      tpu.enqueue_dma source(%dma_start3A_77 : memref<80x64xi32, #tpu.memory_space<hbm>>) target(%arg8 : memref<80x64xi32, #tpu.memory_space<vmem>>) target_semaphore(%run_scoped3A : memref<!tpu.dma_semaphore, #tpu.memory_space<semaphore_mem>>)
      %dma_wait3A_78 = arith.constant 0 : i32
      %dma_wait3A_79 = tpu.memref_slice %arg4[%mul3A_24, %dma_wait3A_78] : memref<2560x64xi32, #tpu.memory_space<hbm>> -> memref<80x64xi32, #tpu.memory_space<hbm>>
      %dma_wait3A_80 = arith.constant 0 : i32
      %dma_wait3A_81 = tpu.memref_slice %arg4[%mul3A_24, %dma_wait3A_80] : memref<2560x64xi32, #tpu.memory_space<hbm>> -> memref<80x64xi32, #tpu.memory_space<hbm>>
      tpu.wait_dma2 semaphore(%run_scoped3A : memref<!tpu.dma_semaphore, #tpu.memory_space<semaphore_mem>>) src(%dma_wait3A_81 : memref<80x64xi32, #tpu.memory_space<hbm>>) dst(%arg8 : memref<80x64xi32, #tpu.memory_space<vmem>>)
      tpu.yield
    }) : () -> ()
    %mul3A_25 = arith.constant 624 : i32
    %mul3A_26 = arith.muli %arg1, %mul3A_25 : i32
    "tpu.region"() ({
      %run_scoped3A = tpu.sem_alloc : memref<!tpu.dma_semaphore, #tpu.memory_space<semaphore_mem>>
      %dma_start3A_74 = arith.constant 0 : i32
      %dma_start3A_75 = tpu.memref_slice %arg13[%mul3A_26, %dma_start3A_74] : memref<10008x128xf32, #tpu.memory_space<vmem_shared>> -> memref<624x128xf32, #tpu.memory_space<vmem_shared>>
      tpu.enqueue_dma source(%arg5 : memref<624x128xf32, #tpu.memory_space<hbm>>) target(%dma_start3A_75 : memref<624x128xf32, #tpu.memory_space<vmem_shared>>) target_semaphore(%run_scoped3A : memref<!tpu.dma_semaphore, #tpu.memory_space<semaphore_mem>>)
      %dma_wait3A_76 = arith.constant 0 : i32
      %dma_wait3A_77 = tpu.memref_slice %arg13[%mul3A_26, %dma_wait3A_76] : memref<10008x128xf32, #tpu.memory_space<vmem_shared>> -> memref<624x128xf32, #tpu.memory_space<vmem_shared>>
      tpu.wait_dma2 semaphore(%run_scoped3A : memref<!tpu.dma_semaphore, #tpu.memory_space<semaphore_mem>>) src(%arg5 : memref<624x128xf32, #tpu.memory_space<hbm>>) dst(%dma_wait3A_77 : memref<624x128xf32, #tpu.memory_space<vmem_shared>>)
      tpu.yield
    }) : () -> ()
    %eq3A = arith.constant 15 : i32
    %eq3A_27 = arith.cmpi eq, %arg1, %eq3A : i32
    %convert_element_type3A = arith.extui %eq3A_27 : i1 to i32
    %cond3A = arith.constant 0 : i32
    %cond3A_28 = arith.cmpi ne, %convert_element_type3A, %cond3A : i32
    scf.if %cond3A_28 {
      "tpu.region"() ({
        %run_scoped3A = tpu.sem_alloc : memref<!tpu.dma_semaphore, #tpu.memory_space<semaphore_mem>>
        %dma_start3A_74 = arith.constant 9984 : i32
        %dma_start3A_75 = arith.constant 0 : i32
        %dma_start3A_76 = tpu.memref_slice %arg13[%dma_start3A_74, %dma_start3A_75] : memref<10008x128xf32, #tpu.memory_space<vmem_shared>> -> memref<16x128xf32, #tpu.memory_space<vmem_shared>>
        %dma_start3A_77 = arith.constant 0 : i32
        %dma_start3A_78 = arith.constant 0 : i32
        %dma_start3A_79 = tpu.memref_slice %arg5[%dma_start3A_77, %dma_start3A_78] : memref<624x128xf32, #tpu.memory_space<hbm>> -> memref<16x128xf32, #tpu.memory_space<hbm>>
        tpu.enqueue_dma source(%dma_start3A_79 : memref<16x128xf32, #tpu.memory_space<hbm>>) target(%dma_start3A_76 : memref<16x128xf32, #tpu.memory_space<vmem_shared>>) target_semaphore(%run_scoped3A : memref<!tpu.dma_semaphore, #tpu.memory_space<semaphore_mem>>)
        %dma_wait3A_80 = arith.constant 9984 : i32
        %dma_wait3A_81 = arith.constant 0 : i32
        %dma_wait3A_82 = tpu.memref_slice %arg13[%dma_wait3A_80, %dma_wait3A_81] : memref<10008x128xf32, #tpu.memory_space<vmem_shared>> -> memref<16x128xf32, #tpu.memory_space<vmem_shared>>
        %dma_wait3A_83 = arith.constant 0 : i32
        %dma_wait3A_84 = arith.constant 0 : i32
        %dma_wait3A_85 = tpu.memref_slice %arg5[%dma_wait3A_83, %dma_wait3A_84] : memref<624x128xf32, #tpu.memory_space<hbm>> -> memref<16x128xf32, #tpu.memory_space<hbm>>
        tpu.wait_dma2 semaphore(%run_scoped3A : memref<!tpu.dma_semaphore, #tpu.memory_space<semaphore_mem>>) src(%dma_wait3A_85 : memref<16x128xf32, #tpu.memory_space<hbm>>) dst(%dma_wait3A_82 : memref<16x128xf32, #tpu.memory_space<vmem_shared>>)
        tpu.yield
      }) : () -> ()
    } else {
    }
    %barrier3A = arith.constant 0 : index
    tpu.barrier barrier_id(%barrier3A)
    %scan3A = arith.constant 0 : i32
    %scan3A_29 = arith.constant 0 : i32
    %scan3A_30 = arith.constant 20 : i32
    %scan3A_31 = arith.addi %scan3A_29, %scan3A_30 : i32
    %scan3A_32 = arith.constant 1 : i32
    scf.for %scan3A_74 = %scan3A_29 to %scan3A_31 step %scan3A_32  : i32 {
      %mul3A_75 = arith.constant 4 : i32
      %mul3A_76 = arith.muli %mul3A_75, %scan3A_74 : i32
      %add3A_77 = arith.constant 0 : i32
      %add3A_78 = arith.addi %mul3A_76, %add3A_77 : i32
      %mul3A_79 = arith.constant 2 : i32
      %mul3A_80 = arith.muli %mul3A_79, %scan3A_74 : i32
      %add3A_81 = arith.constant 0 : i32
      %add3A_82 = arith.addi %mul3A_80, %add3A_81 : i32
      %mul3A_83 = arith.constant 4 : i32
      %mul3A_84 = arith.muli %mul3A_83, %scan3A_74 : i32
      %add3A_85 = arith.constant 0 : i32
      %add3A_86 = arith.addi %mul3A_84, %add3A_85 : i32
      %add3A_87 = arith.constant 3 : i32
      %add3A_88 = arith.addi %add3A_86, %add3A_87 : i32
      %jit3A = arith.constant 2 : i32
      %div3A = arith.divsi %add3A_88, %jit3A : i32
      %sign3A = arith.constant 0 : i32
      %sign3A_89 = arith.cmpi sgt, %add3A_88, %sign3A : i32
      %sign3A_90 = arith.extui %sign3A_89 : i1 to i32
      %sign3A_91 = arith.constant 0 : i32
      %sign3A_92 = arith.cmpi slt, %add3A_88, %sign3A_91 : i32
      %sign3A_93 = arith.extui %sign3A_92 : i1 to i32
      %sign3A_94 = arith.subi %sign3A_90, %sign3A_93 : i32
      %sign3A_95 = arith.constant 0 : i32
      %sign3A_96 = arith.cmpi sgt, %jit3A, %sign3A_95 : i32
      %sign3A_97 = arith.extui %sign3A_96 : i1 to i32
      %sign3A_98 = arith.constant 0 : i32
      %sign3A_99 = arith.cmpi slt, %jit3A, %sign3A_98 : i32
      %sign3A_100 = arith.extui %sign3A_99 : i1 to i32
      %sign3A_101 = arith.subi %sign3A_97, %sign3A_100 : i32
      %ne3A = arith.cmpi ne, %sign3A_94, %sign3A_101 : i32
      %rem3A = arith.remsi %add3A_88, %jit3A : i32
      %ne3A_102 = arith.constant 0 : i32
      %ne3A_103 = arith.cmpi ne, %rem3A, %ne3A_102 : i32
      %and3A = arith.andi %ne3A, %ne3A_103 : i1
      %sub3A = arith.constant 1 : i32
      %sub3A_104 = arith.subi %div3A, %sub3A : i32
      %select_n3A = arith.select %and3A, %sub3A_104, %div3A : i32
      %dma_wait3A_105 = arith.constant 0 : i32
      %dma_wait3A_106 = tpu.memref_slice %arg7[%add3A_82, %dma_wait3A_105] : memref<40x128xi32, #tpu.memory_space<vmem>> -> memref<1x64xi32, #tpu.memory_space<vmem>>
      %dma_wait3A_107 = tpu.memref_squeeze %dma_wait3A_106 : memref<1x64xi32, #tpu.memory_space<vmem>> -> memref<64xi32, #tpu.memory_space<vmem>>
      %dma_wait3A_108 = arith.constant 0 : i32
      %dma_wait3A_109 = arith.constant 0 : i32
      %dma_wait3A_110 = tpu.memref_slice %arg2[%dma_wait3A_108, %dma_wait3A_109] : memref<10000x128xf32, #tpu.memory_space<hbm>> -> memref<10000x128xf32, #tpu.memory_space<hbm>>
      tpu.wait_indirect_dma semaphore(%arg14 : memref<!tpu.dma_semaphore, #tpu.memory_space<semaphore_mem>>) src(%dma_wait3A_110 : memref<10000x128xf32, #tpu.memory_space<hbm>>) dst(%arg9 : memref<64x128xf32, #tpu.memory_space<vmem>>)
      %dma_start3A_111 = arith.constant 0 : i32
      %dma_start3A_112 = tpu.memref_slice %arg8[%add3A_78, %dma_start3A_111] : memref<80x64xi32, #tpu.memory_space<vmem>> -> memref<1x64xi32, #tpu.memory_space<vmem>>
      %dma_start3A_113 = tpu.memref_squeeze %dma_start3A_112 : memref<1x64xi32, #tpu.memory_space<vmem>> -> memref<64xi32, #tpu.memory_space<vmem>>
      %dma_start3A_114 = arith.constant 0 : i32
      %dma_start3A_115 = arith.constant 0 : i32
      %dma_start3A_116 = tpu.memref_slice %arg13[%dma_start3A_114, %dma_start3A_115] : memref<10008x128xf32, #tpu.memory_space<vmem_shared>> -> memref<10008x128xf32, #tpu.memory_space<vmem_shared>>
      tpu.enqueue_indirect_dma source(%arg9 : memref<64x128xf32, #tpu.memory_space<vmem>>) target(%dma_start3A_116 : memref<10008x128xf32, #tpu.memory_space<vmem_shared>>) offsets(%dma_start3A_113 : memref<64xi32, #tpu.memory_space<vmem>>) semaphore(%arg18 : memref<!tpu.dma_semaphore, #tpu.memory_space<semaphore_mem>>) {add = true}
      %add3A_117 = arith.constant 3 : i32
      %add3A_118 = arith.addi %add3A_78, %add3A_117 : i32
      %lt3A = arith.constant 80 : i32
      %lt3A_119 = arith.cmpi slt, %add3A_118, %lt3A : i32
      %ge3A = arith.constant 1 : i32
      %ge3A_120 = arith.cmpi sge, %add3A_78, %ge3A : i32
      %and3A_121 = arith.andi %lt3A_119, %ge3A_120 : i1
      %convert_element_type3A_122 = arith.extui %and3A_121 : i1 to i32
      %cond3A_123 = arith.constant 0 : i32
      %cond3A_124 = arith.cmpi ne, %convert_element_type3A_122, %cond3A_123 : i32
      scf.if %cond3A_124 {
        %sub3A_333 = arith.constant 1 : i32
        %sub3A_334 = arith.subi %add3A_78, %sub3A_333 : i32
        %dma_wait3A_335 = arith.constant 0 : i32
        %dma_wait3A_336 = tpu.memref_slice %arg8[%sub3A_334, %dma_wait3A_335] : memref<80x64xi32, #tpu.memory_space<vmem>> -> memref<1x64xi32, #tpu.memory_space<vmem>>
        %dma_wait3A_337 = tpu.memref_squeeze %dma_wait3A_336 : memref<1x64xi32, #tpu.memory_space<vmem>> -> memref<64xi32, #tpu.memory_space<vmem>>
        %dma_wait3A_338 = arith.constant 0 : i32
        %dma_wait3A_339 = arith.constant 0 : i32
        %dma_wait3A_340 = tpu.memref_slice %arg13[%dma_wait3A_338, %dma_wait3A_339] : memref<10008x128xf32, #tpu.memory_space<vmem_shared>> -> memref<10008x128xf32, #tpu.memory_space<vmem_shared>>
        tpu.wait_indirect_dma semaphore(%arg21 : memref<!tpu.dma_semaphore, #tpu.memory_space<semaphore_mem>>) src(%arg12 : memref<64x128xf32, #tpu.memory_space<vmem>>) dst(%dma_wait3A_340 : memref<10008x128xf32, #tpu.memory_space<vmem_shared>>)
      } else {
      }
      %add3A_125 = arith.constant 3 : i32
      %add3A_126 = arith.addi %add3A_78, %add3A_125 : i32
      %lt3A_127 = arith.constant 80 : i32
      %lt3A_128 = arith.cmpi slt, %add3A_126, %lt3A_127 : i32
      %convert_element_type3A_129 = arith.extui %lt3A_128 : i1 to i32
      %cond3A_130 = arith.constant 0 : i32
      %cond3A_131 = arith.cmpi ne, %convert_element_type3A_129, %cond3A_130 : i32
      scf.if %cond3A_131 {
        %dma_start3A_333 = arith.constant 64 : i32
        %dma_start3A_334 = tpu.memref_slice %arg7[%select_n3A, %dma_start3A_333] : memref<40x128xi32, #tpu.memory_space<vmem>> -> memref<1x64xi32, #tpu.memory_space<vmem>>
        %dma_start3A_335 = tpu.memref_squeeze %dma_start3A_334 : memref<1x64xi32, #tpu.memory_space<vmem>> -> memref<64xi32, #tpu.memory_space<vmem>>
        %dma_start3A_336 = arith.constant 0 : i32
        %dma_start3A_337 = arith.constant 0 : i32
        %dma_start3A_338 = tpu.memref_slice %arg2[%dma_start3A_336, %dma_start3A_337] : memref<10000x128xf32, #tpu.memory_space<hbm>> -> memref<10000x128xf32, #tpu.memory_space<hbm>>
        tpu.enqueue_indirect_dma source(%dma_start3A_338 : memref<10000x128xf32, #tpu.memory_space<hbm>>) target(%arg12 : memref<64x128xf32, #tpu.memory_space<vmem>>) offsets(%dma_start3A_335 : memref<64xi32, #tpu.memory_space<vmem>>) semaphore(%arg17 : memref<!tpu.dma_semaphore, #tpu.memory_space<semaphore_mem>>)
      } else {
      }
      %mul3A_132 = arith.constant 4 : i32
      %mul3A_133 = arith.muli %mul3A_132, %scan3A_74 : i32
      %add3A_134 = arith.constant 1 : i32
      %add3A_135 = arith.addi %mul3A_133, %add3A_134 : i32
      %mul3A_136 = arith.constant 2 : i32
      %mul3A_137 = arith.muli %mul3A_136, %scan3A_74 : i32
      %add3A_138 = arith.constant 0 : i32
      %add3A_139 = arith.addi %mul3A_137, %add3A_138 : i32
      %mul3A_140 = arith.constant 4 : i32
      %mul3A_141 = arith.muli %mul3A_140, %scan3A_74 : i32
      %add3A_142 = arith.constant 1 : i32
      %add3A_143 = arith.addi %mul3A_141, %add3A_142 : i32
      %add3A_144 = arith.constant 3 : i32
      %add3A_145 = arith.addi %add3A_143, %add3A_144 : i32
      %jit3A_146 = arith.constant 2 : i32
      %div3A_147 = arith.divsi %add3A_145, %jit3A_146 : i32
      %sign3A_148 = arith.constant 0 : i32
      %sign3A_149 = arith.cmpi sgt, %add3A_145, %sign3A_148 : i32
      %sign3A_150 = arith.extui %sign3A_149 : i1 to i32
      %sign3A_151 = arith.constant 0 : i32
      %sign3A_152 = arith.cmpi slt, %add3A_145, %sign3A_151 : i32
      %sign3A_153 = arith.extui %sign3A_152 : i1 to i32
      %sign3A_154 = arith.subi %sign3A_150, %sign3A_153 : i32
      %sign3A_155 = arith.constant 0 : i32
      %sign3A_156 = arith.cmpi sgt, %jit3A_146, %sign3A_155 : i32
      %sign3A_157 = arith.extui %sign3A_156 : i1 to i32
      %sign3A_158 = arith.constant 0 : i32
      %sign3A_159 = arith.cmpi slt, %jit3A_146, %sign3A_158 : i32
      %sign3A_160 = arith.extui %sign3A_159 : i1 to i32
      %sign3A_161 = arith.subi %sign3A_157, %sign3A_160 : i32
      %ne3A_162 = arith.cmpi ne, %sign3A_154, %sign3A_161 : i32
      %rem3A_163 = arith.remsi %add3A_145, %jit3A_146 : i32
      %ne3A_164 = arith.constant 0 : i32
      %ne3A_165 = arith.cmpi ne, %rem3A_163, %ne3A_164 : i32
      %and3A_166 = arith.andi %ne3A_162, %ne3A_165 : i1
      %sub3A_167 = arith.constant 1 : i32
      %sub3A_168 = arith.subi %div3A_147, %sub3A_167 : i32
      %select_n3A_169 = arith.select %and3A_166, %sub3A_168, %div3A_147 : i32
      %dma_wait3A_170 = arith.constant 64 : i32
      %dma_wait3A_171 = tpu.memref_slice %arg7[%add3A_139, %dma_wait3A_170] : memref<40x128xi32, #tpu.memory_space<vmem>> -> memref<1x64xi32, #tpu.memory_space<vmem>>
      %dma_wait3A_172 = tpu.memref_squeeze %dma_wait3A_171 : memref<1x64xi32, #tpu.memory_space<vmem>> -> memref<64xi32, #tpu.memory_space<vmem>>
      %dma_wait3A_173 = arith.constant 0 : i32
      %dma_wait3A_174 = arith.constant 0 : i32
      %dma_wait3A_175 = tpu.memref_slice %arg2[%dma_wait3A_173, %dma_wait3A_174] : memref<10000x128xf32, #tpu.memory_space<hbm>> -> memref<10000x128xf32, #tpu.memory_space<hbm>>
      tpu.wait_indirect_dma semaphore(%arg15 : memref<!tpu.dma_semaphore, #tpu.memory_space<semaphore_mem>>) src(%dma_wait3A_175 : memref<10000x128xf32, #tpu.memory_space<hbm>>) dst(%arg10 : memref<64x128xf32, #tpu.memory_space<vmem>>)
      %dma_start3A_176 = arith.constant 0 : i32
      %dma_start3A_177 = tpu.memref_slice %arg8[%add3A_135, %dma_start3A_176] : memref<80x64xi32, #tpu.memory_space<vmem>> -> memref<1x64xi32, #tpu.memory_space<vmem>>
      %dma_start3A_178 = tpu.memref_squeeze %dma_start3A_177 : memref<1x64xi32, #tpu.memory_space<vmem>> -> memref<64xi32, #tpu.memory_space<vmem>>
      %dma_start3A_179 = arith.constant 0 : i32
      %dma_start3A_180 = arith.constant 0 : i32
      %dma_start3A_181 = tpu.memref_slice %arg13[%dma_start3A_179, %dma_start3A_180] : memref<10008x128xf32, #tpu.memory_space<vmem_shared>> -> memref<10008x128xf32, #tpu.memory_space<vmem_shared>>
      tpu.enqueue_indirect_dma source(%arg10 : memref<64x128xf32, #tpu.memory_space<vmem>>) target(%dma_start3A_181 : memref<10008x128xf32, #tpu.memory_space<vmem_shared>>) offsets(%dma_start3A_178 : memref<64xi32, #tpu.memory_space<vmem>>) semaphore(%arg19 : memref<!tpu.dma_semaphore, #tpu.memory_space<semaphore_mem>>) {add = true}
      %add3A_182 = arith.constant 3 : i32
      %add3A_183 = arith.addi %add3A_135, %add3A_182 : i32
      %lt3A_184 = arith.constant 80 : i32
      %lt3A_185 = arith.cmpi slt, %add3A_183, %lt3A_184 : i32
      %ge3A_186 = arith.constant 1 : i32
      %ge3A_187 = arith.cmpi sge, %add3A_135, %ge3A_186 : i32
      %and3A_188 = arith.andi %lt3A_185, %ge3A_187 : i1
      %convert_element_type3A_189 = arith.extui %and3A_188 : i1 to i32
      %cond3A_190 = arith.constant 0 : i32
      %cond3A_191 = arith.cmpi ne, %convert_element_type3A_189, %cond3A_190 : i32
      scf.if %cond3A_191 {
        %sub3A_333 = arith.constant 1 : i32
        %sub3A_334 = arith.subi %add3A_135, %sub3A_333 : i32
        %dma_wait3A_335 = arith.constant 0 : i32
        %dma_wait3A_336 = tpu.memref_slice %arg8[%sub3A_334, %dma_wait3A_335] : memref<80x64xi32, #tpu.memory_space<vmem>> -> memref<1x64xi32, #tpu.memory_space<vmem>>
        %dma_wait3A_337 = tpu.memref_squeeze %dma_wait3A_336 : memref<1x64xi32, #tpu.memory_space<vmem>> -> memref<64xi32, #tpu.memory_space<vmem>>
        %dma_wait3A_338 = arith.constant 0 : i32
        %dma_wait3A_339 = arith.constant 0 : i32
        %dma_wait3A_340 = tpu.memref_slice %arg13[%dma_wait3A_338, %dma_wait3A_339] : memref<10008x128xf32, #tpu.memory_space<vmem_shared>> -> memref<10008x128xf32, #tpu.memory_space<vmem_shared>>
        tpu.wait_indirect_dma semaphore(%arg18 : memref<!tpu.dma_semaphore, #tpu.memory_space<semaphore_mem>>) src(%arg9 : memref<64x128xf32, #tpu.memory_space<vmem>>) dst(%dma_wait3A_340 : memref<10008x128xf32, #tpu.memory_space<vmem_shared>>)
      } else {
      }
      %add3A_192 = arith.constant 3 : i32
      %add3A_193 = arith.addi %add3A_135, %add3A_192 : i32
      %lt3A_194 = arith.constant 80 : i32
      %lt3A_195 = arith.cmpi slt, %add3A_193, %lt3A_194 : i32
      %convert_element_type3A_196 = arith.extui %lt3A_195 : i1 to i32
      %cond3A_197 = arith.constant 0 : i32
      %cond3A_198 = arith.cmpi ne, %convert_element_type3A_196, %cond3A_197 : i32
      scf.if %cond3A_198 {
        %dma_start3A_333 = arith.constant 0 : i32
        %dma_start3A_334 = tpu.memref_slice %arg7[%select_n3A_169, %dma_start3A_333] : memref<40x128xi32, #tpu.memory_space<vmem>> -> memref<1x64xi32, #tpu.memory_space<vmem>>
        %dma_start3A_335 = tpu.memref_squeeze %dma_start3A_334 : memref<1x64xi32, #tpu.memory_space<vmem>> -> memref<64xi32, #tpu.memory_space<vmem>>
        %dma_start3A_336 = arith.constant 0 : i32
        %dma_start3A_337 = arith.constant 0 : i32
        %dma_start3A_338 = tpu.memref_slice %arg2[%dma_start3A_336, %dma_start3A_337] : memref<10000x128xf32, #tpu.memory_space<hbm>> -> memref<10000x128xf32, #tpu.memory_space<hbm>>
        tpu.enqueue_indirect_dma source(%dma_start3A_338 : memref<10000x128xf32, #tpu.memory_space<hbm>>) target(%arg9 : memref<64x128xf32, #tpu.memory_space<vmem>>) offsets(%dma_start3A_335 : memref<64xi32, #tpu.memory_space<vmem>>) semaphore(%arg14 : memref<!tpu.dma_semaphore, #tpu.memory_space<semaphore_mem>>)
      } else {
      }
      %mul3A_199 = arith.constant 4 : i32
      %mul3A_200 = arith.muli %mul3A_199, %scan3A_74 : i32
      %add3A_201 = arith.constant 2 : i32
      %add3A_202 = arith.addi %mul3A_200, %add3A_201 : i32
      %mul3A_203 = arith.constant 2 : i32
      %mul3A_204 = arith.muli %mul3A_203, %scan3A_74 : i32
      %add3A_205 = arith.constant 1 : i32
      %add3A_206 = arith.addi %mul3A_204, %add3A_205 : i32
      %mul3A_207 = arith.constant 4 : i32
      %mul3A_208 = arith.muli %mul3A_207, %scan3A_74 : i32
      %add3A_209 = arith.constant 2 : i32
      %add3A_210 = arith.addi %mul3A_208, %add3A_209 : i32
      %add3A_211 = arith.constant 3 : i32
      %add3A_212 = arith.addi %add3A_210, %add3A_211 : i32
      %jit3A_213 = arith.constant 2 : i32
      %div3A_214 = arith.divsi %add3A_212, %jit3A_213 : i32
      %sign3A_215 = arith.constant 0 : i32
      %sign3A_216 = arith.cmpi sgt, %add3A_212, %sign3A_215 : i32
      %sign3A_217 = arith.extui %sign3A_216 : i1 to i32
      %sign3A_218 = arith.constant 0 : i32
      %sign3A_219 = arith.cmpi slt, %add3A_212, %sign3A_218 : i32
      %sign3A_220 = arith.extui %sign3A_219 : i1 to i32
      %sign3A_221 = arith.subi %sign3A_217, %sign3A_220 : i32
      %sign3A_222 = arith.constant 0 : i32
      %sign3A_223 = arith.cmpi sgt, %jit3A_213, %sign3A_222 : i32
      %sign3A_224 = arith.extui %sign3A_223 : i1 to i32
      %sign3A_225 = arith.constant 0 : i32
      %sign3A_226 = arith.cmpi slt, %jit3A_213, %sign3A_225 : i32
      %sign3A_227 = arith.extui %sign3A_226 : i1 to i32
      %sign3A_228 = arith.subi %sign3A_224, %sign3A_227 : i32
      %ne3A_229 = arith.cmpi ne, %sign3A_221, %sign3A_228 : i32
      %rem3A_230 = arith.remsi %add3A_212, %jit3A_213 : i32
      %ne3A_231 = arith.constant 0 : i32
      %ne3A_232 = arith.cmpi ne, %rem3A_230, %ne3A_231 : i32
      %and3A_233 = arith.andi %ne3A_229, %ne3A_232 : i1
      %sub3A_234 = arith.constant 1 : i32
      %sub3A_235 = arith.subi %div3A_214, %sub3A_234 : i32
      %select_n3A_236 = arith.select %and3A_233, %sub3A_235, %div3A_214 : i32
      %dma_wait3A_237 = arith.constant 0 : i32
      %dma_wait3A_238 = tpu.memref_slice %arg7[%add3A_206, %dma_wait3A_237] : memref<40x128xi32, #tpu.memory_space<vmem>> -> memref<1x64xi32, #tpu.memory_space<vmem>>
      %dma_wait3A_239 = tpu.memref_squeeze %dma_wait3A_238 : memref<1x64xi32, #tpu.memory_space<vmem>> -> memref<64xi32, #tpu.memory_space<vmem>>
      %dma_wait3A_240 = arith.constant 0 : i32
      %dma_wait3A_241 = arith.constant 0 : i32
      %dma_wait3A_242 = tpu.memref_slice %arg2[%dma_wait3A_240, %dma_wait3A_241] : memref<10000x128xf32, #tpu.memory_space<hbm>> -> memref<10000x128xf32, #tpu.memory_space<hbm>>
      tpu.wait_indirect_dma semaphore(%arg16 : memref<!tpu.dma_semaphore, #tpu.memory_space<semaphore_mem>>) src(%dma_wait3A_242 : memref<10000x128xf32, #tpu.memory_space<hbm>>) dst(%arg11 : memref<64x128xf32, #tpu.memory_space<vmem>>)
      %dma_start3A_243 = arith.constant 0 : i32
      %dma_start3A_244 = tpu.memref_slice %arg8[%add3A_202, %dma_start3A_243] : memref<80x64xi32, #tpu.memory_space<vmem>> -> memref<1x64xi32, #tpu.memory_space<vmem>>
      %dma_start3A_245 = tpu.memref_squeeze %dma_start3A_244 : memref<1x64xi32, #tpu.memory_space<vmem>> -> memref<64xi32, #tpu.memory_space<vmem>>
      %dma_start3A_246 = arith.constant 0 : i32
      %dma_start3A_247 = arith.constant 0 : i32
      %dma_start3A_248 = tpu.memref_slice %arg13[%dma_start3A_246, %dma_start3A_247] : memref<10008x128xf32, #tpu.memory_space<vmem_shared>> -> memref<10008x128xf32, #tpu.memory_space<vmem_shared>>
      tpu.enqueue_indirect_dma source(%arg11 : memref<64x128xf32, #tpu.memory_space<vmem>>) target(%dma_start3A_248 : memref<10008x128xf32, #tpu.memory_space<vmem_shared>>) offsets(%dma_start3A_245 : memref<64xi32, #tpu.memory_space<vmem>>) semaphore(%arg20 : memref<!tpu.dma_semaphore, #tpu.memory_space<semaphore_mem>>) {add = true}
      %add3A_249 = arith.constant 3 : i32
      %add3A_250 = arith.addi %add3A_202, %add3A_249 : i32
      %lt3A_251 = arith.constant 80 : i32
      %lt3A_252 = arith.cmpi slt, %add3A_250, %lt3A_251 : i32
      %ge3A_253 = arith.constant 1 : i32
      %ge3A_254 = arith.cmpi sge, %add3A_202, %ge3A_253 : i32
      %and3A_255 = arith.andi %lt3A_252, %ge3A_254 : i1
      %convert_element_type3A_256 = arith.extui %and3A_255 : i1 to i32
      %cond3A_257 = arith.constant 0 : i32
      %cond3A_258 = arith.cmpi ne, %convert_element_type3A_256, %cond3A_257 : i32
      scf.if %cond3A_258 {
        %sub3A_333 = arith.constant 1 : i32
        %sub3A_334 = arith.subi %add3A_202, %sub3A_333 : i32
        %dma_wait3A_335 = arith.constant 0 : i32
        %dma_wait3A_336 = tpu.memref_slice %arg8[%sub3A_334, %dma_wait3A_335] : memref<80x64xi32, #tpu.memory_space<vmem>> -> memref<1x64xi32, #tpu.memory_space<vmem>>
        %dma_wait3A_337 = tpu.memref_squeeze %dma_wait3A_336 : memref<1x64xi32, #tpu.memory_space<vmem>> -> memref<64xi32, #tpu.memory_space<vmem>>
        %dma_wait3A_338 = arith.constant 0 : i32
        %dma_wait3A_339 = arith.constant 0 : i32
        %dma_wait3A_340 = tpu.memref_slice %arg13[%dma_wait3A_338, %dma_wait3A_339] : memref<10008x128xf32, #tpu.memory_space<vmem_shared>> -> memref<10008x128xf32, #tpu.memory_space<vmem_shared>>
        tpu.wait_indirect_dma semaphore(%arg19 : memref<!tpu.dma_semaphore, #tpu.memory_space<semaphore_mem>>) src(%arg10 : memref<64x128xf32, #tpu.memory_space<vmem>>) dst(%dma_wait3A_340 : memref<10008x128xf32, #tpu.memory_space<vmem_shared>>)
      } else {
      }
      %add3A_259 = arith.constant 3 : i32
      %add3A_260 = arith.addi %add3A_202, %add3A_259 : i32
      %lt3A_261 = arith.constant 80 : i32
      %lt3A_262 = arith.cmpi slt, %add3A_260, %lt3A_261 : i32
      %convert_element_type3A_263 = arith.extui %lt3A_262 : i1 to i32
      %cond3A_264 = arith.constant 0 : i32
      %cond3A_265 = arith.cmpi ne, %convert_element_type3A_263, %cond3A_264 : i32
      scf.if %cond3A_265 {
        %dma_start3A_333 = arith.constant 64 : i32
        %dma_start3A_334 = tpu.memref_slice %arg7[%select_n3A_236, %dma_start3A_333] : memref<40x128xi32, #tpu.memory_space<vmem>> -> memref<1x64xi32, #tpu.memory_space<vmem>>
        %dma_start3A_335 = tpu.memref_squeeze %dma_start3A_334 : memref<1x64xi32, #tpu.memory_space<vmem>> -> memref<64xi32, #tpu.memory_space<vmem>>
        %dma_start3A_336 = arith.constant 0 : i32
        %dma_start3A_337 = arith.constant 0 : i32
        %dma_start3A_338 = tpu.memref_slice %arg2[%dma_start3A_336, %dma_start3A_337] : memref<10000x128xf32, #tpu.memory_space<hbm>> -> memref<10000x128xf32, #tpu.memory_space<hbm>>
        tpu.enqueue_indirect_dma source(%dma_start3A_338 : memref<10000x128xf32, #tpu.memory_space<hbm>>) target(%arg10 : memref<64x128xf32, #tpu.memory_space<vmem>>) offsets(%dma_start3A_335 : memref<64xi32, #tpu.memory_space<vmem>>) semaphore(%arg15 : memref<!tpu.dma_semaphore, #tpu.memory_space<semaphore_mem>>)
      } else {
      }
      %mul3A_266 = arith.constant 4 : i32
      %mul3A_267 = arith.muli %mul3A_266, %scan3A_74 : i32
      %add3A_268 = arith.constant 3 : i32
      %add3A_269 = arith.addi %mul3A_267, %add3A_268 : i32
      %mul3A_270 = arith.constant 2 : i32
      %mul3A_271 = arith.muli %mul3A_270, %scan3A_74 : i32
      %add3A_272 = arith.constant 1 : i32
      %add3A_273 = arith.addi %mul3A_271, %add3A_272 : i32
      %mul3A_274 = arith.constant 4 : i32
      %mul3A_275 = arith.muli %mul3A_274, %scan3A_74 : i32
      %add3A_276 = arith.constant 3 : i32
      %add3A_277 = arith.addi %mul3A_275, %add3A_276 : i32
      %add3A_278 = arith.constant 3 : i32
      %add3A_279 = arith.addi %add3A_277, %add3A_278 : i32
      %jit3A_280 = arith.constant 2 : i32
      %div3A_281 = arith.divsi %add3A_279, %jit3A_280 : i32
      %sign3A_282 = arith.constant 0 : i32
      %sign3A_283 = arith.cmpi sgt, %add3A_279, %sign3A_282 : i32
      %sign3A_284 = arith.extui %sign3A_283 : i1 to i32
      %sign3A_285 = arith.constant 0 : i32
      %sign3A_286 = arith.cmpi slt, %add3A_279, %sign3A_285 : i32
      %sign3A_287 = arith.extui %sign3A_286 : i1 to i32
      %sign3A_288 = arith.subi %sign3A_284, %sign3A_287 : i32
      %sign3A_289 = arith.constant 0 : i32
      %sign3A_290 = arith.cmpi sgt, %jit3A_280, %sign3A_289 : i32
      %sign3A_291 = arith.extui %sign3A_290 : i1 to i32
      %sign3A_292 = arith.constant 0 : i32
      %sign3A_293 = arith.cmpi slt, %jit3A_280, %sign3A_292 : i32
      %sign3A_294 = arith.extui %sign3A_293 : i1 to i32
      %sign3A_295 = arith.subi %sign3A_291, %sign3A_294 : i32
      %ne3A_296 = arith.cmpi ne, %sign3A_288, %sign3A_295 : i32
      %rem3A_297 = arith.remsi %add3A_279, %jit3A_280 : i32
      %ne3A_298 = arith.constant 0 : i32
      %ne3A_299 = arith.cmpi ne, %rem3A_297, %ne3A_298 : i32
      %and3A_300 = arith.andi %ne3A_296, %ne3A_299 : i1
      %sub3A_301 = arith.constant 1 : i32
      %sub3A_302 = arith.subi %div3A_281, %sub3A_301 : i32
      %select_n3A_303 = arith.select %and3A_300, %sub3A_302, %div3A_281 : i32
      %dma_wait3A_304 = arith.constant 64 : i32
      %dma_wait3A_305 = tpu.memref_slice %arg7[%add3A_273, %dma_wait3A_304] : memref<40x128xi32, #tpu.memory_space<vmem>> -> memref<1x64xi32, #tpu.memory_space<vmem>>
      %dma_wait3A_306 = tpu.memref_squeeze %dma_wait3A_305 : memref<1x64xi32, #tpu.memory_space<vmem>> -> memref<64xi32, #tpu.memory_space<vmem>>
      %dma_wait3A_307 = arith.constant 0 : i32
      %dma_wait3A_308 = arith.constant 0 : i32
      %dma_wait3A_309 = tpu.memref_slice %arg2[%dma_wait3A_307, %dma_wait3A_308] : memref<10000x128xf32, #tpu.memory_space<hbm>> -> memref<10000x128xf32, #tpu.memory_space<hbm>>
      tpu.wait_indirect_dma semaphore(%arg17 : memref<!tpu.dma_semaphore, #tpu.memory_space<semaphore_mem>>) src(%dma_wait3A_309 : memref<10000x128xf32, #tpu.memory_space<hbm>>) dst(%arg12 : memref<64x128xf32, #tpu.memory_space<vmem>>)
      %dma_start3A_310 = arith.constant 0 : i32
      %dma_start3A_311 = tpu.memref_slice %arg8[%add3A_269, %dma_start3A_310] : memref<80x64xi32, #tpu.memory_space<vmem>> -> memref<1x64xi32, #tpu.memory_space<vmem>>
      %dma_start3A_312 = tpu.memref_squeeze %dma_start3A_311 : memref<1x64xi32, #tpu.memory_space<vmem>> -> memref<64xi32, #tpu.memory_space<vmem>>
      %dma_start3A_313 = arith.constant 0 : i32
      %dma_start3A_314 = arith.constant 0 : i32
      %dma_start3A_315 = tpu.memref_slice %arg13[%dma_start3A_313, %dma_start3A_314] : memref<10008x128xf32, #tpu.memory_space<vmem_shared>> -> memref<10008x128xf32, #tpu.memory_space<vmem_shared>>
      tpu.enqueue_indirect_dma source(%arg12 : memref<64x128xf32, #tpu.memory_space<vmem>>) target(%dma_start3A_315 : memref<10008x128xf32, #tpu.memory_space<vmem_shared>>) offsets(%dma_start3A_312 : memref<64xi32, #tpu.memory_space<vmem>>) semaphore(%arg21 : memref<!tpu.dma_semaphore, #tpu.memory_space<semaphore_mem>>) {add = true}
      %add3A_316 = arith.constant 3 : i32
      %add3A_317 = arith.addi %add3A_269, %add3A_316 : i32
      %lt3A_318 = arith.constant 80 : i32
      %lt3A_319 = arith.cmpi slt, %add3A_317, %lt3A_318 : i32
      %ge3A_320 = arith.constant 1 : i32
      %ge3A_321 = arith.cmpi sge, %add3A_269, %ge3A_320 : i32
      %and3A_322 = arith.andi %lt3A_319, %ge3A_321 : i1
      %convert_element_type3A_323 = arith.extui %and3A_322 : i1 to i32
      %cond3A_324 = arith.constant 0 : i32
      %cond3A_325 = arith.cmpi ne, %convert_element_type3A_323, %cond3A_324 : i32
      scf.if %cond3A_325 {
        %sub3A_333 = arith.constant 1 : i32
        %sub3A_334 = arith.subi %add3A_269, %sub3A_333 : i32
        %dma_wait3A_335 = arith.constant 0 : i32
        %dma_wait3A_336 = tpu.memref_slice %arg8[%sub3A_334, %dma_wait3A_335] : memref<80x64xi32, #tpu.memory_space<vmem>> -> memref<1x64xi32, #tpu.memory_space<vmem>>
        %dma_wait3A_337 = tpu.memref_squeeze %dma_wait3A_336 : memref<1x64xi32, #tpu.memory_space<vmem>> -> memref<64xi32, #tpu.memory_space<vmem>>
        %dma_wait3A_338 = arith.constant 0 : i32
        %dma_wait3A_339 = arith.constant 0 : i32
        %dma_wait3A_340 = tpu.memref_slice %arg13[%dma_wait3A_338, %dma_wait3A_339] : memref<10008x128xf32, #tpu.memory_space<vmem_shared>> -> memref<10008x128xf32, #tpu.memory_space<vmem_shared>>
        tpu.wait_indirect_dma semaphore(%arg20 : memref<!tpu.dma_semaphore, #tpu.memory_space<semaphore_mem>>) src(%arg11 : memref<64x128xf32, #tpu.memory_space<vmem>>) dst(%dma_wait3A_340 : memref<10008x128xf32, #tpu.memory_space<vmem_shared>>)
      } else {
      }
      %add3A_326 = arith.constant 3 : i32
      %add3A_327 = arith.addi %add3A_269, %add3A_326 : i32
      %lt3A_328 = arith.constant 80 : i32
      %lt3A_329 = arith.cmpi slt, %add3A_327, %lt3A_328 : i32
      %convert_element_type3A_330 = arith.extui %lt3A_329 : i1 to i32
      %cond3A_331 = arith.constant 0 : i32
      %cond3A_332 = arith.cmpi ne, %convert_element_type3A_330, %cond3A_331 : i32
      scf.if %cond3A_332 {
        %dma_start3A_333 = arith.constant 0 : i32
        %dma_start3A_334 = tpu.memref_slice %arg7[%select_n3A_303, %dma_start3A_333] : memref<40x128xi32, #tpu.memory_space<vmem>> -> memref<1x64xi32, #tpu.memory_space<vmem>>
        %dma_start3A_335 = tpu.memref_squeeze %dma_start3A_334 : memref<1x64xi32, #tpu.memory_space<vmem>> -> memref<64xi32, #tpu.memory_space<vmem>>
        %dma_start3A_336 = arith.constant 0 : i32
        %dma_start3A_337 = arith.constant 0 : i32
        %dma_start3A_338 = tpu.memref_slice %arg2[%dma_start3A_336, %dma_start3A_337] : memref<10000x128xf32, #tpu.memory_space<hbm>> -> memref<10000x128xf32, #tpu.memory_space<hbm>>
        tpu.enqueue_indirect_dma source(%dma_start3A_338 : memref<10000x128xf32, #tpu.memory_space<hbm>>) target(%arg11 : memref<64x128xf32, #tpu.memory_space<vmem>>) offsets(%dma_start3A_335 : memref<64xi32, #tpu.memory_space<vmem>>) semaphore(%arg16 : memref<!tpu.dma_semaphore, #tpu.memory_space<semaphore_mem>>)
      } else {
      }
    }
    %scan3A_33 = arith.constant 20 : i32
    %dma_wait3A = arith.constant 76 : i32
    %dma_wait3A_34 = arith.constant 0 : i32
    %dma_wait3A_35 = tpu.memref_slice %arg8[%dma_wait3A, %dma_wait3A_34] : memref<80x64xi32, #tpu.memory_space<vmem>> -> memref<1x64xi32, #tpu.memory_space<vmem>>
    %dma_wait3A_36 = tpu.memref_squeeze %dma_wait3A_35 : memref<1x64xi32, #tpu.memory_space<vmem>> -> memref<64xi32, #tpu.memory_space<vmem>>
    %dma_wait3A_37 = arith.constant 0 : i32
    %dma_wait3A_38 = arith.constant 0 : i32
    %dma_wait3A_39 = tpu.memref_slice %arg13[%dma_wait3A_37, %dma_wait3A_38] : memref<10008x128xf32, #tpu.memory_space<vmem_shared>> -> memref<10008x128xf32, #tpu.memory_space<vmem_shared>>
    tpu.wait_indirect_dma semaphore(%arg18 : memref<!tpu.dma_semaphore, #tpu.memory_space<semaphore_mem>>) src(%arg9 : memref<64x128xf32, #tpu.memory_space<vmem>>) dst(%dma_wait3A_39 : memref<10008x128xf32, #tpu.memory_space<vmem_shared>>)
    %dma_wait3A_40 = arith.constant 77 : i32
    %dma_wait3A_41 = arith.constant 0 : i32
    %dma_wait3A_42 = tpu.memref_slice %arg8[%dma_wait3A_40, %dma_wait3A_41] : memref<80x64xi32, #tpu.memory_space<vmem>> -> memref<1x64xi32, #tpu.memory_space<vmem>>
    %dma_wait3A_43 = tpu.memref_squeeze %dma_wait3A_42 : memref<1x64xi32, #tpu.memory_space<vmem>> -> memref<64xi32, #tpu.memory_space<vmem>>
    %dma_wait3A_44 = arith.constant 0 : i32
    %dma_wait3A_45 = arith.constant 0 : i32
    %dma_wait3A_46 = tpu.memref_slice %arg13[%dma_wait3A_44, %dma_wait3A_45] : memref<10008x128xf32, #tpu.memory_space<vmem_shared>> -> memref<10008x128xf32, #tpu.memory_space<vmem_shared>>
    tpu.wait_indirect_dma semaphore(%arg19 : memref<!tpu.dma_semaphore, #tpu.memory_space<semaphore_mem>>) src(%arg10 : memref<64x128xf32, #tpu.memory_space<vmem>>) dst(%dma_wait3A_46 : memref<10008x128xf32, #tpu.memory_space<vmem_shared>>)
    %dma_wait3A_47 = arith.constant 78 : i32
    %dma_wait3A_48 = arith.constant 0 : i32
    %dma_wait3A_49 = tpu.memref_slice %arg8[%dma_wait3A_47, %dma_wait3A_48] : memref<80x64xi32, #tpu.memory_space<vmem>> -> memref<1x64xi32, #tpu.memory_space<vmem>>
    %dma_wait3A_50 = tpu.memref_squeeze %dma_wait3A_49 : memref<1x64xi32, #tpu.memory_space<vmem>> -> memref<64xi32, #tpu.memory_space<vmem>>
    %dma_wait3A_51 = arith.constant 0 : i32
    %dma_wait3A_52 = arith.constant 0 : i32
    %dma_wait3A_53 = tpu.memref_slice %arg13[%dma_wait3A_51, %dma_wait3A_52] : memref<10008x128xf32, #tpu.memory_space<vmem_shared>> -> memref<10008x128xf32, #tpu.memory_space<vmem_shared>>
    tpu.wait_indirect_dma semaphore(%arg20 : memref<!tpu.dma_semaphore, #tpu.memory_space<semaphore_mem>>) src(%arg11 : memref<64x128xf32, #tpu.memory_space<vmem>>) dst(%dma_wait3A_53 : memref<10008x128xf32, #tpu.memory_space<vmem_shared>>)
    %dma_wait3A_54 = arith.constant 79 : i32
    %dma_wait3A_55 = arith.constant 0 : i32
    %dma_wait3A_56 = tpu.memref_slice %arg8[%dma_wait3A_54, %dma_wait3A_55] : memref<80x64xi32, #tpu.memory_space<vmem>> -> memref<1x64xi32, #tpu.memory_space<vmem>>
    %dma_wait3A_57 = tpu.memref_squeeze %dma_wait3A_56 : memref<1x64xi32, #tpu.memory_space<vmem>> -> memref<64xi32, #tpu.memory_space<vmem>>
    %dma_wait3A_58 = arith.constant 0 : i32
    %dma_wait3A_59 = arith.constant 0 : i32
    %dma_wait3A_60 = tpu.memref_slice %arg13[%dma_wait3A_58, %dma_wait3A_59] : memref<10008x128xf32, #tpu.memory_space<vmem_shared>> -> memref<10008x128xf32, #tpu.memory_space<vmem_shared>>
    tpu.wait_indirect_dma semaphore(%arg21 : memref<!tpu.dma_semaphore, #tpu.memory_space<semaphore_mem>>) src(%arg12 : memref<64x128xf32, #tpu.memory_space<vmem>>) dst(%dma_wait3A_60 : memref<10008x128xf32, #tpu.memory_space<vmem_shared>>)
    %barrier3A_61 = arith.constant 0 : index
    tpu.barrier barrier_id(%barrier3A_61)
    %mul3A_62 = arith.constant 624 : i32
    %mul3A_63 = arith.muli %arg1, %mul3A_62 : i32
    %mul3A_64 = arith.constant 10000 : i32
    %mul3A_65 = arith.muli %arg0, %mul3A_64 : i32
    %mul3A_66 = arith.constant 624 : i32
    %mul3A_67 = arith.muli %arg1, %mul3A_66 : i32
    %add3A_68 = arith.addi %mul3A_65, %mul3A_67 : i32
    "tpu.region"() ({
      %run_scoped3A = tpu.sem_alloc : memref<!tpu.dma_semaphore, #tpu.memory_space<semaphore_mem>>
      %dma_start3A_74 = arith.constant 0 : i32
      %dma_start3A_75 = tpu.memref_slice %arg6[%add3A_68, %dma_start3A_74] : memref<20000x128xf32, #tpu.memory_space<hbm>> -> memref<624x128xf32, #tpu.memory_space<hbm>>
      %dma_start3A_76 = arith.constant 0 : i32
      %dma_start3A_77 = tpu.memref_slice %arg13[%mul3A_63, %dma_start3A_76] : memref<10008x128xf32, #tpu.memory_space<vmem_shared>> -> memref<624x128xf32, #tpu.memory_space<vmem_shared>>
      tpu.enqueue_dma source(%dma_start3A_77 : memref<624x128xf32, #tpu.memory_space<vmem_shared>>) target(%dma_start3A_75 : memref<624x128xf32, #tpu.memory_space<hbm>>) target_semaphore(%run_scoped3A : memref<!tpu.dma_semaphore, #tpu.memory_space<semaphore_mem>>)
      %dma_wait3A_78 = arith.constant 0 : i32
      %dma_wait3A_79 = tpu.memref_slice %arg6[%add3A_68, %dma_wait3A_78] : memref<20000x128xf32, #tpu.memory_space<hbm>> -> memref<624x128xf32, #tpu.memory_space<hbm>>
      %dma_wait3A_80 = arith.constant 0 : i32
      %dma_wait3A_81 = tpu.memref_slice %arg13[%mul3A_63, %dma_wait3A_80] : memref<10008x128xf32, #tpu.memory_space<vmem_shared>> -> memref<624x128xf32, #tpu.memory_space<vmem_shared>>
      tpu.wait_dma2 semaphore(%run_scoped3A : memref<!tpu.dma_semaphore, #tpu.memory_space<semaphore_mem>>) src(%dma_wait3A_81 : memref<624x128xf32, #tpu.memory_space<vmem_shared>>) dst(%dma_wait3A_79 : memref<624x128xf32, #tpu.memory_space<hbm>>)
      tpu.yield
    }) : () -> ()
    %eq3A_69 = arith.constant 15 : i32
    %eq3A_70 = arith.cmpi eq, %arg1, %eq3A_69 : i32
    %convert_element_type3A_71 = arith.extui %eq3A_70 : i1 to i32
    %cond3A_72 = arith.constant 0 : i32
    %cond3A_73 = arith.cmpi ne, %convert_element_type3A_71, %cond3A_72 : i32
    scf.if %cond3A_73 {
      %mul3A_74 = arith.constant 10000 : i32
      %mul3A_75 = arith.muli %arg0, %mul3A_74 : i32
      %add3A_76 = arith.constant 9984 : i32
      %add3A_77 = arith.addi %mul3A_75, %add3A_76 : i32
      "tpu.region"() ({
        %run_scoped3A = tpu.sem_alloc : memref<!tpu.dma_semaphore, #tpu.memory_space<semaphore_mem>>
        %dma_start3A_78 = arith.constant 0 : i32
        %dma_start3A_79 = tpu.memref_slice %arg6[%add3A_77, %dma_start3A_78] : memref<20000x128xf32, #tpu.memory_space<hbm>> -> memref<16x128xf32, #tpu.memory_space<hbm>>
        %dma_start3A_80 = arith.constant 9984 : i32
        %dma_start3A_81 = arith.constant 0 : i32
        %dma_start3A_82 = tpu.memref_slice %arg13[%dma_start3A_80, %dma_start3A_81] : memref<10008x128xf32, #tpu.memory_space<vmem_shared>> -> memref<16x128xf32, #tpu.memory_space<vmem_shared>>
        tpu.enqueue_dma source(%dma_start3A_82 : memref<16x128xf32, #tpu.memory_space<vmem_shared>>) target(%dma_start3A_79 : memref<16x128xf32, #tpu.memory_space<hbm>>) target_semaphore(%run_scoped3A : memref<!tpu.dma_semaphore, #tpu.memory_space<semaphore_mem>>)
        %dma_wait3A_83 = arith.constant 0 : i32
        %dma_wait3A_84 = tpu.memref_slice %arg6[%add3A_77, %dma_wait3A_83] : memref<20000x128xf32, #tpu.memory_space<hbm>> -> memref<16x128xf32, #tpu.memory_space<hbm>>
        %dma_wait3A_85 = arith.constant 9984 : i32
        %dma_wait3A_86 = arith.constant 0 : i32
        %dma_wait3A_87 = tpu.memref_slice %arg13[%dma_wait3A_85, %dma_wait3A_86] : memref<10008x128xf32, #tpu.memory_space<vmem_shared>> -> memref<16x128xf32, #tpu.memory_space<vmem_shared>>
        tpu.wait_dma2 semaphore(%run_scoped3A : memref<!tpu.dma_semaphore, #tpu.memory_space<semaphore_mem>>) src(%dma_wait3A_87 : memref<16x128xf32, #tpu.memory_space<vmem_shared>>) dst(%dma_wait3A_84 : memref<16x128xf32, #tpu.memory_space<hbm>>)
        tpu.yield
      }) : () -> ()
    } else {
    }
    return
  }
}

#map = affine_map<(d0, d1) -> (0, 0)>
module attributes {stable_mosaic.version = 14 : i64} {
  func.func @_sc_segment_sum(%arg0: i32, %arg1: i32, %arg2: memref<10000x128xf32, #tpu.memory_space<hbm>>, %arg3: memref<1280x128xi32, #tpu.memory_space<hbm>>, %arg4: memref<2560x64xi32, #tpu.memory_space<hbm>>, %arg5: memref<624x128xf32, #tpu.memory_space<hbm>>, %arg6: memref<20000x128xf32, #tpu.memory_space<hbm>>, %arg7: memref<40x128xi32, #tpu.memory_space<vmem>>, %arg8: memref<80x64xi32, #tpu.memory_space<vmem>>, %arg9: memref<64x128xf32, #tpu.memory_space<vmem>>, %arg10: memref<64x128xf32, #tpu.memory_space<vmem>>, %arg11: memref<64x128xf32, #tpu.memory_space<vmem>>, %arg12: memref<64x128xf32, #tpu.memory_space<vmem>>, %arg13: memref<10008x128xf32, #tpu.memory_space<vmem_shared>>, %arg14: memref<!tpu.dma_semaphore, #tpu.memory_space<semaphore_mem>>, %arg15: memref<!tpu.dma_semaphore, #tpu.memory_space<semaphore_mem>>, %arg16: memref<!tpu.dma_semaphore, #tpu.memory_space<semaphore_mem>>, %arg17: memref<!tpu.dma_semaphore, #tpu.memory_space<semaphore_mem>>, %arg18: memref<!tpu.dma_semaphore, #tpu.memory_space<semaphore_mem>>, %arg19: memref<!tpu.dma_semaphore, #tpu.memory_space<semaphore_mem>>, %arg20: memref<!tpu.dma_semaphore, #tpu.memory_space<semaphore_mem>>, %arg21: memref<!tpu.dma_semaphore, #tpu.memory_space<semaphore_mem>>) attributes {dimension_semantics = [#tpu.dimension_semantics<core_parallel>, #tpu.dimension_semantics<subcore_parallel>], iteration_bounds = array<i64: 2, 16>, scalar_prefetch = 0 : i64, scratch_operands = 15 : i64, tpu.core_type = #tpu.core_type<sc_vector_subcore>, window_params = [{transform_indices = #map}, {transform_indices = #map}, {transform_indices = #map}, {transform_indices = #map}, {transform_indices = #map}]} {
    %mul3A = arith.constant 2 : i32
    %mul3A_0 = arith.muli %arg1, %mul3A : i32
    %add3A = arith.addi %mul3A_0, %arg0 : i32
    %mul3A_1 = arith.constant 40 : i32
    %mul3A_2 = arith.muli %add3A, %mul3A_1 : i32
    "tpu.region"() ({
      %run_scoped3A = tpu.sem_alloc : memref<!tpu.dma_semaphore, #tpu.memory_space<semaphore_mem>>
      %dma_start3A_74 = arith.constant 0 : i32
      %dma_start3A_75 = tpu.memref_slice %arg3[%mul3A_2, %dma_start3A_74] : memref<1280x128xi32, #tpu.memory_space<hbm>> -> memref<40x128xi32, #tpu.memory_space<hbm>>
      %dma_start3A_76 = arith.constant 0 : i32
      %dma_start3A_77 = tpu.memref_slice %arg3[%mul3A_2, %dma_start3A_76] : memref<1280x128xi32, #tpu.memory_space<hbm>> -> memref<40x128xi32, #tpu.memory_space<hbm>>
      tpu.enqueue_dma source(%dma_start3A_77 : memref<40x128xi32, #tpu.memory_space<hbm>>) target(%arg7 : memref<40x128xi32, #tpu.memory_space<vmem>>) target_semaphore(%run_scoped3A : memref<!tpu.dma_semaphore, #tpu.memory_space<semaphore_mem>>)
      %dma_wait3A_78 = arith.constant 0 : i32
      %dma_wait3A_79 = tpu.memref_slice %arg3[%mul3A_2, %dma_wait3A_78] : memref<1280x128xi32, #tpu.memory_space<hbm>> -> memref<40x128xi32, #tpu.memory_space<hbm>>
      %dma_wait3A_80 = arith.constant 0 : i32
      %dma_wait3A_81 = tpu.memref_slice %arg3[%mul3A_2, %dma_wait3A_80] : memref<1280x128xi32, #tpu.memory_space<hbm>> -> memref<40x128xi32, #tpu.memory_space<hbm>>
      tpu.wait_dma2 semaphore(%run_scoped3A : memref<!tpu.dma_semaphore, #tpu.memory_space<semaphore_mem>>) src(%dma_wait3A_81 : memref<40x128xi32, #tpu.memory_space<hbm>>) dst(%arg7 : memref<40x128xi32, #tpu.memory_space<vmem>>)
      tpu.yield
    }) : () -> ()
    %dma_start3A = arith.constant 0 : i32
    %dma_start3A_3 = arith.constant 0 : i32
    %dma_start3A_4 = tpu.memref_slice %arg7[%dma_start3A, %dma_start3A_3] : memref<40x128xi32, #tpu.memory_space<vmem>> -> memref<1x64xi32, #tpu.memory_space<vmem>>
    %dma_start3A_5 = tpu.memref_squeeze %dma_start3A_4 : memref<1x64xi32, #tpu.memory_space<vmem>> -> memref<64xi32, #tpu.memory_space<vmem>>
    %dma_start3A_6 = arith.constant 0 : i32
    %dma_start3A_7 = arith.constant 0 : i32
    %dma_start3A_8 = tpu.memref_slice %arg2[%dma_start3A_6, %dma_start3A_7] : memref<10000x128xf32, #tpu.memory_space<hbm>> -> memref<10000x128xf32, #tpu.memory_space<hbm>>
    tpu.enqueue_indirect_dma source(%dma_start3A_8 : memref<10000x128xf32, #tpu.memory_space<hbm>>) target(%arg9 : memref<64x128xf32, #tpu.memory_space<vmem>>) offsets(%dma_start3A_5 : memref<64xi32, #tpu.memory_space<vmem>>) semaphore(%arg14 : memref<!tpu.dma_semaphore, #tpu.memory_space<semaphore_mem>>)
    %dma_start3A_9 = arith.constant 0 : i32
    %dma_start3A_10 = arith.constant 64 : i32
    %dma_start3A_11 = tpu.memref_slice %arg7[%dma_start3A_9, %dma_start3A_10] : memref<40x128xi32, #tpu.memory_space<vmem>> -> memref<1x64xi32, #tpu.memory_space<vmem>>
    %dma_start3A_12 = tpu.memref_squeeze %dma_start3A_11 : memref<1x64xi32, #tpu.memory_space<vmem>> -> memref<64xi32, #tpu.memory_space<vmem>>
    %dma_start3A_13 = arith.constant 0 : i32
    %dma_start3A_14 = arith.constant 0 : i32
    %dma_start3A_15 = tpu.memref_slice %arg2[%dma_start3A_13, %dma_start3A_14] : memref<10000x128xf32, #tpu.memory_space<hbm>> -> memref<10000x128xf32, #tpu.memory_space<hbm>>
    tpu.enqueue_indirect_dma source(%dma_start3A_15 : memref<10000x128xf32, #tpu.memory_space<hbm>>) target(%arg10 : memref<64x128xf32, #tpu.memory_space<vmem>>) offsets(%dma_start3A_12 : memref<64xi32, #tpu.memory_space<vmem>>) semaphore(%arg15 : memref<!tpu.dma_semaphore, #tpu.memory_space<semaphore_mem>>)
    %dma_start3A_16 = arith.constant 1 : i32
    %dma_start3A_17 = arith.constant 0 : i32
    %dma_start3A_18 = tpu.memref_slice %arg7[%dma_start3A_16, %dma_start3A_17] : memref<40x128xi32, #tpu.memory_space<vmem>> -> memref<1x64xi32, #tpu.memory_space<vmem>>
    %dma_start3A_19 = tpu.memref_squeeze %dma_start3A_18 : memref<1x64xi32, #tpu.memory_space<vmem>> -> memref<64xi32, #tpu.memory_space<vmem>>
    %dma_start3A_20 = arith.constant 0 : i32
    %dma_start3A_21 = arith.constant 0 : i32
    %dma_start3A_22 = tpu.memref_slice %arg2[%dma_start3A_20, %dma_start3A_21] : memref<10000x128xf32, #tpu.memory_space<hbm>> -> memref<10000x128xf32, #tpu.memory_space<hbm>>
    tpu.enqueue_indirect_dma source(%dma_start3A_22 : memref<10000x128xf32, #tpu.memory_space<hbm>>) target(%arg11 : memref<64x128xf32, #tpu.memory_space<vmem>>) offsets(%dma_start3A_19 : memref<64xi32, #tpu.memory_space<vmem>>) semaphore(%arg16 : memref<!tpu.dma_semaphore, #tpu.memory_space<semaphore_mem>>)
    %mul3A_23 = arith.constant 80 : i32
    %mul3A_24 = arith.muli %add3A, %mul3A_23 : i32
    "tpu.region"() ({
      %run_scoped3A = tpu.sem_alloc : memref<!tpu.dma_semaphore, #tpu.memory_space<semaphore_mem>>
      %dma_start3A_74 = arith.constant 0 : i32
      %dma_start3A_75 = tpu.memref_slice %arg4[%mul3A_24, %dma_start3A_74] : memref<2560x64xi32, #tpu.memory_space<hbm>> -> memref<80x64xi32, #tpu.memory_space<hbm>>
      %dma_start3A_76 = arith.constant 0 : i32
      %dma_start3A_77 = tpu.memref_slice %arg4[%mul3A_24, %dma_start3A_76] : memref<2560x64xi32, #tpu.memory_space<hbm>> -> memref<80x64xi32, #tpu.memory_space<hbm>>
      tpu.enqueue_dma source(%dma_start3A_77 : memref<80x64xi32, #tpu.memory_space<hbm>>) target(%arg8 : memref<80x64xi32, #tpu.memory_space<vmem>>) target_semaphore(%run_scoped3A : memref<!tpu.dma_semaphore, #tpu.memory_space<semaphore_mem>>)
      %dma_wait3A_78 = arith.constant 0 : i32
      %dma_wait3A_79 = tpu.memref_slice %arg4[%mul3A_24, %dma_wait3A_78] : memref<2560x64xi32, #tpu.memory_space<hbm>> -> memref<80x64xi32, #tpu.memory_space<hbm>>
      %dma_wait3A_80 = arith.constant 0 : i32
      %dma_wait3A_81 = tpu.memref_slice %arg4[%mul3A_24, %dma_wait3A_80] : memref<2560x64xi32, #tpu.memory_space<hbm>> -> memref<80x64xi32, #tpu.memory_space<hbm>>
      tpu.wait_dma2 semaphore(%run_scoped3A : memref<!tpu.dma_semaphore, #tpu.memory_space<semaphore_mem>>) src(%dma_wait3A_81 : memref<80x64xi32, #tpu.memory_space<hbm>>) dst(%arg8 : memref<80x64xi32, #tpu.memory_space<vmem>>)
      tpu.yield
    }) : () -> ()
    %mul3A_25 = arith.constant 624 : i32
    %mul3A_26 = arith.muli %arg1, %mul3A_25 : i32
    "tpu.region"() ({
      %run_scoped3A = tpu.sem_alloc : memref<!tpu.dma_semaphore, #tpu.memory_space<semaphore_mem>>
      %dma_start3A_74 = arith.constant 0 : i32
      %dma_start3A_75 = tpu.memref_slice %arg13[%mul3A_26, %dma_start3A_74] : memref<10008x128xf32, #tpu.memory_space<vmem_shared>> -> memref<624x128xf32, #tpu.memory_space<vmem_shared>>
      tpu.enqueue_dma source(%arg5 : memref<624x128xf32, #tpu.memory_space<hbm>>) target(%dma_start3A_75 : memref<624x128xf32, #tpu.memory_space<vmem_shared>>) target_semaphore(%run_scoped3A : memref<!tpu.dma_semaphore, #tpu.memory_space<semaphore_mem>>)
      %dma_wait3A_76 = arith.constant 0 : i32
      %dma_wait3A_77 = tpu.memref_slice %arg13[%mul3A_26, %dma_wait3A_76] : memref<10008x128xf32, #tpu.memory_space<vmem_shared>> -> memref<624x128xf32, #tpu.memory_space<vmem_shared>>
      tpu.wait_dma2 semaphore(%run_scoped3A : memref<!tpu.dma_semaphore, #tpu.memory_space<semaphore_mem>>) src(%arg5 : memref<624x128xf32, #tpu.memory_space<hbm>>) dst(%dma_wait3A_77 : memref<624x128xf32, #tpu.memory_space<vmem_shared>>)
      tpu.yield
    }) : () -> ()
    %eq3A = arith.constant 15 : i32
    %eq3A_27 = arith.cmpi eq, %arg1, %eq3A : i32
    %convert_element_type3A = arith.extui %eq3A_27 : i1 to i32
    %cond3A = arith.constant 0 : i32
    %cond3A_28 = arith.cmpi ne, %convert_element_type3A, %cond3A : i32
    scf.if %cond3A_28 {
      "tpu.region"() ({
        %run_scoped3A = tpu.sem_alloc : memref<!tpu.dma_semaphore, #tpu.memory_space<semaphore_mem>>
        %dma_start3A_74 = arith.constant 9984 : i32
        %dma_start3A_75 = arith.constant 0 : i32
        %dma_start3A_76 = tpu.memref_slice %arg13[%dma_start3A_74, %dma_start3A_75] : memref<10008x128xf32, #tpu.memory_space<vmem_shared>> -> memref<16x128xf32, #tpu.memory_space<vmem_shared>>
        %dma_start3A_77 = arith.constant 0 : i32
        %dma_start3A_78 = arith.constant 0 : i32
        %dma_start3A_79 = tpu.memref_slice %arg5[%dma_start3A_77, %dma_start3A_78] : memref<624x128xf32, #tpu.memory_space<hbm>> -> memref<16x128xf32, #tpu.memory_space<hbm>>
        tpu.enqueue_dma source(%dma_start3A_79 : memref<16x128xf32, #tpu.memory_space<hbm>>) target(%dma_start3A_76 : memref<16x128xf32, #tpu.memory_space<vmem_shared>>) target_semaphore(%run_scoped3A : memref<!tpu.dma_semaphore, #tpu.memory_space<semaphore_mem>>)
        %dma_wait3A_80 = arith.constant 9984 : i32
        %dma_wait3A_81 = arith.constant 0 : i32
        %dma_wait3A_82 = tpu.memref_slice %arg13[%dma_wait3A_80, %dma_wait3A_81] : memref<10008x128xf32, #tpu.memory_space<vmem_shared>> -> memref<16x128xf32, #tpu.memory_space<vmem_shared>>
        %dma_wait3A_83 = arith.constant 0 : i32
        %dma_wait3A_84 = arith.constant 0 : i32
        %dma_wait3A_85 = tpu.memref_slice %arg5[%dma_wait3A_83, %dma_wait3A_84] : memref<624x128xf32, #tpu.memory_space<hbm>> -> memref<16x128xf32, #tpu.memory_space<hbm>>
        tpu.wait_dma2 semaphore(%run_scoped3A : memref<!tpu.dma_semaphore, #tpu.memory_space<semaphore_mem>>) src(%dma_wait3A_85 : memref<16x128xf32, #tpu.memory_space<hbm>>) dst(%dma_wait3A_82 : memref<16x128xf32, #tpu.memory_space<vmem_shared>>)
        tpu.yield
      }) : () -> ()
    } else {
    }
    %barrier3A = arith.constant 0 : index
    tpu.barrier barrier_id(%barrier3A)
    %scan3A = arith.constant 0 : i32
    %scan3A_29 = arith.constant 0 : i32
    %scan3A_30 = arith.constant 20 : i32
    %scan3A_31 = arith.addi %scan3A_29, %scan3A_30 : i32
    %scan3A_32 = arith.constant 1 : i32
    scf.for %scan3A_74 = %scan3A_29 to %scan3A_31 step %scan3A_32  : i32 {
      %mul3A_75 = arith.constant 4 : i32
      %mul3A_76 = arith.muli %mul3A_75, %scan3A_74 : i32
      %add3A_77 = arith.constant 0 : i32
      %add3A_78 = arith.addi %mul3A_76, %add3A_77 : i32
      %mul3A_79 = arith.constant 2 : i32
      %mul3A_80 = arith.muli %mul3A_79, %scan3A_74 : i32
      %add3A_81 = arith.constant 0 : i32
      %add3A_82 = arith.addi %mul3A_80, %add3A_81 : i32
      %mul3A_83 = arith.constant 4 : i32
      %mul3A_84 = arith.muli %mul3A_83, %scan3A_74 : i32
      %add3A_85 = arith.constant 0 : i32
      %add3A_86 = arith.addi %mul3A_84, %add3A_85 : i32
      %add3A_87 = arith.constant 3 : i32
      %add3A_88 = arith.addi %add3A_86, %add3A_87 : i32
      %jit3A = arith.constant 2 : i32
      %div3A = arith.divsi %add3A_88, %jit3A : i32
      %sign3A = arith.constant 0 : i32
      %sign3A_89 = arith.cmpi sgt, %add3A_88, %sign3A : i32
      %sign3A_90 = arith.extui %sign3A_89 : i1 to i32
      %sign3A_91 = arith.constant 0 : i32
      %sign3A_92 = arith.cmpi slt, %add3A_88, %sign3A_91 : i32
      %sign3A_93 = arith.extui %sign3A_92 : i1 to i32
      %sign3A_94 = arith.subi %sign3A_90, %sign3A_93 : i32
      %sign3A_95 = arith.constant 0 : i32
      %sign3A_96 = arith.cmpi sgt, %jit3A, %sign3A_95 : i32
      %sign3A_97 = arith.extui %sign3A_96 : i1 to i32
      %sign3A_98 = arith.constant 0 : i32
      %sign3A_99 = arith.cmpi slt, %jit3A, %sign3A_98 : i32
      %sign3A_100 = arith.extui %sign3A_99 : i1 to i32
      %sign3A_101 = arith.subi %sign3A_97, %sign3A_100 : i32
      %ne3A = arith.cmpi ne, %sign3A_94, %sign3A_101 : i32
      %rem3A = arith.remsi %add3A_88, %jit3A : i32
      %ne3A_102 = arith.constant 0 : i32
      %ne3A_103 = arith.cmpi ne, %rem3A, %ne3A_102 : i32
      %and3A = arith.andi %ne3A, %ne3A_103 : i1
      %sub3A = arith.constant 1 : i32
      %sub3A_104 = arith.subi %div3A, %sub3A : i32
      %select_n3A = arith.select %and3A, %sub3A_104, %div3A : i32
      %dma_wait3A_105 = arith.constant 0 : i32
      %dma_wait3A_106 = tpu.memref_slice %arg7[%add3A_82, %dma_wait3A_105] : memref<40x128xi32, #tpu.memory_space<vmem>> -> memref<1x64xi32, #tpu.memory_space<vmem>>
      %dma_wait3A_107 = tpu.memref_squeeze %dma_wait3A_106 : memref<1x64xi32, #tpu.memory_space<vmem>> -> memref<64xi32, #tpu.memory_space<vmem>>
      %dma_wait3A_108 = arith.constant 0 : i32
      %dma_wait3A_109 = arith.constant 0 : i32
      %dma_wait3A_110 = tpu.memref_slice %arg2[%dma_wait3A_108, %dma_wait3A_109] : memref<10000x128xf32, #tpu.memory_space<hbm>> -> memref<10000x128xf32, #tpu.memory_space<hbm>>
      tpu.wait_indirect_dma semaphore(%arg14 : memref<!tpu.dma_semaphore, #tpu.memory_space<semaphore_mem>>) src(%dma_wait3A_110 : memref<10000x128xf32, #tpu.memory_space<hbm>>) dst(%arg9 : memref<64x128xf32, #tpu.memory_space<vmem>>)
      %dma_start3A_111 = arith.constant 0 : i32
      %dma_start3A_112 = tpu.memref_slice %arg8[%add3A_78, %dma_start3A_111] : memref<80x64xi32, #tpu.memory_space<vmem>> -> memref<1x64xi32, #tpu.memory_space<vmem>>
      %dma_start3A_113 = tpu.memref_squeeze %dma_start3A_112 : memref<1x64xi32, #tpu.memory_space<vmem>> -> memref<64xi32, #tpu.memory_space<vmem>>
      %dma_start3A_114 = arith.constant 0 : i32
      %dma_start3A_115 = arith.constant 0 : i32
      %dma_start3A_116 = tpu.memref_slice %arg13[%dma_start3A_114, %dma_start3A_115] : memref<10008x128xf32, #tpu.memory_space<vmem_shared>> -> memref<10008x128xf32, #tpu.memory_space<vmem_shared>>
      tpu.enqueue_indirect_dma source(%arg9 : memref<64x128xf32, #tpu.memory_space<vmem>>) target(%dma_start3A_116 : memref<10008x128xf32, #tpu.memory_space<vmem_shared>>) offsets(%dma_start3A_113 : memref<64xi32, #tpu.memory_space<vmem>>) semaphore(%arg18 : memref<!tpu.dma_semaphore, #tpu.memory_space<semaphore_mem>>) {add = true}
      %add3A_117 = arith.constant 3 : i32
      %add3A_118 = arith.addi %add3A_78, %add3A_117 : i32
      %lt3A = arith.constant 80 : i32
      %lt3A_119 = arith.cmpi slt, %add3A_118, %lt3A : i32
      %ge3A = arith.constant 1 : i32
      %ge3A_120 = arith.cmpi sge, %add3A_78, %ge3A : i32
      %and3A_121 = arith.andi %lt3A_119, %ge3A_120 : i1
      %convert_element_type3A_122 = arith.extui %and3A_121 : i1 to i32
      %cond3A_123 = arith.constant 0 : i32
      %cond3A_124 = arith.cmpi ne, %convert_element_type3A_122, %cond3A_123 : i32
      scf.if %cond3A_124 {
        %sub3A_333 = arith.constant 1 : i32
        %sub3A_334 = arith.subi %add3A_78, %sub3A_333 : i32
        %dma_wait3A_335 = arith.constant 0 : i32
        %dma_wait3A_336 = tpu.memref_slice %arg8[%sub3A_334, %dma_wait3A_335] : memref<80x64xi32, #tpu.memory_space<vmem>> -> memref<1x64xi32, #tpu.memory_space<vmem>>
        %dma_wait3A_337 = tpu.memref_squeeze %dma_wait3A_336 : memref<1x64xi32, #tpu.memory_space<vmem>> -> memref<64xi32, #tpu.memory_space<vmem>>
        %dma_wait3A_338 = arith.constant 0 : i32
        %dma_wait3A_339 = arith.constant 0 : i32
        %dma_wait3A_340 = tpu.memref_slice %arg13[%dma_wait3A_338, %dma_wait3A_339] : memref<10008x128xf32, #tpu.memory_space<vmem_shared>> -> memref<10008x128xf32, #tpu.memory_space<vmem_shared>>
        tpu.wait_indirect_dma semaphore(%arg21 : memref<!tpu.dma_semaphore, #tpu.memory_space<semaphore_mem>>) src(%arg12 : memref<64x128xf32, #tpu.memory_space<vmem>>) dst(%dma_wait3A_340 : memref<10008x128xf32, #tpu.memory_space<vmem_shared>>)
      } else {
      }
      %add3A_125 = arith.constant 3 : i32
      %add3A_126 = arith.addi %add3A_78, %add3A_125 : i32
      %lt3A_127 = arith.constant 80 : i32
      %lt3A_128 = arith.cmpi slt, %add3A_126, %lt3A_127 : i32
      %convert_element_type3A_129 = arith.extui %lt3A_128 : i1 to i32
      %cond3A_130 = arith.constant 0 : i32
      %cond3A_131 = arith.cmpi ne, %convert_element_type3A_129, %cond3A_130 : i32
      scf.if %cond3A_131 {
        %dma_start3A_333 = arith.constant 64 : i32
        %dma_start3A_334 = tpu.memref_slice %arg7[%select_n3A, %dma_start3A_333] : memref<40x128xi32, #tpu.memory_space<vmem>> -> memref<1x64xi32, #tpu.memory_space<vmem>>
        %dma_start3A_335 = tpu.memref_squeeze %dma_start3A_334 : memref<1x64xi32, #tpu.memory_space<vmem>> -> memref<64xi32, #tpu.memory_space<vmem>>
        %dma_start3A_336 = arith.constant 0 : i32
        %dma_start3A_337 = arith.constant 0 : i32
        %dma_start3A_338 = tpu.memref_slice %arg2[%dma_start3A_336, %dma_start3A_337] : memref<10000x128xf32, #tpu.memory_space<hbm>> -> memref<10000x128xf32, #tpu.memory_space<hbm>>
        tpu.enqueue_indirect_dma source(%dma_start3A_338 : memref<10000x128xf32, #tpu.memory_space<hbm>>) target(%arg12 : memref<64x128xf32, #tpu.memory_space<vmem>>) offsets(%dma_start3A_335 : memref<64xi32, #tpu.memory_space<vmem>>) semaphore(%arg17 : memref<!tpu.dma_semaphore, #tpu.memory_space<semaphore_mem>>)
      } else {
      }
      %mul3A_132 = arith.constant 4 : i32
      %mul3A_133 = arith.muli %mul3A_132, %scan3A_74 : i32
      %add3A_134 = arith.constant 1 : i32
      %add3A_135 = arith.addi %mul3A_133, %add3A_134 : i32
      %mul3A_136 = arith.constant 2 : i32
      %mul3A_137 = arith.muli %mul3A_136, %scan3A_74 : i32
      %add3A_138 = arith.constant 0 : i32
      %add3A_139 = arith.addi %mul3A_137, %add3A_138 : i32
      %mul3A_140 = arith.constant 4 : i32
      %mul3A_141 = arith.muli %mul3A_140, %scan3A_74 : i32
      %add3A_142 = arith.constant 1 : i32
      %add3A_143 = arith.addi %mul3A_141, %add3A_142 : i32
      %add3A_144 = arith.constant 3 : i32
      %add3A_145 = arith.addi %add3A_143, %add3A_144 : i32
      %jit3A_146 = arith.constant 2 : i32
      %div3A_147 = arith.divsi %add3A_145, %jit3A_146 : i32
      %sign3A_148 = arith.constant 0 : i32
      %sign3A_149 = arith.cmpi sgt, %add3A_145, %sign3A_148 : i32
      %sign3A_150 = arith.extui %sign3A_149 : i1 to i32
      %sign3A_151 = arith.constant 0 : i32
      %sign3A_152 = arith.cmpi slt, %add3A_145, %sign3A_151 : i32
      %sign3A_153 = arith.extui %sign3A_152 : i1 to i32
      %sign3A_154 = arith.subi %sign3A_150, %sign3A_153 : i32
      %sign3A_155 = arith.constant 0 : i32
      %sign3A_156 = arith.cmpi sgt, %jit3A_146, %sign3A_155 : i32
      %sign3A_157 = arith.extui %sign3A_156 : i1 to i32
      %sign3A_158 = arith.constant 0 : i32
      %sign3A_159 = arith.cmpi slt, %jit3A_146, %sign3A_158 : i32
      %sign3A_160 = arith.extui %sign3A_159 : i1 to i32
      %sign3A_161 = arith.subi %sign3A_157, %sign3A_160 : i32
      %ne3A_162 = arith.cmpi ne, %sign3A_154, %sign3A_161 : i32
      %rem3A_163 = arith.remsi %add3A_145, %jit3A_146 : i32
      %ne3A_164 = arith.constant 0 : i32
      %ne3A_165 = arith.cmpi ne, %rem3A_163, %ne3A_164 : i32
      %and3A_166 = arith.andi %ne3A_162, %ne3A_165 : i1
      %sub3A_167 = arith.constant 1 : i32
      %sub3A_168 = arith.subi %div3A_147, %sub3A_167 : i32
      %select_n3A_169 = arith.select %and3A_166, %sub3A_168, %div3A_147 : i32
      %dma_wait3A_170 = arith.constant 64 : i32
      %dma_wait3A_171 = tpu.memref_slice %arg7[%add3A_139, %dma_wait3A_170] : memref<40x128xi32, #tpu.memory_space<vmem>> -> memref<1x64xi32, #tpu.memory_space<vmem>>
      %dma_wait3A_172 = tpu.memref_squeeze %dma_wait3A_171 : memref<1x64xi32, #tpu.memory_space<vmem>> -> memref<64xi32, #tpu.memory_space<vmem>>
      %dma_wait3A_173 = arith.constant 0 : i32
      %dma_wait3A_174 = arith.constant 0 : i32
      %dma_wait3A_175 = tpu.memref_slice %arg2[%dma_wait3A_173, %dma_wait3A_174] : memref<10000x128xf32, #tpu.memory_space<hbm>> -> memref<10000x128xf32, #tpu.memory_space<hbm>>
      tpu.wait_indirect_dma semaphore(%arg15 : memref<!tpu.dma_semaphore, #tpu.memory_space<semaphore_mem>>) src(%dma_wait3A_175 : memref<10000x128xf32, #tpu.memory_space<hbm>>) dst(%arg10 : memref<64x128xf32, #tpu.memory_space<vmem>>)
      %dma_start3A_176 = arith.constant 0 : i32
      %dma_start3A_177 = tpu.memref_slice %arg8[%add3A_135, %dma_start3A_176] : memref<80x64xi32, #tpu.memory_space<vmem>> -> memref<1x64xi32, #tpu.memory_space<vmem>>
      %dma_start3A_178 = tpu.memref_squeeze %dma_start3A_177 : memref<1x64xi32, #tpu.memory_space<vmem>> -> memref<64xi32, #tpu.memory_space<vmem>>
      %dma_start3A_179 = arith.constant 0 : i32
      %dma_start3A_180 = arith.constant 0 : i32
      %dma_start3A_181 = tpu.memref_slice %arg13[%dma_start3A_179, %dma_start3A_180] : memref<10008x128xf32, #tpu.memory_space<vmem_shared>> -> memref<10008x128xf32, #tpu.memory_space<vmem_shared>>
      tpu.enqueue_indirect_dma source(%arg10 : memref<64x128xf32, #tpu.memory_space<vmem>>) target(%dma_start3A_181 : memref<10008x128xf32, #tpu.memory_space<vmem_shared>>) offsets(%dma_start3A_178 : memref<64xi32, #tpu.memory_space<vmem>>) semaphore(%arg19 : memref<!tpu.dma_semaphore, #tpu.memory_space<semaphore_mem>>) {add = true}
      %add3A_182 = arith.constant 3 : i32
      %add3A_183 = arith.addi %add3A_135, %add3A_182 : i32
      %lt3A_184 = arith.constant 80 : i32
      %lt3A_185 = arith.cmpi slt, %add3A_183, %lt3A_184 : i32
      %ge3A_186 = arith.constant 1 : i32
      %ge3A_187 = arith.cmpi sge, %add3A_135, %ge3A_186 : i32
      %and3A_188 = arith.andi %lt3A_185, %ge3A_187 : i1
      %convert_element_type3A_189 = arith.extui %and3A_188 : i1 to i32
      %cond3A_190 = arith.constant 0 : i32
      %cond3A_191 = arith.cmpi ne, %convert_element_type3A_189, %cond3A_190 : i32
      scf.if %cond3A_191 {
        %sub3A_333 = arith.constant 1 : i32
        %sub3A_334 = arith.subi %add3A_135, %sub3A_333 : i32
        %dma_wait3A_335 = arith.constant 0 : i32
        %dma_wait3A_336 = tpu.memref_slice %arg8[%sub3A_334, %dma_wait3A_335] : memref<80x64xi32, #tpu.memory_space<vmem>> -> memref<1x64xi32, #tpu.memory_space<vmem>>
        %dma_wait3A_337 = tpu.memref_squeeze %dma_wait3A_336 : memref<1x64xi32, #tpu.memory_space<vmem>> -> memref<64xi32, #tpu.memory_space<vmem>>
        %dma_wait3A_338 = arith.constant 0 : i32
        %dma_wait3A_339 = arith.constant 0 : i32
        %dma_wait3A_340 = tpu.memref_slice %arg13[%dma_wait3A_338, %dma_wait3A_339] : memref<10008x128xf32, #tpu.memory_space<vmem_shared>> -> memref<10008x128xf32, #tpu.memory_space<vmem_shared>>
        tpu.wait_indirect_dma semaphore(%arg18 : memref<!tpu.dma_semaphore, #tpu.memory_space<semaphore_mem>>) src(%arg9 : memref<64x128xf32, #tpu.memory_space<vmem>>) dst(%dma_wait3A_340 : memref<10008x128xf32, #tpu.memory_space<vmem_shared>>)
      } else {
      }
      %add3A_192 = arith.constant 3 : i32
      %add3A_193 = arith.addi %add3A_135, %add3A_192 : i32
      %lt3A_194 = arith.constant 80 : i32
      %lt3A_195 = arith.cmpi slt, %add3A_193, %lt3A_194 : i32
      %convert_element_type3A_196 = arith.extui %lt3A_195 : i1 to i32
      %cond3A_197 = arith.constant 0 : i32
      %cond3A_198 = arith.cmpi ne, %convert_element_type3A_196, %cond3A_197 : i32
      scf.if %cond3A_198 {
        %dma_start3A_333 = arith.constant 0 : i32
        %dma_start3A_334 = tpu.memref_slice %arg7[%select_n3A_169, %dma_start3A_333] : memref<40x128xi32, #tpu.memory_space<vmem>> -> memref<1x64xi32, #tpu.memory_space<vmem>>
        %dma_start3A_335 = tpu.memref_squeeze %dma_start3A_334 : memref<1x64xi32, #tpu.memory_space<vmem>> -> memref<64xi32, #tpu.memory_space<vmem>>
        %dma_start3A_336 = arith.constant 0 : i32
        %dma_start3A_337 = arith.constant 0 : i32
        %dma_start3A_338 = tpu.memref_slice %arg2[%dma_start3A_336, %dma_start3A_337] : memref<10000x128xf32, #tpu.memory_space<hbm>> -> memref<10000x128xf32, #tpu.memory_space<hbm>>
        tpu.enqueue_indirect_dma source(%dma_start3A_338 : memref<10000x128xf32, #tpu.memory_space<hbm>>) target(%arg9 : memref<64x128xf32, #tpu.memory_space<vmem>>) offsets(%dma_start3A_335 : memref<64xi32, #tpu.memory_space<vmem>>) semaphore(%arg14 : memref<!tpu.dma_semaphore, #tpu.memory_space<semaphore_mem>>)
      } else {
      }
      %mul3A_199 = arith.constant 4 : i32
      %mul3A_200 = arith.muli %mul3A_199, %scan3A_74 : i32
      %add3A_201 = arith.constant 2 : i32
      %add3A_202 = arith.addi %mul3A_200, %add3A_201 : i32
      %mul3A_203 = arith.constant 2 : i32
      %mul3A_204 = arith.muli %mul3A_203, %scan3A_74 : i32
      %add3A_205 = arith.constant 1 : i32
      %add3A_206 = arith.addi %mul3A_204, %add3A_205 : i32
      %mul3A_207 = arith.constant 4 : i32
      %mul3A_208 = arith.muli %mul3A_207, %scan3A_74 : i32
      %add3A_209 = arith.constant 2 : i32
      %add3A_210 = arith.addi %mul3A_208, %add3A_209 : i32
      %add3A_211 = arith.constant 3 : i32
      %add3A_212 = arith.addi %add3A_210, %add3A_211 : i32
      %jit3A_213 = arith.constant 2 : i32
      %div3A_214 = arith.divsi %add3A_212, %jit3A_213 : i32
      %sign3A_215 = arith.constant 0 : i32
      %sign3A_216 = arith.cmpi sgt, %add3A_212, %sign3A_215 : i32
      %sign3A_217 = arith.extui %sign3A_216 : i1 to i32
      %sign3A_218 = arith.constant 0 : i32
      %sign3A_219 = arith.cmpi slt, %add3A_212, %sign3A_218 : i32
      %sign3A_220 = arith.extui %sign3A_219 : i1 to i32
      %sign3A_221 = arith.subi %sign3A_217, %sign3A_220 : i32
      %sign3A_222 = arith.constant 0 : i32
      %sign3A_223 = arith.cmpi sgt, %jit3A_213, %sign3A_222 : i32
      %sign3A_224 = arith.extui %sign3A_223 : i1 to i32
      %sign3A_225 = arith.constant 0 : i32
      %sign3A_226 = arith.cmpi slt, %jit3A_213, %sign3A_225 : i32
      %sign3A_227 = arith.extui %sign3A_226 : i1 to i32
      %sign3A_228 = arith.subi %sign3A_224, %sign3A_227 : i32
      %ne3A_229 = arith.cmpi ne, %sign3A_221, %sign3A_228 : i32
      %rem3A_230 = arith.remsi %add3A_212, %jit3A_213 : i32
      %ne3A_231 = arith.constant 0 : i32
      %ne3A_232 = arith.cmpi ne, %rem3A_230, %ne3A_231 : i32
      %and3A_233 = arith.andi %ne3A_229, %ne3A_232 : i1
      %sub3A_234 = arith.constant 1 : i32
      %sub3A_235 = arith.subi %div3A_214, %sub3A_234 : i32
      %select_n3A_236 = arith.select %and3A_233, %sub3A_235, %div3A_214 : i32
      %dma_wait3A_237 = arith.constant 0 : i32
      %dma_wait3A_238 = tpu.memref_slice %arg7[%add3A_206, %dma_wait3A_237] : memref<40x128xi32, #tpu.memory_space<vmem>> -> memref<1x64xi32, #tpu.memory_space<vmem>>
      %dma_wait3A_239 = tpu.memref_squeeze %dma_wait3A_238 : memref<1x64xi32, #tpu.memory_space<vmem>> -> memref<64xi32, #tpu.memory_space<vmem>>
      %dma_wait3A_240 = arith.constant 0 : i32
      %dma_wait3A_241 = arith.constant 0 : i32
      %dma_wait3A_242 = tpu.memref_slice %arg2[%dma_wait3A_240, %dma_wait3A_241] : memref<10000x128xf32, #tpu.memory_space<hbm>> -> memref<10000x128xf32, #tpu.memory_space<hbm>>
      tpu.wait_indirect_dma semaphore(%arg16 : memref<!tpu.dma_semaphore, #tpu.memory_space<semaphore_mem>>) src(%dma_wait3A_242 : memref<10000x128xf32, #tpu.memory_space<hbm>>) dst(%arg11 : memref<64x128xf32, #tpu.memory_space<vmem>>)
      %dma_start3A_243 = arith.constant 0 : i32
      %dma_start3A_244 = tpu.memref_slice %arg8[%add3A_202, %dma_start3A_243] : memref<80x64xi32, #tpu.memory_space<vmem>> -> memref<1x64xi32, #tpu.memory_space<vmem>>
      %dma_start3A_245 = tpu.memref_squeeze %dma_start3A_244 : memref<1x64xi32, #tpu.memory_space<vmem>> -> memref<64xi32, #tpu.memory_space<vmem>>
      %dma_start3A_246 = arith.constant 0 : i32
      %dma_start3A_247 = arith.constant 0 : i32
      %dma_start3A_248 = tpu.memref_slice %arg13[%dma_start3A_246, %dma_start3A_247] : memref<10008x128xf32, #tpu.memory_space<vmem_shared>> -> memref<10008x128xf32, #tpu.memory_space<vmem_shared>>
      tpu.enqueue_indirect_dma source(%arg11 : memref<64x128xf32, #tpu.memory_space<vmem>>) target(%dma_start3A_248 : memref<10008x128xf32, #tpu.memory_space<vmem_shared>>) offsets(%dma_start3A_245 : memref<64xi32, #tpu.memory_space<vmem>>) semaphore(%arg20 : memref<!tpu.dma_semaphore, #tpu.memory_space<semaphore_mem>>) {add = true}
      %add3A_249 = arith.constant 3 : i32
      %add3A_250 = arith.addi %add3A_202, %add3A_249 : i32
      %lt3A_251 = arith.constant 80 : i32
      %lt3A_252 = arith.cmpi slt, %add3A_250, %lt3A_251 : i32
      %ge3A_253 = arith.constant 1 : i32
      %ge3A_254 = arith.cmpi sge, %add3A_202, %ge3A_253 : i32
      %and3A_255 = arith.andi %lt3A_252, %ge3A_254 : i1
      %convert_element_type3A_256 = arith.extui %and3A_255 : i1 to i32
      %cond3A_257 = arith.constant 0 : i32
      %cond3A_258 = arith.cmpi ne, %convert_element_type3A_256, %cond3A_257 : i32
      scf.if %cond3A_258 {
        %sub3A_333 = arith.constant 1 : i32
        %sub3A_334 = arith.subi %add3A_202, %sub3A_333 : i32
        %dma_wait3A_335 = arith.constant 0 : i32
        %dma_wait3A_336 = tpu.memref_slice %arg8[%sub3A_334, %dma_wait3A_335] : memref<80x64xi32, #tpu.memory_space<vmem>> -> memref<1x64xi32, #tpu.memory_space<vmem>>
        %dma_wait3A_337 = tpu.memref_squeeze %dma_wait3A_336 : memref<1x64xi32, #tpu.memory_space<vmem>> -> memref<64xi32, #tpu.memory_space<vmem>>
        %dma_wait3A_338 = arith.constant 0 : i32
        %dma_wait3A_339 = arith.constant 0 : i32
        %dma_wait3A_340 = tpu.memref_slice %arg13[%dma_wait3A_338, %dma_wait3A_339] : memref<10008x128xf32, #tpu.memory_space<vmem_shared>> -> memref<10008x128xf32, #tpu.memory_space<vmem_shared>>
        tpu.wait_indirect_dma semaphore(%arg19 : memref<!tpu.dma_semaphore, #tpu.memory_space<semaphore_mem>>) src(%arg10 : memref<64x128xf32, #tpu.memory_space<vmem>>) dst(%dma_wait3A_340 : memref<10008x128xf32, #tpu.memory_space<vmem_shared>>)
      } else {
      }
      %add3A_259 = arith.constant 3 : i32
      %add3A_260 = arith.addi %add3A_202, %add3A_259 : i32
      %lt3A_261 = arith.constant 80 : i32
      %lt3A_262 = arith.cmpi slt, %add3A_260, %lt3A_261 : i32
      %convert_element_type3A_263 = arith.extui %lt3A_262 : i1 to i32
      %cond3A_264 = arith.constant 0 : i32
      %cond3A_265 = arith.cmpi ne, %convert_element_type3A_263, %cond3A_264 : i32
      scf.if %cond3A_265 {
        %dma_start3A_333 = arith.constant 64 : i32
        %dma_start3A_334 = tpu.memref_slice %arg7[%select_n3A_236, %dma_start3A_333] : memref<40x128xi32, #tpu.memory_space<vmem>> -> memref<1x64xi32, #tpu.memory_space<vmem>>
        %dma_start3A_335 = tpu.memref_squeeze %dma_start3A_334 : memref<1x64xi32, #tpu.memory_space<vmem>> -> memref<64xi32, #tpu.memory_space<vmem>>
        %dma_start3A_336 = arith.constant 0 : i32
        %dma_start3A_337 = arith.constant 0 : i32
        %dma_start3A_338 = tpu.memref_slice %arg2[%dma_start3A_336, %dma_start3A_337] : memref<10000x128xf32, #tpu.memory_space<hbm>> -> memref<10000x128xf32, #tpu.memory_space<hbm>>
        tpu.enqueue_indirect_dma source(%dma_start3A_338 : memref<10000x128xf32, #tpu.memory_space<hbm>>) target(%arg10 : memref<64x128xf32, #tpu.memory_space<vmem>>) offsets(%dma_start3A_335 : memref<64xi32, #tpu.memory_space<vmem>>) semaphore(%arg15 : memref<!tpu.dma_semaphore, #tpu.memory_space<semaphore_mem>>)
      } else {
      }
      %mul3A_266 = arith.constant 4 : i32
      %mul3A_267 = arith.muli %mul3A_266, %scan3A_74 : i32
      %add3A_268 = arith.constant 3 : i32
      %add3A_269 = arith.addi %mul3A_267, %add3A_268 : i32
      %mul3A_270 = arith.constant 2 : i32
      %mul3A_271 = arith.muli %mul3A_270, %scan3A_74 : i32
      %add3A_272 = arith.constant 1 : i32
      %add3A_273 = arith.addi %mul3A_271, %add3A_272 : i32
      %mul3A_274 = arith.constant 4 : i32
      %mul3A_275 = arith.muli %mul3A_274, %scan3A_74 : i32
      %add3A_276 = arith.constant 3 : i32
      %add3A_277 = arith.addi %mul3A_275, %add3A_276 : i32
      %add3A_278 = arith.constant 3 : i32
      %add3A_279 = arith.addi %add3A_277, %add3A_278 : i32
      %jit3A_280 = arith.constant 2 : i32
      %div3A_281 = arith.divsi %add3A_279, %jit3A_280 : i32
      %sign3A_282 = arith.constant 0 : i32
      %sign3A_283 = arith.cmpi sgt, %add3A_279, %sign3A_282 : i32
      %sign3A_284 = arith.extui %sign3A_283 : i1 to i32
      %sign3A_285 = arith.constant 0 : i32
      %sign3A_286 = arith.cmpi slt, %add3A_279, %sign3A_285 : i32
      %sign3A_287 = arith.extui %sign3A_286 : i1 to i32
      %sign3A_288 = arith.subi %sign3A_284, %sign3A_287 : i32
      %sign3A_289 = arith.constant 0 : i32
      %sign3A_290 = arith.cmpi sgt, %jit3A_280, %sign3A_289 : i32
      %sign3A_291 = arith.extui %sign3A_290 : i1 to i32
      %sign3A_292 = arith.constant 0 : i32
      %sign3A_293 = arith.cmpi slt, %jit3A_280, %sign3A_292 : i32
      %sign3A_294 = arith.extui %sign3A_293 : i1 to i32
      %sign3A_295 = arith.subi %sign3A_291, %sign3A_294 : i32
      %ne3A_296 = arith.cmpi ne, %sign3A_288, %sign3A_295 : i32
      %rem3A_297 = arith.remsi %add3A_279, %jit3A_280 : i32
      %ne3A_298 = arith.constant 0 : i32
      %ne3A_299 = arith.cmpi ne, %rem3A_297, %ne3A_298 : i32
      %and3A_300 = arith.andi %ne3A_296, %ne3A_299 : i1
      %sub3A_301 = arith.constant 1 : i32
      %sub3A_302 = arith.subi %div3A_281, %sub3A_301 : i32
      %select_n3A_303 = arith.select %and3A_300, %sub3A_302, %div3A_281 : i32
      %dma_wait3A_304 = arith.constant 64 : i32
      %dma_wait3A_305 = tpu.memref_slice %arg7[%add3A_273, %dma_wait3A_304] : memref<40x128xi32, #tpu.memory_space<vmem>> -> memref<1x64xi32, #tpu.memory_space<vmem>>
      %dma_wait3A_306 = tpu.memref_squeeze %dma_wait3A_305 : memref<1x64xi32, #tpu.memory_space<vmem>> -> memref<64xi32, #tpu.memory_space<vmem>>
      %dma_wait3A_307 = arith.constant 0 : i32
      %dma_wait3A_308 = arith.constant 0 : i32
      %dma_wait3A_309 = tpu.memref_slice %arg2[%dma_wait3A_307, %dma_wait3A_308] : memref<10000x128xf32, #tpu.memory_space<hbm>> -> memref<10000x128xf32, #tpu.memory_space<hbm>>
      tpu.wait_indirect_dma semaphore(%arg17 : memref<!tpu.dma_semaphore, #tpu.memory_space<semaphore_mem>>) src(%dma_wait3A_309 : memref<10000x128xf32, #tpu.memory_space<hbm>>) dst(%arg12 : memref<64x128xf32, #tpu.memory_space<vmem>>)
      %dma_start3A_310 = arith.constant 0 : i32
      %dma_start3A_311 = tpu.memref_slice %arg8[%add3A_269, %dma_start3A_310] : memref<80x64xi32, #tpu.memory_space<vmem>> -> memref<1x64xi32, #tpu.memory_space<vmem>>
      %dma_start3A_312 = tpu.memref_squeeze %dma_start3A_311 : memref<1x64xi32, #tpu.memory_space<vmem>> -> memref<64xi32, #tpu.memory_space<vmem>>
      %dma_start3A_313 = arith.constant 0 : i32
      %dma_start3A_314 = arith.constant 0 : i32
      %dma_start3A_315 = tpu.memref_slice %arg13[%dma_start3A_313, %dma_start3A_314] : memref<10008x128xf32, #tpu.memory_space<vmem_shared>> -> memref<10008x128xf32, #tpu.memory_space<vmem_shared>>
      tpu.enqueue_indirect_dma source(%arg12 : memref<64x128xf32, #tpu.memory_space<vmem>>) target(%dma_start3A_315 : memref<10008x128xf32, #tpu.memory_space<vmem_shared>>) offsets(%dma_start3A_312 : memref<64xi32, #tpu.memory_space<vmem>>) semaphore(%arg21 : memref<!tpu.dma_semaphore, #tpu.memory_space<semaphore_mem>>) {add = true}
      %add3A_316 = arith.constant 3 : i32
      %add3A_317 = arith.addi %add3A_269, %add3A_316 : i32
      %lt3A_318 = arith.constant 80 : i32
      %lt3A_319 = arith.cmpi slt, %add3A_317, %lt3A_318 : i32
      %ge3A_320 = arith.constant 1 : i32
      %ge3A_321 = arith.cmpi sge, %add3A_269, %ge3A_320 : i32
      %and3A_322 = arith.andi %lt3A_319, %ge3A_321 : i1
      %convert_element_type3A_323 = arith.extui %and3A_322 : i1 to i32
      %cond3A_324 = arith.constant 0 : i32
      %cond3A_325 = arith.cmpi ne, %convert_element_type3A_323, %cond3A_324 : i32
      scf.if %cond3A_325 {
        %sub3A_333 = arith.constant 1 : i32
        %sub3A_334 = arith.subi %add3A_269, %sub3A_333 : i32
        %dma_wait3A_335 = arith.constant 0 : i32
        %dma_wait3A_336 = tpu.memref_slice %arg8[%sub3A_334, %dma_wait3A_335] : memref<80x64xi32, #tpu.memory_space<vmem>> -> memref<1x64xi32, #tpu.memory_space<vmem>>
        %dma_wait3A_337 = tpu.memref_squeeze %dma_wait3A_336 : memref<1x64xi32, #tpu.memory_space<vmem>> -> memref<64xi32, #tpu.memory_space<vmem>>
        %dma_wait3A_338 = arith.constant 0 : i32
        %dma_wait3A_339 = arith.constant 0 : i32
        %dma_wait3A_340 = tpu.memref_slice %arg13[%dma_wait3A_338, %dma_wait3A_339] : memref<10008x128xf32, #tpu.memory_space<vmem_shared>> -> memref<10008x128xf32, #tpu.memory_space<vmem_shared>>
        tpu.wait_indirect_dma semaphore(%arg20 : memref<!tpu.dma_semaphore, #tpu.memory_space<semaphore_mem>>) src(%arg11 : memref<64x128xf32, #tpu.memory_space<vmem>>) dst(%dma_wait3A_340 : memref<10008x128xf32, #tpu.memory_space<vmem_shared>>)
      } else {
      }
      %add3A_326 = arith.constant 3 : i32
      %add3A_327 = arith.addi %add3A_269, %add3A_326 : i32
      %lt3A_328 = arith.constant 80 : i32
      %lt3A_329 = arith.cmpi slt, %add3A_327, %lt3A_328 : i32
      %convert_element_type3A_330 = arith.extui %lt3A_329 : i1 to i32
      %cond3A_331 = arith.constant 0 : i32
      %cond3A_332 = arith.cmpi ne, %convert_element_type3A_330, %cond3A_331 : i32
      scf.if %cond3A_332 {
        %dma_start3A_333 = arith.constant 0 : i32
        %dma_start3A_334 = tpu.memref_slice %arg7[%select_n3A_303, %dma_start3A_333] : memref<40x128xi32, #tpu.memory_space<vmem>> -> memref<1x64xi32, #tpu.memory_space<vmem>>
        %dma_start3A_335 = tpu.memref_squeeze %dma_start3A_334 : memref<1x64xi32, #tpu.memory_space<vmem>> -> memref<64xi32, #tpu.memory_space<vmem>>
        %dma_start3A_336 = arith.constant 0 : i32
        %dma_start3A_337 = arith.constant 0 : i32
        %dma_start3A_338 = tpu.memref_slice %arg2[%dma_start3A_336, %dma_start3A_337] : memref<10000x128xf32, #tpu.memory_space<hbm>> -> memref<10000x128xf32, #tpu.memory_space<hbm>>
        tpu.enqueue_indirect_dma source(%dma_start3A_338 : memref<10000x128xf32, #tpu.memory_space<hbm>>) target(%arg11 : memref<64x128xf32, #tpu.memory_space<vmem>>) offsets(%dma_start3A_335 : memref<64xi32, #tpu.memory_space<vmem>>) semaphore(%arg16 : memref<!tpu.dma_semaphore, #tpu.memory_space<semaphore_mem>>)
      } else {
      }
    }
    %scan3A_33 = arith.constant 20 : i32
    %dma_wait3A = arith.constant 76 : i32
    %dma_wait3A_34 = arith.constant 0 : i32
    %dma_wait3A_35 = tpu.memref_slice %arg8[%dma_wait3A, %dma_wait3A_34] : memref<80x64xi32, #tpu.memory_space<vmem>> -> memref<1x64xi32, #tpu.memory_space<vmem>>
    %dma_wait3A_36 = tpu.memref_squeeze %dma_wait3A_35 : memref<1x64xi32, #tpu.memory_space<vmem>> -> memref<64xi32, #tpu.memory_space<vmem>>
    %dma_wait3A_37 = arith.constant 0 : i32
    %dma_wait3A_38 = arith.constant 0 : i32
    %dma_wait3A_39 = tpu.memref_slice %arg13[%dma_wait3A_37, %dma_wait3A_38] : memref<10008x128xf32, #tpu.memory_space<vmem_shared>> -> memref<10008x128xf32, #tpu.memory_space<vmem_shared>>
    tpu.wait_indirect_dma semaphore(%arg18 : memref<!tpu.dma_semaphore, #tpu.memory_space<semaphore_mem>>) src(%arg9 : memref<64x128xf32, #tpu.memory_space<vmem>>) dst(%dma_wait3A_39 : memref<10008x128xf32, #tpu.memory_space<vmem_shared>>)
    %dma_wait3A_40 = arith.constant 77 : i32
    %dma_wait3A_41 = arith.constant 0 : i32
    %dma_wait3A_42 = tpu.memref_slice %arg8[%dma_wait3A_40, %dma_wait3A_41] : memref<80x64xi32, #tpu.memory_space<vmem>> -> memref<1x64xi32, #tpu.memory_space<vmem>>
    %dma_wait3A_43 = tpu.memref_squeeze %dma_wait3A_42 : memref<1x64xi32, #tpu.memory_space<vmem>> -> memref<64xi32, #tpu.memory_space<vmem>>
    %dma_wait3A_44 = arith.constant 0 : i32
    %dma_wait3A_45 = arith.constant 0 : i32
    %dma_wait3A_46 = tpu.memref_slice %arg13[%dma_wait3A_44, %dma_wait3A_45] : memref<10008x128xf32, #tpu.memory_space<vmem_shared>> -> memref<10008x128xf32, #tpu.memory_space<vmem_shared>>
    tpu.wait_indirect_dma semaphore(%arg19 : memref<!tpu.dma_semaphore, #tpu.memory_space<semaphore_mem>>) src(%arg10 : memref<64x128xf32, #tpu.memory_space<vmem>>) dst(%dma_wait3A_46 : memref<10008x128xf32, #tpu.memory_space<vmem_shared>>)
    %dma_wait3A_47 = arith.constant 78 : i32
    %dma_wait3A_48 = arith.constant 0 : i32
    %dma_wait3A_49 = tpu.memref_slice %arg8[%dma_wait3A_47, %dma_wait3A_48] : memref<80x64xi32, #tpu.memory_space<vmem>> -> memref<1x64xi32, #tpu.memory_space<vmem>>
    %dma_wait3A_50 = tpu.memref_squeeze %dma_wait3A_49 : memref<1x64xi32, #tpu.memory_space<vmem>> -> memref<64xi32, #tpu.memory_space<vmem>>
    %dma_wait3A_51 = arith.constant 0 : i32
    %dma_wait3A_52 = arith.constant 0 : i32
    %dma_wait3A_53 = tpu.memref_slice %arg13[%dma_wait3A_51, %dma_wait3A_52] : memref<10008x128xf32, #tpu.memory_space<vmem_shared>> -> memref<10008x128xf32, #tpu.memory_space<vmem_shared>>
    tpu.wait_indirect_dma semaphore(%arg20 : memref<!tpu.dma_semaphore, #tpu.memory_space<semaphore_mem>>) src(%arg11 : memref<64x128xf32, #tpu.memory_space<vmem>>) dst(%dma_wait3A_53 : memref<10008x128xf32, #tpu.memory_space<vmem_shared>>)
    %dma_wait3A_54 = arith.constant 79 : i32
    %dma_wait3A_55 = arith.constant 0 : i32
    %dma_wait3A_56 = tpu.memref_slice %arg8[%dma_wait3A_54, %dma_wait3A_55] : memref<80x64xi32, #tpu.memory_space<vmem>> -> memref<1x64xi32, #tpu.memory_space<vmem>>
    %dma_wait3A_57 = tpu.memref_squeeze %dma_wait3A_56 : memref<1x64xi32, #tpu.memory_space<vmem>> -> memref<64xi32, #tpu.memory_space<vmem>>
    %dma_wait3A_58 = arith.constant 0 : i32
    %dma_wait3A_59 = arith.constant 0 : i32
    %dma_wait3A_60 = tpu.memref_slice %arg13[%dma_wait3A_58, %dma_wait3A_59] : memref<10008x128xf32, #tpu.memory_space<vmem_shared>> -> memref<10008x128xf32, #tpu.memory_space<vmem_shared>>
    tpu.wait_indirect_dma semaphore(%arg21 : memref<!tpu.dma_semaphore, #tpu.memory_space<semaphore_mem>>) src(%arg12 : memref<64x128xf32, #tpu.memory_space<vmem>>) dst(%dma_wait3A_60 : memref<10008x128xf32, #tpu.memory_space<vmem_shared>>)
    %barrier3A_61 = arith.constant 0 : index
    tpu.barrier barrier_id(%barrier3A_61)
    %mul3A_62 = arith.constant 624 : i32
    %mul3A_63 = arith.muli %arg1, %mul3A_62 : i32
    %mul3A_64 = arith.constant 10000 : i32
    %mul3A_65 = arith.muli %arg0, %mul3A_64 : i32
    %mul3A_66 = arith.constant 624 : i32
    %mul3A_67 = arith.muli %arg1, %mul3A_66 : i32
    %add3A_68 = arith.addi %mul3A_65, %mul3A_67 : i32
    "tpu.region"() ({
      %run_scoped3A = tpu.sem_alloc : memref<!tpu.dma_semaphore, #tpu.memory_space<semaphore_mem>>
      %dma_start3A_74 = arith.constant 0 : i32
      %dma_start3A_75 = tpu.memref_slice %arg6[%add3A_68, %dma_start3A_74] : memref<20000x128xf32, #tpu.memory_space<hbm>> -> memref<624x128xf32, #tpu.memory_space<hbm>>
      %dma_start3A_76 = arith.constant 0 : i32
      %dma_start3A_77 = tpu.memref_slice %arg13[%mul3A_63, %dma_start3A_76] : memref<10008x128xf32, #tpu.memory_space<vmem_shared>> -> memref<624x128xf32, #tpu.memory_space<vmem_shared>>
      tpu.enqueue_dma source(%dma_start3A_77 : memref<624x128xf32, #tpu.memory_space<vmem_shared>>) target(%dma_start3A_75 : memref<624x128xf32, #tpu.memory_space<hbm>>) target_semaphore(%run_scoped3A : memref<!tpu.dma_semaphore, #tpu.memory_space<semaphore_mem>>)
      %dma_wait3A_78 = arith.constant 0 : i32
      %dma_wait3A_79 = tpu.memref_slice %arg6[%add3A_68, %dma_wait3A_78] : memref<20000x128xf32, #tpu.memory_space<hbm>> -> memref<624x128xf32, #tpu.memory_space<hbm>>
      %dma_wait3A_80 = arith.constant 0 : i32
      %dma_wait3A_81 = tpu.memref_slice %arg13[%mul3A_63, %dma_wait3A_80] : memref<10008x128xf32, #tpu.memory_space<vmem_shared>> -> memref<624x128xf32, #tpu.memory_space<vmem_shared>>
      tpu.wait_dma2 semaphore(%run_scoped3A : memref<!tpu.dma_semaphore, #tpu.memory_space<semaphore_mem>>) src(%dma_wait3A_81 : memref<624x128xf32, #tpu.memory_space<vmem_shared>>) dst(%dma_wait3A_79 : memref<624x128xf32, #tpu.memory_space<hbm>>)
      tpu.yield
    }) : () -> ()
    %eq3A_69 = arith.constant 15 : i32
    %eq3A_70 = arith.cmpi eq, %arg1, %eq3A_69 : i32
    %convert_element_type3A_71 = arith.extui %eq3A_70 : i1 to i32
    %cond3A_72 = arith.constant 0 : i32
    %cond3A_73 = arith.cmpi ne, %convert_element_type3A_71, %cond3A_72 : i32
    scf.if %cond3A_73 {
      %mul3A_74 = arith.constant 10000 : i32
      %mul3A_75 = arith.muli %arg0, %mul3A_74 : i32
      %add3A_76 = arith.constant 9984 : i32
      %add3A_77 = arith.addi %mul3A_75, %add3A_76 : i32
      "tpu.region"() ({
        %run_scoped3A = tpu.sem_alloc : memref<!tpu.dma_semaphore, #tpu.memory_space<semaphore_mem>>
        %dma_start3A_78 = arith.constant 0 : i32
        %dma_start3A_79 = tpu.memref_slice %arg6[%add3A_77, %dma_start3A_78] : memref<20000x128xf32, #tpu.memory_space<hbm>> -> memref<16x128xf32, #tpu.memory_space<hbm>>
        %dma_start3A_80 = arith.constant 9984 : i32
        %dma_start3A_81 = arith.constant 0 : i32
        %dma_start3A_82 = tpu.memref_slice %arg13[%dma_start3A_80, %dma_start3A_81] : memref<10008x128xf32, #tpu.memory_space<vmem_shared>> -> memref<16x128xf32, #tpu.memory_space<vmem_shared>>
        tpu.enqueue_dma source(%dma_start3A_82 : memref<16x128xf32, #tpu.memory_space<vmem_shared>>) target(%dma_start3A_79 : memref<16x128xf32, #tpu.memory_space<hbm>>) target_semaphore(%run_scoped3A : memref<!tpu.dma_semaphore, #tpu.memory_space<semaphore_mem>>)
        %dma_wait3A_83 = arith.constant 0 : i32
        %dma_wait3A_84 = tpu.memref_slice %arg6[%add3A_77, %dma_wait3A_83] : memref<20000x128xf32, #tpu.memory_space<hbm>> -> memref<16x128xf32, #tpu.memory_space<hbm>>
        %dma_wait3A_85 = arith.constant 9984 : i32
        %dma_wait3A_86 = arith.constant 0 : i32
        %dma_wait3A_87 = tpu.memref_slice %arg13[%dma_wait3A_85, %dma_wait3A_86] : memref<10008x128xf32, #tpu.memory_space<vmem_shared>> -> memref<16x128xf32, #tpu.memory_space<vmem_shared>>
        tpu.wait_dma2 semaphore(%run_scoped3A : memref<!tpu.dma_semaphore, #tpu.memory_space<semaphore_mem>>) src(%dma_wait3A_87 : memref<16x128xf32, #tpu.memory_space<vmem_shared>>) dst(%dma_wait3A_84 : memref<16x128xf32, #tpu.memory_space<hbm>>)
        tpu.yield
      }) : () -> ()
    } else {
    }
    return
  }
}

#map = affine_map<(d0, d1) -> (0, 0)>
module attributes {stable_mosaic.version = 14 : i64} {
  func.func @_sc_segment_sum(%arg0: i32, %arg1: i32, %arg2: memref<10000x128xf32, #tpu.memory_space<hbm>>, %arg3: memref<1280x128xi32, #tpu.memory_space<hbm>>, %arg4: memref<2560x64xi32, #tpu.memory_space<hbm>>, %arg5: memref<624x128xf32, #tpu.memory_space<hbm>>, %arg6: memref<20000x128xf32, #tpu.memory_space<hbm>>, %arg7: memref<40x128xi32, #tpu.memory_space<vmem>>, %arg8: memref<80x64xi32, #tpu.memory_space<vmem>>, %arg9: memref<64x128xf32, #tpu.memory_space<vmem>>, %arg10: memref<64x128xf32, #tpu.memory_space<vmem>>, %arg11: memref<64x128xf32, #tpu.memory_space<vmem>>, %arg12: memref<64x128xf32, #tpu.memory_space<vmem>>, %arg13: memref<10008x128xf32, #tpu.memory_space<vmem_shared>>, %arg14: memref<!tpu.dma_semaphore, #tpu.memory_space<semaphore_mem>>, %arg15: memref<!tpu.dma_semaphore, #tpu.memory_space<semaphore_mem>>, %arg16: memref<!tpu.dma_semaphore, #tpu.memory_space<semaphore_mem>>, %arg17: memref<!tpu.dma_semaphore, #tpu.memory_space<semaphore_mem>>, %arg18: memref<!tpu.dma_semaphore, #tpu.memory_space<semaphore_mem>>, %arg19: memref<!tpu.dma_semaphore, #tpu.memory_space<semaphore_mem>>, %arg20: memref<!tpu.dma_semaphore, #tpu.memory_space<semaphore_mem>>, %arg21: memref<!tpu.dma_semaphore, #tpu.memory_space<semaphore_mem>>) attributes {dimension_semantics = [#tpu.dimension_semantics<core_parallel>, #tpu.dimension_semantics<subcore_parallel>], iteration_bounds = array<i64: 2, 16>, scalar_prefetch = 0 : i64, scratch_operands = 15 : i64, tpu.core_type = #tpu.core_type<sc_vector_subcore>, window_params = [{transform_indices = #map}, {transform_indices = #map}, {transform_indices = #map}, {transform_indices = #map}, {transform_indices = #map}]} {
    %mul3A = arith.constant 2 : i32
    %mul3A_0 = arith.muli %arg1, %mul3A : i32
    %add3A = arith.addi %mul3A_0, %arg0 : i32
    %mul3A_1 = arith.constant 40 : i32
    %mul3A_2 = arith.muli %add3A, %mul3A_1 : i32
    "tpu.region"() ({
      %run_scoped3A = tpu.sem_alloc : memref<!tpu.dma_semaphore, #tpu.memory_space<semaphore_mem>>
      %dma_start3A_74 = arith.constant 0 : i32
      %dma_start3A_75 = tpu.memref_slice %arg3[%mul3A_2, %dma_start3A_74] : memref<1280x128xi32, #tpu.memory_space<hbm>> -> memref<40x128xi32, #tpu.memory_space<hbm>>
      %dma_start3A_76 = arith.constant 0 : i32
      %dma_start3A_77 = tpu.memref_slice %arg3[%mul3A_2, %dma_start3A_76] : memref<1280x128xi32, #tpu.memory_space<hbm>> -> memref<40x128xi32, #tpu.memory_space<hbm>>
      tpu.enqueue_dma source(%dma_start3A_77 : memref<40x128xi32, #tpu.memory_space<hbm>>) target(%arg7 : memref<40x128xi32, #tpu.memory_space<vmem>>) target_semaphore(%run_scoped3A : memref<!tpu.dma_semaphore, #tpu.memory_space<semaphore_mem>>)
      %dma_wait3A_78 = arith.constant 0 : i32
      %dma_wait3A_79 = tpu.memref_slice %arg3[%mul3A_2, %dma_wait3A_78] : memref<1280x128xi32, #tpu.memory_space<hbm>> -> memref<40x128xi32, #tpu.memory_space<hbm>>
      %dma_wait3A_80 = arith.constant 0 : i32
      %dma_wait3A_81 = tpu.memref_slice %arg3[%mul3A_2, %dma_wait3A_80] : memref<1280x128xi32, #tpu.memory_space<hbm>> -> memref<40x128xi32, #tpu.memory_space<hbm>>
      tpu.wait_dma2 semaphore(%run_scoped3A : memref<!tpu.dma_semaphore, #tpu.memory_space<semaphore_mem>>) src(%dma_wait3A_81 : memref<40x128xi32, #tpu.memory_space<hbm>>) dst(%arg7 : memref<40x128xi32, #tpu.memory_space<vmem>>)
      tpu.yield
    }) : () -> ()
    %dma_start3A = arith.constant 0 : i32
    %dma_start3A_3 = arith.constant 0 : i32
    %dma_start3A_4 = tpu.memref_slice %arg7[%dma_start3A, %dma_start3A_3] : memref<40x128xi32, #tpu.memory_space<vmem>> -> memref<1x64xi32, #tpu.memory_space<vmem>>
    %dma_start3A_5 = tpu.memref_squeeze %dma_start3A_4 : memref<1x64xi32, #tpu.memory_space<vmem>> -> memref<64xi32, #tpu.memory_space<vmem>>
    %dma_start3A_6 = arith.constant 0 : i32
    %dma_start3A_7 = arith.constant 0 : i32
    %dma_start3A_8 = tpu.memref_slice %arg2[%dma_start3A_6, %dma_start3A_7] : memref<10000x128xf32, #tpu.memory_space<hbm>> -> memref<10000x128xf32, #tpu.memory_space<hbm>>
    tpu.enqueue_indirect_dma source(%dma_start3A_8 : memref<10000x128xf32, #tpu.memory_space<hbm>>) target(%arg9 : memref<64x128xf32, #tpu.memory_space<vmem>>) offsets(%dma_start3A_5 : memref<64xi32, #tpu.memory_space<vmem>>) semaphore(%arg14 : memref<!tpu.dma_semaphore, #tpu.memory_space<semaphore_mem>>)
    %dma_start3A_9 = arith.constant 0 : i32
    %dma_start3A_10 = arith.constant 64 : i32
    %dma_start3A_11 = tpu.memref_slice %arg7[%dma_start3A_9, %dma_start3A_10] : memref<40x128xi32, #tpu.memory_space<vmem>> -> memref<1x64xi32, #tpu.memory_space<vmem>>
    %dma_start3A_12 = tpu.memref_squeeze %dma_start3A_11 : memref<1x64xi32, #tpu.memory_space<vmem>> -> memref<64xi32, #tpu.memory_space<vmem>>
    %dma_start3A_13 = arith.constant 0 : i32
    %dma_start3A_14 = arith.constant 0 : i32
    %dma_start3A_15 = tpu.memref_slice %arg2[%dma_start3A_13, %dma_start3A_14] : memref<10000x128xf32, #tpu.memory_space<hbm>> -> memref<10000x128xf32, #tpu.memory_space<hbm>>
    tpu.enqueue_indirect_dma source(%dma_start3A_15 : memref<10000x128xf32, #tpu.memory_space<hbm>>) target(%arg10 : memref<64x128xf32, #tpu.memory_space<vmem>>) offsets(%dma_start3A_12 : memref<64xi32, #tpu.memory_space<vmem>>) semaphore(%arg15 : memref<!tpu.dma_semaphore, #tpu.memory_space<semaphore_mem>>)
    %dma_start3A_16 = arith.constant 1 : i32
    %dma_start3A_17 = arith.constant 0 : i32
    %dma_start3A_18 = tpu.memref_slice %arg7[%dma_start3A_16, %dma_start3A_17] : memref<40x128xi32, #tpu.memory_space<vmem>> -> memref<1x64xi32, #tpu.memory_space<vmem>>
    %dma_start3A_19 = tpu.memref_squeeze %dma_start3A_18 : memref<1x64xi32, #tpu.memory_space<vmem>> -> memref<64xi32, #tpu.memory_space<vmem>>
    %dma_start3A_20 = arith.constant 0 : i32
    %dma_start3A_21 = arith.constant 0 : i32
    %dma_start3A_22 = tpu.memref_slice %arg2[%dma_start3A_20, %dma_start3A_21] : memref<10000x128xf32, #tpu.memory_space<hbm>> -> memref<10000x128xf32, #tpu.memory_space<hbm>>
    tpu.enqueue_indirect_dma source(%dma_start3A_22 : memref<10000x128xf32, #tpu.memory_space<hbm>>) target(%arg11 : memref<64x128xf32, #tpu.memory_space<vmem>>) offsets(%dma_start3A_19 : memref<64xi32, #tpu.memory_space<vmem>>) semaphore(%arg16 : memref<!tpu.dma_semaphore, #tpu.memory_space<semaphore_mem>>)
    %mul3A_23 = arith.constant 80 : i32
    %mul3A_24 = arith.muli %add3A, %mul3A_23 : i32
    "tpu.region"() ({
      %run_scoped3A = tpu.sem_alloc : memref<!tpu.dma_semaphore, #tpu.memory_space<semaphore_mem>>
      %dma_start3A_74 = arith.constant 0 : i32
      %dma_start3A_75 = tpu.memref_slice %arg4[%mul3A_24, %dma_start3A_74] : memref<2560x64xi32, #tpu.memory_space<hbm>> -> memref<80x64xi32, #tpu.memory_space<hbm>>
      %dma_start3A_76 = arith.constant 0 : i32
      %dma_start3A_77 = tpu.memref_slice %arg4[%mul3A_24, %dma_start3A_76] : memref<2560x64xi32, #tpu.memory_space<hbm>> -> memref<80x64xi32, #tpu.memory_space<hbm>>
      tpu.enqueue_dma source(%dma_start3A_77 : memref<80x64xi32, #tpu.memory_space<hbm>>) target(%arg8 : memref<80x64xi32, #tpu.memory_space<vmem>>) target_semaphore(%run_scoped3A : memref<!tpu.dma_semaphore, #tpu.memory_space<semaphore_mem>>)
      %dma_wait3A_78 = arith.constant 0 : i32
      %dma_wait3A_79 = tpu.memref_slice %arg4[%mul3A_24, %dma_wait3A_78] : memref<2560x64xi32, #tpu.memory_space<hbm>> -> memref<80x64xi32, #tpu.memory_space<hbm>>
      %dma_wait3A_80 = arith.constant 0 : i32
      %dma_wait3A_81 = tpu.memref_slice %arg4[%mul3A_24, %dma_wait3A_80] : memref<2560x64xi32, #tpu.memory_space<hbm>> -> memref<80x64xi32, #tpu.memory_space<hbm>>
      tpu.wait_dma2 semaphore(%run_scoped3A : memref<!tpu.dma_semaphore, #tpu.memory_space<semaphore_mem>>) src(%dma_wait3A_81 : memref<80x64xi32, #tpu.memory_space<hbm>>) dst(%arg8 : memref<80x64xi32, #tpu.memory_space<vmem>>)
      tpu.yield
    }) : () -> ()
    %mul3A_25 = arith.constant 624 : i32
    %mul3A_26 = arith.muli %arg1, %mul3A_25 : i32
    "tpu.region"() ({
      %run_scoped3A = tpu.sem_alloc : memref<!tpu.dma_semaphore, #tpu.memory_space<semaphore_mem>>
      %dma_start3A_74 = arith.constant 0 : i32
      %dma_start3A_75 = tpu.memref_slice %arg13[%mul3A_26, %dma_start3A_74] : memref<10008x128xf32, #tpu.memory_space<vmem_shared>> -> memref<624x128xf32, #tpu.memory_space<vmem_shared>>
      tpu.enqueue_dma source(%arg5 : memref<624x128xf32, #tpu.memory_space<hbm>>) target(%dma_start3A_75 : memref<624x128xf32, #tpu.memory_space<vmem_shared>>) target_semaphore(%run_scoped3A : memref<!tpu.dma_semaphore, #tpu.memory_space<semaphore_mem>>)
      %dma_wait3A_76 = arith.constant 0 : i32
      %dma_wait3A_77 = tpu.memref_slice %arg13[%mul3A_26, %dma_wait3A_76] : memref<10008x128xf32, #tpu.memory_space<vmem_shared>> -> memref<624x128xf32, #tpu.memory_space<vmem_shared>>
      tpu.wait_dma2 semaphore(%run_scoped3A : memref<!tpu.dma_semaphore, #tpu.memory_space<semaphore_mem>>) src(%arg5 : memref<624x128xf32, #tpu.memory_space<hbm>>) dst(%dma_wait3A_77 : memref<624x128xf32, #tpu.memory_space<vmem_shared>>)
      tpu.yield
    }) : () -> ()
    %eq3A = arith.constant 15 : i32
    %eq3A_27 = arith.cmpi eq, %arg1, %eq3A : i32
    %convert_element_type3A = arith.extui %eq3A_27 : i1 to i32
    %cond3A = arith.constant 0 : i32
    %cond3A_28 = arith.cmpi ne, %convert_element_type3A, %cond3A : i32
    scf.if %cond3A_28 {
      "tpu.region"() ({
        %run_scoped3A = tpu.sem_alloc : memref<!tpu.dma_semaphore, #tpu.memory_space<semaphore_mem>>
        %dma_start3A_74 = arith.constant 9984 : i32
        %dma_start3A_75 = arith.constant 0 : i32
        %dma_start3A_76 = tpu.memref_slice %arg13[%dma_start3A_74, %dma_start3A_75] : memref<10008x128xf32, #tpu.memory_space<vmem_shared>> -> memref<16x128xf32, #tpu.memory_space<vmem_shared>>
        %dma_start3A_77 = arith.constant 0 : i32
        %dma_start3A_78 = arith.constant 0 : i32
        %dma_start3A_79 = tpu.memref_slice %arg5[%dma_start3A_77, %dma_start3A_78] : memref<624x128xf32, #tpu.memory_space<hbm>> -> memref<16x128xf32, #tpu.memory_space<hbm>>
        tpu.enqueue_dma source(%dma_start3A_79 : memref<16x128xf32, #tpu.memory_space<hbm>>) target(%dma_start3A_76 : memref<16x128xf32, #tpu.memory_space<vmem_shared>>) target_semaphore(%run_scoped3A : memref<!tpu.dma_semaphore, #tpu.memory_space<semaphore_mem>>)
        %dma_wait3A_80 = arith.constant 9984 : i32
        %dma_wait3A_81 = arith.constant 0 : i32
        %dma_wait3A_82 = tpu.memref_slice %arg13[%dma_wait3A_80, %dma_wait3A_81] : memref<10008x128xf32, #tpu.memory_space<vmem_shared>> -> memref<16x128xf32, #tpu.memory_space<vmem_shared>>
        %dma_wait3A_83 = arith.constant 0 : i32
        %dma_wait3A_84 = arith.constant 0 : i32
        %dma_wait3A_85 = tpu.memref_slice %arg5[%dma_wait3A_83, %dma_wait3A_84] : memref<624x128xf32, #tpu.memory_space<hbm>> -> memref<16x128xf32, #tpu.memory_space<hbm>>
        tpu.wait_dma2 semaphore(%run_scoped3A : memref<!tpu.dma_semaphore, #tpu.memory_space<semaphore_mem>>) src(%dma_wait3A_85 : memref<16x128xf32, #tpu.memory_space<hbm>>) dst(%dma_wait3A_82 : memref<16x128xf32, #tpu.memory_space<vmem_shared>>)
        tpu.yield
      }) : () -> ()
    } else {
    }
    %barrier3A = arith.constant 0 : index
    tpu.barrier barrier_id(%barrier3A)
    %scan3A = arith.constant 0 : i32
    %scan3A_29 = arith.constant 0 : i32
    %scan3A_30 = arith.constant 20 : i32
    %scan3A_31 = arith.addi %scan3A_29, %scan3A_30 : i32
    %scan3A_32 = arith.constant 1 : i32
    scf.for %scan3A_74 = %scan3A_29 to %scan3A_31 step %scan3A_32  : i32 {
      %mul3A_75 = arith.constant 4 : i32
      %mul3A_76 = arith.muli %mul3A_75, %scan3A_74 : i32
      %add3A_77 = arith.constant 0 : i32
      %add3A_78 = arith.addi %mul3A_76, %add3A_77 : i32
      %mul3A_79 = arith.constant 2 : i32
      %mul3A_80 = arith.muli %mul3A_79, %scan3A_74 : i32
      %add3A_81 = arith.constant 0 : i32
      %add3A_82 = arith.addi %mul3A_80, %add3A_81 : i32
      %mul3A_83 = arith.constant 4 : i32
      %mul3A_84 = arith.muli %mul3A_83, %scan3A_74 : i32
      %add3A_85 = arith.constant 0 : i32
      %add3A_86 = arith.addi %mul3A_84, %add3A_85 : i32
      %add3A_87 = arith.constant 3 : i32
      %add3A_88 = arith.addi %add3A_86, %add3A_87 : i32
      %jit3A = arith.constant 2 : i32
      %div3A = arith.divsi %add3A_88, %jit3A : i32
      %sign3A = arith.constant 0 : i32
      %sign3A_89 = arith.cmpi sgt, %add3A_88, %sign3A : i32
      %sign3A_90 = arith.extui %sign3A_89 : i1 to i32
      %sign3A_91 = arith.constant 0 : i32
      %sign3A_92 = arith.cmpi slt, %add3A_88, %sign3A_91 : i32
      %sign3A_93 = arith.extui %sign3A_92 : i1 to i32
      %sign3A_94 = arith.subi %sign3A_90, %sign3A_93 : i32
      %sign3A_95 = arith.constant 0 : i32
      %sign3A_96 = arith.cmpi sgt, %jit3A, %sign3A_95 : i32
      %sign3A_97 = arith.extui %sign3A_96 : i1 to i32
      %sign3A_98 = arith.constant 0 : i32
      %sign3A_99 = arith.cmpi slt, %jit3A, %sign3A_98 : i32
      %sign3A_100 = arith.extui %sign3A_99 : i1 to i32
      %sign3A_101 = arith.subi %sign3A_97, %sign3A_100 : i32
      %ne3A = arith.cmpi ne, %sign3A_94, %sign3A_101 : i32
      %rem3A = arith.remsi %add3A_88, %jit3A : i32
      %ne3A_102 = arith.constant 0 : i32
      %ne3A_103 = arith.cmpi ne, %rem3A, %ne3A_102 : i32
      %and3A = arith.andi %ne3A, %ne3A_103 : i1
      %sub3A = arith.constant 1 : i32
      %sub3A_104 = arith.subi %div3A, %sub3A : i32
      %select_n3A = arith.select %and3A, %sub3A_104, %div3A : i32
      %dma_wait3A_105 = arith.constant 0 : i32
      %dma_wait3A_106 = tpu.memref_slice %arg7[%add3A_82, %dma_wait3A_105] : memref<40x128xi32, #tpu.memory_space<vmem>> -> memref<1x64xi32, #tpu.memory_space<vmem>>
      %dma_wait3A_107 = tpu.memref_squeeze %dma_wait3A_106 : memref<1x64xi32, #tpu.memory_space<vmem>> -> memref<64xi32, #tpu.memory_space<vmem>>
      %dma_wait3A_108 = arith.constant 0 : i32
      %dma_wait3A_109 = arith.constant 0 : i32
      %dma_wait3A_110 = tpu.memref_slice %arg2[%dma_wait3A_108, %dma_wait3A_109] : memref<10000x128xf32, #tpu.memory_space<hbm>> -> memref<10000x128xf32, #tpu.memory_space<hbm>>
      tpu.wait_indirect_dma semaphore(%arg14 : memref<!tpu.dma_semaphore, #tpu.memory_space<semaphore_mem>>) src(%dma_wait3A_110 : memref<10000x128xf32, #tpu.memory_space<hbm>>) dst(%arg9 : memref<64x128xf32, #tpu.memory_space<vmem>>)
      %dma_start3A_111 = arith.constant 0 : i32
      %dma_start3A_112 = tpu.memref_slice %arg8[%add3A_78, %dma_start3A_111] : memref<80x64xi32, #tpu.memory_space<vmem>> -> memref<1x64xi32, #tpu.memory_space<vmem>>
      %dma_start3A_113 = tpu.memref_squeeze %dma_start3A_112 : memref<1x64xi32, #tpu.memory_space<vmem>> -> memref<64xi32, #tpu.memory_space<vmem>>
      %dma_start3A_114 = arith.constant 0 : i32
      %dma_start3A_115 = arith.constant 0 : i32
      %dma_start3A_116 = tpu.memref_slice %arg13[%dma_start3A_114, %dma_start3A_115] : memref<10008x128xf32, #tpu.memory_space<vmem_shared>> -> memref<10008x128xf32, #tpu.memory_space<vmem_shared>>
      tpu.enqueue_indirect_dma source(%arg9 : memref<64x128xf32, #tpu.memory_space<vmem>>) target(%dma_start3A_116 : memref<10008x128xf32, #tpu.memory_space<vmem_shared>>) offsets(%dma_start3A_113 : memref<64xi32, #tpu.memory_space<vmem>>) semaphore(%arg18 : memref<!tpu.dma_semaphore, #tpu.memory_space<semaphore_mem>>) {add = true}
      %add3A_117 = arith.constant 3 : i32
      %add3A_118 = arith.addi %add3A_78, %add3A_117 : i32
      %lt3A = arith.constant 80 : i32
      %lt3A_119 = arith.cmpi slt, %add3A_118, %lt3A : i32
      %ge3A = arith.constant 1 : i32
      %ge3A_120 = arith.cmpi sge, %add3A_78, %ge3A : i32
      %and3A_121 = arith.andi %lt3A_119, %ge3A_120 : i1
      %convert_element_type3A_122 = arith.extui %and3A_121 : i1 to i32
      %cond3A_123 = arith.constant 0 : i32
      %cond3A_124 = arith.cmpi ne, %convert_element_type3A_122, %cond3A_123 : i32
      scf.if %cond3A_124 {
        %sub3A_333 = arith.constant 1 : i32
        %sub3A_334 = arith.subi %add3A_78, %sub3A_333 : i32
        %dma_wait3A_335 = arith.constant 0 : i32
        %dma_wait3A_336 = tpu.memref_slice %arg8[%sub3A_334, %dma_wait3A_335] : memref<80x64xi32, #tpu.memory_space<vmem>> -> memref<1x64xi32, #tpu.memory_space<vmem>>
        %dma_wait3A_337 = tpu.memref_squeeze %dma_wait3A_336 : memref<1x64xi32, #tpu.memory_space<vmem>> -> memref<64xi32, #tpu.memory_space<vmem>>
        %dma_wait3A_338 = arith.constant 0 : i32
        %dma_wait3A_339 = arith.constant 0 : i32
        %dma_wait3A_340 = tpu.memref_slice %arg13[%dma_wait3A_338, %dma_wait3A_339] : memref<10008x128xf32, #tpu.memory_space<vmem_shared>> -> memref<10008x128xf32, #tpu.memory_space<vmem_shared>>
        tpu.wait_indirect_dma semaphore(%arg21 : memref<!tpu.dma_semaphore, #tpu.memory_space<semaphore_mem>>) src(%arg12 : memref<64x128xf32, #tpu.memory_space<vmem>>) dst(%dma_wait3A_340 : memref<10008x128xf32, #tpu.memory_space<vmem_shared>>)
      } else {
      }
      %add3A_125 = arith.constant 3 : i32
      %add3A_126 = arith.addi %add3A_78, %add3A_125 : i32
      %lt3A_127 = arith.constant 80 : i32
      %lt3A_128 = arith.cmpi slt, %add3A_126, %lt3A_127 : i32
      %convert_element_type3A_129 = arith.extui %lt3A_128 : i1 to i32
      %cond3A_130 = arith.constant 0 : i32
      %cond3A_131 = arith.cmpi ne, %convert_element_type3A_129, %cond3A_130 : i32
      scf.if %cond3A_131 {
        %dma_start3A_333 = arith.constant 64 : i32
        %dma_start3A_334 = tpu.memref_slice %arg7[%select_n3A, %dma_start3A_333] : memref<40x128xi32, #tpu.memory_space<vmem>> -> memref<1x64xi32, #tpu.memory_space<vmem>>
        %dma_start3A_335 = tpu.memref_squeeze %dma_start3A_334 : memref<1x64xi32, #tpu.memory_space<vmem>> -> memref<64xi32, #tpu.memory_space<vmem>>
        %dma_start3A_336 = arith.constant 0 : i32
        %dma_start3A_337 = arith.constant 0 : i32
        %dma_start3A_338 = tpu.memref_slice %arg2[%dma_start3A_336, %dma_start3A_337] : memref<10000x128xf32, #tpu.memory_space<hbm>> -> memref<10000x128xf32, #tpu.memory_space<hbm>>
        tpu.enqueue_indirect_dma source(%dma_start3A_338 : memref<10000x128xf32, #tpu.memory_space<hbm>>) target(%arg12 : memref<64x128xf32, #tpu.memory_space<vmem>>) offsets(%dma_start3A_335 : memref<64xi32, #tpu.memory_space<vmem>>) semaphore(%arg17 : memref<!tpu.dma_semaphore, #tpu.memory_space<semaphore_mem>>)
      } else {
      }
      %mul3A_132 = arith.constant 4 : i32
      %mul3A_133 = arith.muli %mul3A_132, %scan3A_74 : i32
      %add3A_134 = arith.constant 1 : i32
      %add3A_135 = arith.addi %mul3A_133, %add3A_134 : i32
      %mul3A_136 = arith.constant 2 : i32
      %mul3A_137 = arith.muli %mul3A_136, %scan3A_74 : i32
      %add3A_138 = arith.constant 0 : i32
      %add3A_139 = arith.addi %mul3A_137, %add3A_138 : i32
      %mul3A_140 = arith.constant 4 : i32
      %mul3A_141 = arith.muli %mul3A_140, %scan3A_74 : i32
      %add3A_142 = arith.constant 1 : i32
      %add3A_143 = arith.addi %mul3A_141, %add3A_142 : i32
      %add3A_144 = arith.constant 3 : i32
      %add3A_145 = arith.addi %add3A_143, %add3A_144 : i32
      %jit3A_146 = arith.constant 2 : i32
      %div3A_147 = arith.divsi %add3A_145, %jit3A_146 : i32
      %sign3A_148 = arith.constant 0 : i32
      %sign3A_149 = arith.cmpi sgt, %add3A_145, %sign3A_148 : i32
      %sign3A_150 = arith.extui %sign3A_149 : i1 to i32
      %sign3A_151 = arith.constant 0 : i32
      %sign3A_152 = arith.cmpi slt, %add3A_145, %sign3A_151 : i32
      %sign3A_153 = arith.extui %sign3A_152 : i1 to i32
      %sign3A_154 = arith.subi %sign3A_150, %sign3A_153 : i32
      %sign3A_155 = arith.constant 0 : i32
      %sign3A_156 = arith.cmpi sgt, %jit3A_146, %sign3A_155 : i32
      %sign3A_157 = arith.extui %sign3A_156 : i1 to i32
      %sign3A_158 = arith.constant 0 : i32
      %sign3A_159 = arith.cmpi slt, %jit3A_146, %sign3A_158 : i32
      %sign3A_160 = arith.extui %sign3A_159 : i1 to i32
      %sign3A_161 = arith.subi %sign3A_157, %sign3A_160 : i32
      %ne3A_162 = arith.cmpi ne, %sign3A_154, %sign3A_161 : i32
      %rem3A_163 = arith.remsi %add3A_145, %jit3A_146 : i32
      %ne3A_164 = arith.constant 0 : i32
      %ne3A_165 = arith.cmpi ne, %rem3A_163, %ne3A_164 : i32
      %and3A_166 = arith.andi %ne3A_162, %ne3A_165 : i1
      %sub3A_167 = arith.constant 1 : i32
      %sub3A_168 = arith.subi %div3A_147, %sub3A_167 : i32
      %select_n3A_169 = arith.select %and3A_166, %sub3A_168, %div3A_147 : i32
      %dma_wait3A_170 = arith.constant 64 : i32
      %dma_wait3A_171 = tpu.memref_slice %arg7[%add3A_139, %dma_wait3A_170] : memref<40x128xi32, #tpu.memory_space<vmem>> -> memref<1x64xi32, #tpu.memory_space<vmem>>
      %dma_wait3A_172 = tpu.memref_squeeze %dma_wait3A_171 : memref<1x64xi32, #tpu.memory_space<vmem>> -> memref<64xi32, #tpu.memory_space<vmem>>
      %dma_wait3A_173 = arith.constant 0 : i32
      %dma_wait3A_174 = arith.constant 0 : i32
      %dma_wait3A_175 = tpu.memref_slice %arg2[%dma_wait3A_173, %dma_wait3A_174] : memref<10000x128xf32, #tpu.memory_space<hbm>> -> memref<10000x128xf32, #tpu.memory_space<hbm>>
      tpu.wait_indirect_dma semaphore(%arg15 : memref<!tpu.dma_semaphore, #tpu.memory_space<semaphore_mem>>) src(%dma_wait3A_175 : memref<10000x128xf32, #tpu.memory_space<hbm>>) dst(%arg10 : memref<64x128xf32, #tpu.memory_space<vmem>>)
      %dma_start3A_176 = arith.constant 0 : i32
      %dma_start3A_177 = tpu.memref_slice %arg8[%add3A_135, %dma_start3A_176] : memref<80x64xi32, #tpu.memory_space<vmem>> -> memref<1x64xi32, #tpu.memory_space<vmem>>
      %dma_start3A_178 = tpu.memref_squeeze %dma_start3A_177 : memref<1x64xi32, #tpu.memory_space<vmem>> -> memref<64xi32, #tpu.memory_space<vmem>>
      %dma_start3A_179 = arith.constant 0 : i32
      %dma_start3A_180 = arith.constant 0 : i32
      %dma_start3A_181 = tpu.memref_slice %arg13[%dma_start3A_179, %dma_start3A_180] : memref<10008x128xf32, #tpu.memory_space<vmem_shared>> -> memref<10008x128xf32, #tpu.memory_space<vmem_shared>>
      tpu.enqueue_indirect_dma source(%arg10 : memref<64x128xf32, #tpu.memory_space<vmem>>) target(%dma_start3A_181 : memref<10008x128xf32, #tpu.memory_space<vmem_shared>>) offsets(%dma_start3A_178 : memref<64xi32, #tpu.memory_space<vmem>>) semaphore(%arg19 : memref<!tpu.dma_semaphore, #tpu.memory_space<semaphore_mem>>) {add = true}
      %add3A_182 = arith.constant 3 : i32
      %add3A_183 = arith.addi %add3A_135, %add3A_182 : i32
      %lt3A_184 = arith.constant 80 : i32
      %lt3A_185 = arith.cmpi slt, %add3A_183, %lt3A_184 : i32
      %ge3A_186 = arith.constant 1 : i32
      %ge3A_187 = arith.cmpi sge, %add3A_135, %ge3A_186 : i32
      %and3A_188 = arith.andi %lt3A_185, %ge3A_187 : i1
      %convert_element_type3A_189 = arith.extui %and3A_188 : i1 to i32
      %cond3A_190 = arith.constant 0 : i32
      %cond3A_191 = arith.cmpi ne, %convert_element_type3A_189, %cond3A_190 : i32
      scf.if %cond3A_191 {
        %sub3A_333 = arith.constant 1 : i32
        %sub3A_334 = arith.subi %add3A_135, %sub3A_333 : i32
        %dma_wait3A_335 = arith.constant 0 : i32
        %dma_wait3A_336 = tpu.memref_slice %arg8[%sub3A_334, %dma_wait3A_335] : memref<80x64xi32, #tpu.memory_space<vmem>> -> memref<1x64xi32, #tpu.memory_space<vmem>>
        %dma_wait3A_337 = tpu.memref_squeeze %dma_wait3A_336 : memref<1x64xi32, #tpu.memory_space<vmem>> -> memref<64xi32, #tpu.memory_space<vmem>>
        %dma_wait3A_338 = arith.constant 0 : i32
        %dma_wait3A_339 = arith.constant 0 : i32
        %dma_wait3A_340 = tpu.memref_slice %arg13[%dma_wait3A_338, %dma_wait3A_339] : memref<10008x128xf32, #tpu.memory_space<vmem_shared>> -> memref<10008x128xf32, #tpu.memory_space<vmem_shared>>
        tpu.wait_indirect_dma semaphore(%arg18 : memref<!tpu.dma_semaphore, #tpu.memory_space<semaphore_mem>>) src(%arg9 : memref<64x128xf32, #tpu.memory_space<vmem>>) dst(%dma_wait3A_340 : memref<10008x128xf32, #tpu.memory_space<vmem_shared>>)
      } else {
      }
      %add3A_192 = arith.constant 3 : i32
      %add3A_193 = arith.addi %add3A_135, %add3A_192 : i32
      %lt3A_194 = arith.constant 80 : i32
      %lt3A_195 = arith.cmpi slt, %add3A_193, %lt3A_194 : i32
      %convert_element_type3A_196 = arith.extui %lt3A_195 : i1 to i32
      %cond3A_197 = arith.constant 0 : i32
      %cond3A_198 = arith.cmpi ne, %convert_element_type3A_196, %cond3A_197 : i32
      scf.if %cond3A_198 {
        %dma_start3A_333 = arith.constant 0 : i32
        %dma_start3A_334 = tpu.memref_slice %arg7[%select_n3A_169, %dma_start3A_333] : memref<40x128xi32, #tpu.memory_space<vmem>> -> memref<1x64xi32, #tpu.memory_space<vmem>>
        %dma_start3A_335 = tpu.memref_squeeze %dma_start3A_334 : memref<1x64xi32, #tpu.memory_space<vmem>> -> memref<64xi32, #tpu.memory_space<vmem>>
        %dma_start3A_336 = arith.constant 0 : i32
        %dma_start3A_337 = arith.constant 0 : i32
        %dma_start3A_338 = tpu.memref_slice %arg2[%dma_start3A_336, %dma_start3A_337] : memref<10000x128xf32, #tpu.memory_space<hbm>> -> memref<10000x128xf32, #tpu.memory_space<hbm>>
        tpu.enqueue_indirect_dma source(%dma_start3A_338 : memref<10000x128xf32, #tpu.memory_space<hbm>>) target(%arg9 : memref<64x128xf32, #tpu.memory_space<vmem>>) offsets(%dma_start3A_335 : memref<64xi32, #tpu.memory_space<vmem>>) semaphore(%arg14 : memref<!tpu.dma_semaphore, #tpu.memory_space<semaphore_mem>>)
      } else {
      }
      %mul3A_199 = arith.constant 4 : i32
      %mul3A_200 = arith.muli %mul3A_199, %scan3A_74 : i32
      %add3A_201 = arith.constant 2 : i32
      %add3A_202 = arith.addi %mul3A_200, %add3A_201 : i32
      %mul3A_203 = arith.constant 2 : i32
      %mul3A_204 = arith.muli %mul3A_203, %scan3A_74 : i32
      %add3A_205 = arith.constant 1 : i32
      %add3A_206 = arith.addi %mul3A_204, %add3A_205 : i32
      %mul3A_207 = arith.constant 4 : i32
      %mul3A_208 = arith.muli %mul3A_207, %scan3A_74 : i32
      %add3A_209 = arith.constant 2 : i32
      %add3A_210 = arith.addi %mul3A_208, %add3A_209 : i32
      %add3A_211 = arith.constant 3 : i32
      %add3A_212 = arith.addi %add3A_210, %add3A_211 : i32
      %jit3A_213 = arith.constant 2 : i32
      %div3A_214 = arith.divsi %add3A_212, %jit3A_213 : i32
      %sign3A_215 = arith.constant 0 : i32
      %sign3A_216 = arith.cmpi sgt, %add3A_212, %sign3A_215 : i32
      %sign3A_217 = arith.extui %sign3A_216 : i1 to i32
      %sign3A_218 = arith.constant 0 : i32
      %sign3A_219 = arith.cmpi slt, %add3A_212, %sign3A_218 : i32
      %sign3A_220 = arith.extui %sign3A_219 : i1 to i32
      %sign3A_221 = arith.subi %sign3A_217, %sign3A_220 : i32
      %sign3A_222 = arith.constant 0 : i32
      %sign3A_223 = arith.cmpi sgt, %jit3A_213, %sign3A_222 : i32
      %sign3A_224 = arith.extui %sign3A_223 : i1 to i32
      %sign3A_225 = arith.constant 0 : i32
      %sign3A_226 = arith.cmpi slt, %jit3A_213, %sign3A_225 : i32
      %sign3A_227 = arith.extui %sign3A_226 : i1 to i32
      %sign3A_228 = arith.subi %sign3A_224, %sign3A_227 : i32
      %ne3A_229 = arith.cmpi ne, %sign3A_221, %sign3A_228 : i32
      %rem3A_230 = arith.remsi %add3A_212, %jit3A_213 : i32
      %ne3A_231 = arith.constant 0 : i32
      %ne3A_232 = arith.cmpi ne, %rem3A_230, %ne3A_231 : i32
      %and3A_233 = arith.andi %ne3A_229, %ne3A_232 : i1
      %sub3A_234 = arith.constant 1 : i32
      %sub3A_235 = arith.subi %div3A_214, %sub3A_234 : i32
      %select_n3A_236 = arith.select %and3A_233, %sub3A_235, %div3A_214 : i32
      %dma_wait3A_237 = arith.constant 0 : i32
      %dma_wait3A_238 = tpu.memref_slice %arg7[%add3A_206, %dma_wait3A_237] : memref<40x128xi32, #tpu.memory_space<vmem>> -> memref<1x64xi32, #tpu.memory_space<vmem>>
      %dma_wait3A_239 = tpu.memref_squeeze %dma_wait3A_238 : memref<1x64xi32, #tpu.memory_space<vmem>> -> memref<64xi32, #tpu.memory_space<vmem>>
      %dma_wait3A_240 = arith.constant 0 : i32
      %dma_wait3A_241 = arith.constant 0 : i32
      %dma_wait3A_242 = tpu.memref_slice %arg2[%dma_wait3A_240, %dma_wait3A_241] : memref<10000x128xf32, #tpu.memory_space<hbm>> -> memref<10000x128xf32, #tpu.memory_space<hbm>>
      tpu.wait_indirect_dma semaphore(%arg16 : memref<!tpu.dma_semaphore, #tpu.memory_space<semaphore_mem>>) src(%dma_wait3A_242 : memref<10000x128xf32, #tpu.memory_space<hbm>>) dst(%arg11 : memref<64x128xf32, #tpu.memory_space<vmem>>)
      %dma_start3A_243 = arith.constant 0 : i32
      %dma_start3A_244 = tpu.memref_slice %arg8[%add3A_202, %dma_start3A_243] : memref<80x64xi32, #tpu.memory_space<vmem>> -> memref<1x64xi32, #tpu.memory_space<vmem>>
      %dma_start3A_245 = tpu.memref_squeeze %dma_start3A_244 : memref<1x64xi32, #tpu.memory_space<vmem>> -> memref<64xi32, #tpu.memory_space<vmem>>
      %dma_start3A_246 = arith.constant 0 : i32
      %dma_start3A_247 = arith.constant 0 : i32
      %dma_start3A_248 = tpu.memref_slice %arg13[%dma_start3A_246, %dma_start3A_247] : memref<10008x128xf32, #tpu.memory_space<vmem_shared>> -> memref<10008x128xf32, #tpu.memory_space<vmem_shared>>
      tpu.enqueue_indirect_dma source(%arg11 : memref<64x128xf32, #tpu.memory_space<vmem>>) target(%dma_start3A_248 : memref<10008x128xf32, #tpu.memory_space<vmem_shared>>) offsets(%dma_start3A_245 : memref<64xi32, #tpu.memory_space<vmem>>) semaphore(%arg20 : memref<!tpu.dma_semaphore, #tpu.memory_space<semaphore_mem>>) {add = true}
      %add3A_249 = arith.constant 3 : i32
      %add3A_250 = arith.addi %add3A_202, %add3A_249 : i32
      %lt3A_251 = arith.constant 80 : i32
      %lt3A_252 = arith.cmpi slt, %add3A_250, %lt3A_251 : i32
      %ge3A_253 = arith.constant 1 : i32
      %ge3A_254 = arith.cmpi sge, %add3A_202, %ge3A_253 : i32
      %and3A_255 = arith.andi %lt3A_252, %ge3A_254 : i1
      %convert_element_type3A_256 = arith.extui %and3A_255 : i1 to i32
      %cond3A_257 = arith.constant 0 : i32
      %cond3A_258 = arith.cmpi ne, %convert_element_type3A_256, %cond3A_257 : i32
      scf.if %cond3A_258 {
        %sub3A_333 = arith.constant 1 : i32
        %sub3A_334 = arith.subi %add3A_202, %sub3A_333 : i32
        %dma_wait3A_335 = arith.constant 0 : i32
        %dma_wait3A_336 = tpu.memref_slice %arg8[%sub3A_334, %dma_wait3A_335] : memref<80x64xi32, #tpu.memory_space<vmem>> -> memref<1x64xi32, #tpu.memory_space<vmem>>
        %dma_wait3A_337 = tpu.memref_squeeze %dma_wait3A_336 : memref<1x64xi32, #tpu.memory_space<vmem>> -> memref<64xi32, #tpu.memory_space<vmem>>
        %dma_wait3A_338 = arith.constant 0 : i32
        %dma_wait3A_339 = arith.constant 0 : i32
        %dma_wait3A_340 = tpu.memref_slice %arg13[%dma_wait3A_338, %dma_wait3A_339] : memref<10008x128xf32, #tpu.memory_space<vmem_shared>> -> memref<10008x128xf32, #tpu.memory_space<vmem_shared>>
        tpu.wait_indirect_dma semaphore(%arg19 : memref<!tpu.dma_semaphore, #tpu.memory_space<semaphore_mem>>) src(%arg10 : memref<64x128xf32, #tpu.memory_space<vmem>>) dst(%dma_wait3A_340 : memref<10008x128xf32, #tpu.memory_space<vmem_shared>>)
      } else {
      }
      %add3A_259 = arith.constant 3 : i32
      %add3A_260 = arith.addi %add3A_202, %add3A_259 : i32
      %lt3A_261 = arith.constant 80 : i32
      %lt3A_262 = arith.cmpi slt, %add3A_260, %lt3A_261 : i32
      %convert_element_type3A_263 = arith.extui %lt3A_262 : i1 to i32
      %cond3A_264 = arith.constant 0 : i32
      %cond3A_265 = arith.cmpi ne, %convert_element_type3A_263, %cond3A_264 : i32
      scf.if %cond3A_265 {
        %dma_start3A_333 = arith.constant 64 : i32
        %dma_start3A_334 = tpu.memref_slice %arg7[%select_n3A_236, %dma_start3A_333] : memref<40x128xi32, #tpu.memory_space<vmem>> -> memref<1x64xi32, #tpu.memory_space<vmem>>
        %dma_start3A_335 = tpu.memref_squeeze %dma_start3A_334 : memref<1x64xi32, #tpu.memory_space<vmem>> -> memref<64xi32, #tpu.memory_space<vmem>>
        %dma_start3A_336 = arith.constant 0 : i32
        %dma_start3A_337 = arith.constant 0 : i32
        %dma_start3A_338 = tpu.memref_slice %arg2[%dma_start3A_336, %dma_start3A_337] : memref<10000x128xf32, #tpu.memory_space<hbm>> -> memref<10000x128xf32, #tpu.memory_space<hbm>>
        tpu.enqueue_indirect_dma source(%dma_start3A_338 : memref<10000x128xf32, #tpu.memory_space<hbm>>) target(%arg10 : memref<64x128xf32, #tpu.memory_space<vmem>>) offsets(%dma_start3A_335 : memref<64xi32, #tpu.memory_space<vmem>>) semaphore(%arg15 : memref<!tpu.dma_semaphore, #tpu.memory_space<semaphore_mem>>)
      } else {
      }
      %mul3A_266 = arith.constant 4 : i32
      %mul3A_267 = arith.muli %mul3A_266, %scan3A_74 : i32
      %add3A_268 = arith.constant 3 : i32
      %add3A_269 = arith.addi %mul3A_267, %add3A_268 : i32
      %mul3A_270 = arith.constant 2 : i32
      %mul3A_271 = arith.muli %mul3A_270, %scan3A_74 : i32
      %add3A_272 = arith.constant 1 : i32
      %add3A_273 = arith.addi %mul3A_271, %add3A_272 : i32
      %mul3A_274 = arith.constant 4 : i32
      %mul3A_275 = arith.muli %mul3A_274, %scan3A_74 : i32
      %add3A_276 = arith.constant 3 : i32
      %add3A_277 = arith.addi %mul3A_275, %add3A_276 : i32
      %add3A_278 = arith.constant 3 : i32
      %add3A_279 = arith.addi %add3A_277, %add3A_278 : i32
      %jit3A_280 = arith.constant 2 : i32
      %div3A_281 = arith.divsi %add3A_279, %jit3A_280 : i32
      %sign3A_282 = arith.constant 0 : i32
      %sign3A_283 = arith.cmpi sgt, %add3A_279, %sign3A_282 : i32
      %sign3A_284 = arith.extui %sign3A_283 : i1 to i32
      %sign3A_285 = arith.constant 0 : i32
      %sign3A_286 = arith.cmpi slt, %add3A_279, %sign3A_285 : i32
      %sign3A_287 = arith.extui %sign3A_286 : i1 to i32
      %sign3A_288 = arith.subi %sign3A_284, %sign3A_287 : i32
      %sign3A_289 = arith.constant 0 : i32
      %sign3A_290 = arith.cmpi sgt, %jit3A_280, %sign3A_289 : i32
      %sign3A_291 = arith.extui %sign3A_290 : i1 to i32
      %sign3A_292 = arith.constant 0 : i32
      %sign3A_293 = arith.cmpi slt, %jit3A_280, %sign3A_292 : i32
      %sign3A_294 = arith.extui %sign3A_293 : i1 to i32
      %sign3A_295 = arith.subi %sign3A_291, %sign3A_294 : i32
      %ne3A_296 = arith.cmpi ne, %sign3A_288, %sign3A_295 : i32
      %rem3A_297 = arith.remsi %add3A_279, %jit3A_280 : i32
      %ne3A_298 = arith.constant 0 : i32
      %ne3A_299 = arith.cmpi ne, %rem3A_297, %ne3A_298 : i32
      %and3A_300 = arith.andi %ne3A_296, %ne3A_299 : i1
      %sub3A_301 = arith.constant 1 : i32
      %sub3A_302 = arith.subi %div3A_281, %sub3A_301 : i32
      %select_n3A_303 = arith.select %and3A_300, %sub3A_302, %div3A_281 : i32
      %dma_wait3A_304 = arith.constant 64 : i32
      %dma_wait3A_305 = tpu.memref_slice %arg7[%add3A_273, %dma_wait3A_304] : memref<40x128xi32, #tpu.memory_space<vmem>> -> memref<1x64xi32, #tpu.memory_space<vmem>>
      %dma_wait3A_306 = tpu.memref_squeeze %dma_wait3A_305 : memref<1x64xi32, #tpu.memory_space<vmem>> -> memref<64xi32, #tpu.memory_space<vmem>>
      %dma_wait3A_307 = arith.constant 0 : i32
      %dma_wait3A_308 = arith.constant 0 : i32
      %dma_wait3A_309 = tpu.memref_slice %arg2[%dma_wait3A_307, %dma_wait3A_308] : memref<10000x128xf32, #tpu.memory_space<hbm>> -> memref<10000x128xf32, #tpu.memory_space<hbm>>
      tpu.wait_indirect_dma semaphore(%arg17 : memref<!tpu.dma_semaphore, #tpu.memory_space<semaphore_mem>>) src(%dma_wait3A_309 : memref<10000x128xf32, #tpu.memory_space<hbm>>) dst(%arg12 : memref<64x128xf32, #tpu.memory_space<vmem>>)
      %dma_start3A_310 = arith.constant 0 : i32
      %dma_start3A_311 = tpu.memref_slice %arg8[%add3A_269, %dma_start3A_310] : memref<80x64xi32, #tpu.memory_space<vmem>> -> memref<1x64xi32, #tpu.memory_space<vmem>>
      %dma_start3A_312 = tpu.memref_squeeze %dma_start3A_311 : memref<1x64xi32, #tpu.memory_space<vmem>> -> memref<64xi32, #tpu.memory_space<vmem>>
      %dma_start3A_313 = arith.constant 0 : i32
      %dma_start3A_314 = arith.constant 0 : i32
      %dma_start3A_315 = tpu.memref_slice %arg13[%dma_start3A_313, %dma_start3A_314] : memref<10008x128xf32, #tpu.memory_space<vmem_shared>> -> memref<10008x128xf32, #tpu.memory_space<vmem_shared>>
      tpu.enqueue_indirect_dma source(%arg12 : memref<64x128xf32, #tpu.memory_space<vmem>>) target(%dma_start3A_315 : memref<10008x128xf32, #tpu.memory_space<vmem_shared>>) offsets(%dma_start3A_312 : memref<64xi32, #tpu.memory_space<vmem>>) semaphore(%arg21 : memref<!tpu.dma_semaphore, #tpu.memory_space<semaphore_mem>>) {add = true}
      %add3A_316 = arith.constant 3 : i32
      %add3A_317 = arith.addi %add3A_269, %add3A_316 : i32
      %lt3A_318 = arith.constant 80 : i32
      %lt3A_319 = arith.cmpi slt, %add3A_317, %lt3A_318 : i32
      %ge3A_320 = arith.constant 1 : i32
      %ge3A_321 = arith.cmpi sge, %add3A_269, %ge3A_320 : i32
      %and3A_322 = arith.andi %lt3A_319, %ge3A_321 : i1
      %convert_element_type3A_323 = arith.extui %and3A_322 : i1 to i32
      %cond3A_324 = arith.constant 0 : i32
      %cond3A_325 = arith.cmpi ne, %convert_element_type3A_323, %cond3A_324 : i32
      scf.if %cond3A_325 {
        %sub3A_333 = arith.constant 1 : i32
        %sub3A_334 = arith.subi %add3A_269, %sub3A_333 : i32
        %dma_wait3A_335 = arith.constant 0 : i32
        %dma_wait3A_336 = tpu.memref_slice %arg8[%sub3A_334, %dma_wait3A_335] : memref<80x64xi32, #tpu.memory_space<vmem>> -> memref<1x64xi32, #tpu.memory_space<vmem>>
        %dma_wait3A_337 = tpu.memref_squeeze %dma_wait3A_336 : memref<1x64xi32, #tpu.memory_space<vmem>> -> memref<64xi32, #tpu.memory_space<vmem>>
        %dma_wait3A_338 = arith.constant 0 : i32
        %dma_wait3A_339 = arith.constant 0 : i32
        %dma_wait3A_340 = tpu.memref_slice %arg13[%dma_wait3A_338, %dma_wait3A_339] : memref<10008x128xf32, #tpu.memory_space<vmem_shared>> -> memref<10008x128xf32, #tpu.memory_space<vmem_shared>>
        tpu.wait_indirect_dma semaphore(%arg20 : memref<!tpu.dma_semaphore, #tpu.memory_space<semaphore_mem>>) src(%arg11 : memref<64x128xf32, #tpu.memory_space<vmem>>) dst(%dma_wait3A_340 : memref<10008x128xf32, #tpu.memory_space<vmem_shared>>)
      } else {
      }
      %add3A_326 = arith.constant 3 : i32
      %add3A_327 = arith.addi %add3A_269, %add3A_326 : i32
      %lt3A_328 = arith.constant 80 : i32
      %lt3A_329 = arith.cmpi slt, %add3A_327, %lt3A_328 : i32
      %convert_element_type3A_330 = arith.extui %lt3A_329 : i1 to i32
      %cond3A_331 = arith.constant 0 : i32
      %cond3A_332 = arith.cmpi ne, %convert_element_type3A_330, %cond3A_331 : i32
      scf.if %cond3A_332 {
        %dma_start3A_333 = arith.constant 0 : i32
        %dma_start3A_334 = tpu.memref_slice %arg7[%select_n3A_303, %dma_start3A_333] : memref<40x128xi32, #tpu.memory_space<vmem>> -> memref<1x64xi32, #tpu.memory_space<vmem>>
        %dma_start3A_335 = tpu.memref_squeeze %dma_start3A_334 : memref<1x64xi32, #tpu.memory_space<vmem>> -> memref<64xi32, #tpu.memory_space<vmem>>
        %dma_start3A_336 = arith.constant 0 : i32
        %dma_start3A_337 = arith.constant 0 : i32
        %dma_start3A_338 = tpu.memref_slice %arg2[%dma_start3A_336, %dma_start3A_337] : memref<10000x128xf32, #tpu.memory_space<hbm>> -> memref<10000x128xf32, #tpu.memory_space<hbm>>
        tpu.enqueue_indirect_dma source(%dma_start3A_338 : memref<10000x128xf32, #tpu.memory_space<hbm>>) target(%arg11 : memref<64x128xf32, #tpu.memory_space<vmem>>) offsets(%dma_start3A_335 : memref<64xi32, #tpu.memory_space<vmem>>) semaphore(%arg16 : memref<!tpu.dma_semaphore, #tpu.memory_space<semaphore_mem>>)
      } else {
      }
    }
    %scan3A_33 = arith.constant 20 : i32
    %dma_wait3A = arith.constant 76 : i32
    %dma_wait3A_34 = arith.constant 0 : i32
    %dma_wait3A_35 = tpu.memref_slice %arg8[%dma_wait3A, %dma_wait3A_34] : memref<80x64xi32, #tpu.memory_space<vmem>> -> memref<1x64xi32, #tpu.memory_space<vmem>>
    %dma_wait3A_36 = tpu.memref_squeeze %dma_wait3A_35 : memref<1x64xi32, #tpu.memory_space<vmem>> -> memref<64xi32, #tpu.memory_space<vmem>>
    %dma_wait3A_37 = arith.constant 0 : i32
    %dma_wait3A_38 = arith.constant 0 : i32
    %dma_wait3A_39 = tpu.memref_slice %arg13[%dma_wait3A_37, %dma_wait3A_38] : memref<10008x128xf32, #tpu.memory_space<vmem_shared>> -> memref<10008x128xf32, #tpu.memory_space<vmem_shared>>
    tpu.wait_indirect_dma semaphore(%arg18 : memref<!tpu.dma_semaphore, #tpu.memory_space<semaphore_mem>>) src(%arg9 : memref<64x128xf32, #tpu.memory_space<vmem>>) dst(%dma_wait3A_39 : memref<10008x128xf32, #tpu.memory_space<vmem_shared>>)
    %dma_wait3A_40 = arith.constant 77 : i32
    %dma_wait3A_41 = arith.constant 0 : i32
    %dma_wait3A_42 = tpu.memref_slice %arg8[%dma_wait3A_40, %dma_wait3A_41] : memref<80x64xi32, #tpu.memory_space<vmem>> -> memref<1x64xi32, #tpu.memory_space<vmem>>
    %dma_wait3A_43 = tpu.memref_squeeze %dma_wait3A_42 : memref<1x64xi32, #tpu.memory_space<vmem>> -> memref<64xi32, #tpu.memory_space<vmem>>
    %dma_wait3A_44 = arith.constant 0 : i32
    %dma_wait3A_45 = arith.constant 0 : i32
    %dma_wait3A_46 = tpu.memref_slice %arg13[%dma_wait3A_44, %dma_wait3A_45] : memref<10008x128xf32, #tpu.memory_space<vmem_shared>> -> memref<10008x128xf32, #tpu.memory_space<vmem_shared>>
    tpu.wait_indirect_dma semaphore(%arg19 : memref<!tpu.dma_semaphore, #tpu.memory_space<semaphore_mem>>) src(%arg10 : memref<64x128xf32, #tpu.memory_space<vmem>>) dst(%dma_wait3A_46 : memref<10008x128xf32, #tpu.memory_space<vmem_shared>>)
    %dma_wait3A_47 = arith.constant 78 : i32
    %dma_wait3A_48 = arith.constant 0 : i32
    %dma_wait3A_49 = tpu.memref_slice %arg8[%dma_wait3A_47, %dma_wait3A_48] : memref<80x64xi32, #tpu.memory_space<vmem>> -> memref<1x64xi32, #tpu.memory_space<vmem>>
    %dma_wait3A_50 = tpu.memref_squeeze %dma_wait3A_49 : memref<1x64xi32, #tpu.memory_space<vmem>> -> memref<64xi32, #tpu.memory_space<vmem>>
    %dma_wait3A_51 = arith.constant 0 : i32
    %dma_wait3A_52 = arith.constant 0 : i32
    %dma_wait3A_53 = tpu.memref_slice %arg13[%dma_wait3A_51, %dma_wait3A_52] : memref<10008x128xf32, #tpu.memory_space<vmem_shared>> -> memref<10008x128xf32, #tpu.memory_space<vmem_shared>>
    tpu.wait_indirect_dma semaphore(%arg20 : memref<!tpu.dma_semaphore, #tpu.memory_space<semaphore_mem>>) src(%arg11 : memref<64x128xf32, #tpu.memory_space<vmem>>) dst(%dma_wait3A_53 : memref<10008x128xf32, #tpu.memory_space<vmem_shared>>)
    %dma_wait3A_54 = arith.constant 79 : i32
    %dma_wait3A_55 = arith.constant 0 : i32
    %dma_wait3A_56 = tpu.memref_slice %arg8[%dma_wait3A_54, %dma_wait3A_55] : memref<80x64xi32, #tpu.memory_space<vmem>> -> memref<1x64xi32, #tpu.memory_space<vmem>>
    %dma_wait3A_57 = tpu.memref_squeeze %dma_wait3A_56 : memref<1x64xi32, #tpu.memory_space<vmem>> -> memref<64xi32, #tpu.memory_space<vmem>>
    %dma_wait3A_58 = arith.constant 0 : i32
    %dma_wait3A_59 = arith.constant 0 : i32
    %dma_wait3A_60 = tpu.memref_slice %arg13[%dma_wait3A_58, %dma_wait3A_59] : memref<10008x128xf32, #tpu.memory_space<vmem_shared>> -> memref<10008x128xf32, #tpu.memory_space<vmem_shared>>
    tpu.wait_indirect_dma semaphore(%arg21 : memref<!tpu.dma_semaphore, #tpu.memory_space<semaphore_mem>>) src(%arg12 : memref<64x128xf32, #tpu.memory_space<vmem>>) dst(%dma_wait3A_60 : memref<10008x128xf32, #tpu.memory_space<vmem_shared>>)
    %barrier3A_61 = arith.constant 0 : index
    tpu.barrier barrier_id(%barrier3A_61)
    %mul3A_62 = arith.constant 624 : i32
    %mul3A_63 = arith.muli %arg1, %mul3A_62 : i32
    %mul3A_64 = arith.constant 10000 : i32
    %mul3A_65 = arith.muli %arg0, %mul3A_64 : i32
    %mul3A_66 = arith.constant 624 : i32
    %mul3A_67 = arith.muli %arg1, %mul3A_66 : i32
    %add3A_68 = arith.addi %mul3A_65, %mul3A_67 : i32
    "tpu.region"() ({
      %run_scoped3A = tpu.sem_alloc : memref<!tpu.dma_semaphore, #tpu.memory_space<semaphore_mem>>
      %dma_start3A_74 = arith.constant 0 : i32
      %dma_start3A_75 = tpu.memref_slice %arg6[%add3A_68, %dma_start3A_74] : memref<20000x128xf32, #tpu.memory_space<hbm>> -> memref<624x128xf32, #tpu.memory_space<hbm>>
      %dma_start3A_76 = arith.constant 0 : i32
      %dma_start3A_77 = tpu.memref_slice %arg13[%mul3A_63, %dma_start3A_76] : memref<10008x128xf32, #tpu.memory_space<vmem_shared>> -> memref<624x128xf32, #tpu.memory_space<vmem_shared>>
      tpu.enqueue_dma source(%dma_start3A_77 : memref<624x128xf32, #tpu.memory_space<vmem_shared>>) target(%dma_start3A_75 : memref<624x128xf32, #tpu.memory_space<hbm>>) target_semaphore(%run_scoped3A : memref<!tpu.dma_semaphore, #tpu.memory_space<semaphore_mem>>)
      %dma_wait3A_78 = arith.constant 0 : i32
      %dma_wait3A_79 = tpu.memref_slice %arg6[%add3A_68, %dma_wait3A_78] : memref<20000x128xf32, #tpu.memory_space<hbm>> -> memref<624x128xf32, #tpu.memory_space<hbm>>
      %dma_wait3A_80 = arith.constant 0 : i32
      %dma_wait3A_81 = tpu.memref_slice %arg13[%mul3A_63, %dma_wait3A_80] : memref<10008x128xf32, #tpu.memory_space<vmem_shared>> -> memref<624x128xf32, #tpu.memory_space<vmem_shared>>
      tpu.wait_dma2 semaphore(%run_scoped3A : memref<!tpu.dma_semaphore, #tpu.memory_space<semaphore_mem>>) src(%dma_wait3A_81 : memref<624x128xf32, #tpu.memory_space<vmem_shared>>) dst(%dma_wait3A_79 : memref<624x128xf32, #tpu.memory_space<hbm>>)
      tpu.yield
    }) : () -> ()
    %eq3A_69 = arith.constant 15 : i32
    %eq3A_70 = arith.cmpi eq, %arg1, %eq3A_69 : i32
    %convert_element_type3A_71 = arith.extui %eq3A_70 : i1 to i32
    %cond3A_72 = arith.constant 0 : i32
    %cond3A_73 = arith.cmpi ne, %convert_element_type3A_71, %cond3A_72 : i32
    scf.if %cond3A_73 {
      %mul3A_74 = arith.constant 10000 : i32
      %mul3A_75 = arith.muli %arg0, %mul3A_74 : i32
      %add3A_76 = arith.constant 9984 : i32
      %add3A_77 = arith.addi %mul3A_75, %add3A_76 : i32
      "tpu.region"() ({
        %run_scoped3A = tpu.sem_alloc : memref<!tpu.dma_semaphore, #tpu.memory_space<semaphore_mem>>
        %dma_start3A_78 = arith.constant 0 : i32
        %dma_start3A_79 = tpu.memref_slice %arg6[%add3A_77, %dma_start3A_78] : memref<20000x128xf32, #tpu.memory_space<hbm>> -> memref<16x128xf32, #tpu.memory_space<hbm>>
        %dma_start3A_80 = arith.constant 9984 : i32
        %dma_start3A_81 = arith.constant 0 : i32
        %dma_start3A_82 = tpu.memref_slice %arg13[%dma_start3A_80, %dma_start3A_81] : memref<10008x128xf32, #tpu.memory_space<vmem_shared>> -> memref<16x128xf32, #tpu.memory_space<vmem_shared>>
        tpu.enqueue_dma source(%dma_start3A_82 : memref<16x128xf32, #tpu.memory_space<vmem_shared>>) target(%dma_start3A_79 : memref<16x128xf32, #tpu.memory_space<hbm>>) target_semaphore(%run_scoped3A : memref<!tpu.dma_semaphore, #tpu.memory_space<semaphore_mem>>)
        %dma_wait3A_83 = arith.constant 0 : i32
        %dma_wait3A_84 = tpu.memref_slice %arg6[%add3A_77, %dma_wait3A_83] : memref<20000x128xf32, #tpu.memory_space<hbm>> -> memref<16x128xf32, #tpu.memory_space<hbm>>
        %dma_wait3A_85 = arith.constant 9984 : i32
        %dma_wait3A_86 = arith.constant 0 : i32
        %dma_wait3A_87 = tpu.memref_slice %arg13[%dma_wait3A_85, %dma_wait3A_86] : memref<10008x128xf32, #tpu.memory_space<vmem_shared>> -> memref<16x128xf32, #tpu.memory_space<vmem_shared>>
        tpu.wait_dma2 semaphore(%run_scoped3A : memref<!tpu.dma_semaphore, #tpu.memory_space<semaphore_mem>>) src(%dma_wait3A_87 : memref<16x128xf32, #tpu.memory_space<vmem_shared>>) dst(%dma_wait3A_84 : memref<16x128xf32, #tpu.memory_space<hbm>>)
        tpu.yield
      }) : () -> ()
    } else {
    }
    return
  }
}

module attributes {stable_mosaic.version = 14 : i64} {
  func.func @_l0_body(%arg0: i32, %arg1: memref<2000x128xf32, #tpu.memory_space<vmem>>, %arg2: memref<2000x128xf32, #tpu.memory_space<vmem>>, %arg3: memref<2000x128xf32, #tpu.memory_space<vmem>>, %arg4: memref<1x1xf32, #tpu.memory_space<smem>>, %arg5: memref<1x128xf32, #tpu.memory_space<vmem>>, %arg6: memref<128x128xf32, #tpu.memory_space<vmem>>, %arg7: memref<1x128xf32, #tpu.memory_space<vmem>>, %arg8: memref<2000x128xf32, #tpu.memory_space<vmem>>, %arg9: memref<8x128xf32, #tpu.memory_space<vmem>>) attributes {dimension_semantics = [#tpu.dimension_semantics<arbitrary>], iteration_bounds = array<i64: 5>, scalar_prefetch = 0 : i64, scratch_operands = 0 : i64, tpu.core_type = #tpu.core_type<tc>, window_params = [{transform_indices = @transform_0, window_bounds = array<i64: 2000, 128>}, {transform_indices = @transform_1, window_bounds = array<i64: 2000, 128>}, {transform_indices = @transform_2, window_bounds = array<i64: 2000, 128>}, {transform_indices = @transform_3, window_bounds = array<i64: 1, 1>}, {pipeline_mode = #tpu.pipeline_mode<synchronous>, transform_indices = @transform_4, window_bounds = array<i64: 1, 128>}, {pipeline_mode = #tpu.pipeline_mode<synchronous>, transform_indices = @transform_5, window_bounds = array<i64: 128, 128>}, {pipeline_mode = #tpu.pipeline_mode<synchronous>, transform_indices = @transform_6, window_bounds = array<i64: 1, 128>}, {transform_indices = @transform_7, window_bounds = array<i64: 2000, 128>}, {pipeline_mode = #tpu.pipeline_mode<synchronous>, transform_indices = @transform_8, window_bounds = array<i64: 8, 128>}]} {
    %get3A = arith.constant 0 : index
    %get3A_0 = arith.constant 0 : index
    %get3A_1 = memref.load %arg4[%get3A, %get3A_0] : memref<1x1xf32, #tpu.memory_space<smem>>
    %add3A = arith.constant 1.000000e+00 : f32
    %add3A_2 = arith.addf %add3A, %get3A_1 : f32
    %get3A_3 = arith.constant 0 : index
    %get3A_4 = arith.constant 0 : index
    %get3A_5 = vector.load %arg1[%get3A_3, %get3A_4] : memref<2000x128xf32, #tpu.memory_space<vmem>>, vector<2000x128xf32>
    %mul3A = vector.broadcast %add3A_2 : f32 to vector<2000x128xf32>
    %mul3A_6 = arith.mulf %mul3A, %get3A_5 : vector<2000x128xf32>
    %get3A_7 = arith.constant 0 : index
    %get3A_8 = arith.constant 0 : index
    %get3A_9 = vector.load %arg2[%get3A_7, %get3A_8] : memref<2000x128xf32, #tpu.memory_space<vmem>>, vector<2000x128xf32>
    %add3A_10 = arith.addf %mul3A_6, %get3A_9 : vector<2000x128xf32>
    %get3A_11 = arith.constant 0 : index
    %get3A_12 = arith.constant 0 : index
    %get3A_13 = vector.load %arg3[%get3A_11, %get3A_12] : memref<2000x128xf32, #tpu.memory_space<vmem>>, vector<2000x128xf32>
    %add3A_14 = arith.addf %add3A_10, %get3A_13 : vector<2000x128xf32>
    %get3A_15 = arith.constant 0 : index
    %get3A_16 = arith.constant 0 : index
    %get3A_17 = vector.load %arg5[%get3A_15, %get3A_16] : memref<1x128xf32, #tpu.memory_space<vmem>>, vector<1x128xf32>
    %add3A_18 = vector.broadcast %get3A_17 : vector<1x128xf32> to vector<2000x128xf32>
    %add3A_19 = arith.addf %add3A_14, %add3A_18 : vector<2000x128xf32>
    %max3A = arith.constant 0.000000e+00 : f32
    %max3A_20 = vector.broadcast %max3A : f32 to vector<2000x128xf32>
    %max3A_21 = arith.maximumf %add3A_19, %max3A_20 : vector<2000x128xf32>
    %get3A_22 = arith.constant 0 : index
    %get3A_23 = arith.constant 0 : index
    %get3A_24 = vector.load %arg6[%get3A_22, %get3A_23] : memref<128x128xf32, #tpu.memory_space<vmem>>, vector<128x128xf32>
    %dot_general3A = arith.constant dense<0.000000e+00> : vector<2000x128xf32>
    %dot_general3A_25 = tpu.matmul %max3A_21, %get3A_24, %dot_general3A {dimension_numbers = #tpu.dot_dimension_numbers<[1], [0], [0], [1], [0, 0, 1, 1], [], []>, transpose_lhs_hint = false} : vector<2000x128xf32>, vector<128x128xf32>, vector<2000x128xf32> -> vector<2000x128xf32>
    %get3A_26 = arith.constant 0 : index
    %get3A_27 = arith.constant 0 : index
    %get3A_28 = vector.load %arg7[%get3A_26, %get3A_27] : memref<1x128xf32, #tpu.memory_space<vmem>>, vector<1x128xf32>
    %add3A_29 = vector.broadcast %get3A_28 : vector<1x128xf32> to vector<2000x128xf32>
    %add3A_30 = arith.addf %dot_general3A_25, %add3A_29 : vector<2000x128xf32>
    %swap3A = arith.constant 0 : index
    %swap3A_31 = arith.constant 0 : index
    %swap3A_32 = vector.load %arg8[%swap3A, %swap3A_31] : memref<2000x128xf32, #tpu.memory_space<vmem>>, vector<2000x128xf32>
    tpu.vector_store %arg8[%swap3A, %swap3A_31], %add3A_30 {strides = array<i32>} : memref<2000x128xf32, #tpu.memory_space<vmem>>, vector<2000x128xf32>,
    %eq3A = arith.constant 0 : i32
    %eq3A_33 = arith.cmpi eq, %arg0, %eq3A : i32
    %convert_element_type3A = arith.extui %eq3A_33 : i1 to i32
    %cond3A = arith.constant 0 : i32
    %cond3A_34 = arith.cmpi ne, %convert_element_type3A, %cond3A : i32
    scf.if %cond3A_34 {
      %broadcast_in_dim3A_54 = arith.constant 0.000000e+00 : f32
      %broadcast_in_dim3A_55 = vector.broadcast %broadcast_in_dim3A_54 : f32 to vector<8x128xf32>
      %swap3A_56 = arith.constant 0 : index
      %swap3A_57 = arith.constant 0 : index
      %swap3A_58 = vector.load %arg9[%swap3A_56, %swap3A_57] : memref<8x128xf32, #tpu.memory_space<vmem>>, vector<8x128xf32>
      tpu.vector_store %arg9[%swap3A_56, %swap3A_57], %broadcast_in_dim3A_55 {strides = array<i32>} : memref<8x128xf32, #tpu.memory_space<vmem>>, vector<8x128xf32>,
    } else {
    }
    %get3A_35 = arith.constant 0 : index
    %get3A_36 = arith.constant 0 : index
    %get3A_37 = vector.load %arg9[%get3A_35, %get3A_36] : memref<8x128xf32, #tpu.memory_space<vmem>>, vector<1x128xf32>
    %reduce_sum3A = arith.constant dense<0.000000e+00> : vector<128xf32>
    %reduce_sum3A_38 = vector.multi_reduction <add>, %add3A_30, %reduce_sum3A [0] : vector<2000x128xf32> to vector<128xf32>
    %broadcast_in_dim3A = vector.shape_cast %reduce_sum3A_38 : vector<128xf32> to vector<1x128xf32>
    %add3A_39 = arith.addf %get3A_37, %broadcast_in_dim3A : vector<1x128xf32>
    %swap3A_40 = arith.constant 0 : index
    %swap3A_41 = arith.constant 0 : index
    %swap3A_42 = vector.load %arg9[%swap3A_40, %swap3A_41] : memref<8x128xf32, #tpu.memory_space<vmem>>, vector<1x128xf32>
    tpu.vector_store %arg9[%swap3A_40, %swap3A_41], %add3A_39 {strides = array<i32>} : memref<8x128xf32, #tpu.memory_space<vmem>>, vector<1x128xf32>,
    %get3A_43 = arith.constant 1 : index
    %get3A_44 = arith.constant 0 : index
    %get3A_45 = vector.load %arg9[%get3A_43, %get3A_44] : memref<8x128xf32, #tpu.memory_space<vmem>>, vector<1x128xf32>
    %mul3A_46 = arith.mulf %add3A_30, %add3A_30 : vector<2000x128xf32>
    %reduce_sum3A_47 = arith.constant dense<0.000000e+00> : vector<128xf32>
    %reduce_sum3A_48 = vector.multi_reduction <add>, %mul3A_46, %reduce_sum3A_47 [0] : vector<2000x128xf32> to vector<128xf32>
    %broadcast_in_dim3A_49 = vector.shape_cast %reduce_sum3A_48 : vector<128xf32> to vector<1x128xf32>
    %add3A_50 = arith.addf %get3A_45, %broadcast_in_dim3A_49 : vector<1x128xf32>
    %swap3A_51 = arith.constant 1 : index
    %swap3A_52 = arith.constant 0 : index
    %swap3A_53 = vector.load %arg9[%swap3A_51, %swap3A_52] : memref<8x128xf32, #tpu.memory_space<vmem>>, vector<1x128xf32>
    tpu.vector_store %arg9[%swap3A_51, %swap3A_52], %add3A_50 {strides = array<i32>} : memref<8x128xf32, #tpu.memory_space<vmem>>, vector<1x128xf32>,
    return
  }
  func.func @transform_0(%arg0: i32) -> (i32, i32) {
    %c0_i32 = arith.constant 0 : i32
    %c0_i32_0 = arith.constant 0 : i32
    return %arg0, %c0_i32 : i32, i32
  }
  func.func @transform_1(%arg0: i32) -> (i32, i32) {
    %c0_i32 = arith.constant 0 : i32
    %c0_i32_0 = arith.constant 0 : i32
    return %arg0, %c0_i32 : i32, i32
  }
  func.func @transform_2(%arg0: i32) -> (i32, i32) {
    %add3A = arith.constant 5 : i32
    %add3A_0 = arith.addi %add3A, %arg0 : i32
    %c0_i32 = arith.constant 0 : i32
    %c0_i32_1 = arith.constant 0 : i32
    return %add3A_0, %c0_i32 : i32, i32
  }
  func.func @transform_3(%arg0: i32) -> (i32, i32) {
    %c0_i32 = arith.constant 0 : i32
    %c0_i32_0 = arith.constant 0 : i32
    %c0_i32_1 = arith.constant 0 : i32
    return %c0_i32, %c0_i32_0 : i32, i32
  }
  func.func @transform_4(%arg0: i32) -> (i32, i32) {
    %c0_i32 = arith.constant 0 : i32
    %c0_i32_0 = arith.constant 0 : i32
    %c0_i32_1 = arith.constant 0 : i32
    return %c0_i32, %c0_i32_0 : i32, i32
  }
  func.func @transform_5(%arg0: i32) -> (i32, i32) {
    %c0_i32 = arith.constant 0 : i32
    %c0_i32_0 = arith.constant 0 : i32
    %c0_i32_1 = arith.constant 0 : i32
    return %c0_i32, %c0_i32_0 : i32, i32
  }
  func.func @transform_6(%arg0: i32) -> (i32, i32) {
    %c0_i32 = arith.constant 0 : i32
    %c0_i32_0 = arith.constant 0 : i32
    %c0_i32_1 = arith.constant 0 : i32
    return %c0_i32, %c0_i32_0 : i32, i32
  }
  func.func @transform_7(%arg0: i32) -> (i32, i32) {
    %c0_i32 = arith.constant 0 : i32
    %c0_i32_0 = arith.constant 0 : i32
    return %arg0, %c0_i32 : i32, i32
  }
  func.func @transform_8(%arg0: i32) -> (i32, i32) {
    %c0_i32 = arith.constant 0 : i32
    %c0_i32_0 = arith.constant 0 : i32
    %c0_i32_1 = arith.constant 0 : i32
    return %c0_i32, %c0_i32_0 : i32, i32
  }
}

module attributes {stable_mosaic.version = 14 : i64} {
  func.func @_proj_body(%arg0: i32, %arg1: memref<2000x256xf32, #tpu.memory_space<vmem>>, %arg2: memref<256x128xf32, #tpu.memory_space<vmem>>, %arg3: memref<2000x128xf32, #tpu.memory_space<vmem>>) attributes {dimension_semantics = [#tpu.dimension_semantics<arbitrary>], iteration_bounds = array<i64: 5>, scalar_prefetch = 0 : i64, scratch_operands = 0 : i64, tpu.core_type = #tpu.core_type<tc>, window_params = [{transform_indices = @transform_0, window_bounds = array<i64: 2000, 256>}, {pipeline_mode = #tpu.pipeline_mode<synchronous>, transform_indices = @transform_1, window_bounds = array<i64: 256, 128>}, {transform_indices = @transform_2, window_bounds = array<i64: 2000, 128>}]} {
    %get3A = arith.constant 0 : index
    %get3A_0 = arith.constant 0 : index
    %get3A_1 = vector.load %arg1[%get3A, %get3A_0] : memref<2000x256xf32, #tpu.memory_space<vmem>>, vector<2000x256xf32>
    %get3A_2 = arith.constant 0 : index
    %get3A_3 = arith.constant 0 : index
    %get3A_4 = vector.load %arg2[%get3A_2, %get3A_3] : memref<256x128xf32, #tpu.memory_space<vmem>>, vector<256x128xf32>
    %dot_general3A = arith.constant dense<0.000000e+00> : vector<2000x128xf32>
    %dot_general3A_5 = tpu.matmul %get3A_1, %get3A_4, %dot_general3A {dimension_numbers = #tpu.dot_dimension_numbers<[1], [0], [0], [1], [0, 0, 1, 1], [], []>, transpose_lhs_hint = false} : vector<2000x256xf32>, vector<256x128xf32>, vector<2000x128xf32> -> vector<2000x128xf32>
    %swap3A = arith.constant 0 : index
    %swap3A_6 = arith.constant 0 : index
    %swap3A_7 = vector.load %arg3[%swap3A, %swap3A_6] : memref<2000x128xf32, #tpu.memory_space<vmem>>, vector<2000x128xf32>
    tpu.vector_store %arg3[%swap3A, %swap3A_6], %dot_general3A_5 {strides = array<i32>} : memref<2000x128xf32, #tpu.memory_space<vmem>>, vector<2000x128xf32>,
    return
  }
  func.func @transform_0(%arg0: i32) -> (i32, i32) {
    %c0_i32 = arith.constant 0 : i32
    %c0_i32_0 = arith.constant 0 : i32
    return %arg0, %c0_i32 : i32, i32
  }
  func.func @transform_1(%arg0: i32) -> (i32, i32) {
    %c0_i32 = arith.constant 0 : i32
    %c0_i32_0 = arith.constant 0 : i32
    %c0_i32_1 = arith.constant 0 : i32
    return %c0_i32, %c0_i32_0 : i32, i32
  }
  func.func @transform_2(%arg0: i32) -> (i32, i32) {
    %c0_i32 = arith.constant 0 : i32
    %c0_i32_0 = arith.constant 0 : i32
    return %arg0, %c0_i32 : i32, i32
  }
}

module attributes {stable_mosaic.version = 14 : i64} {
  func.func @_norm_body(%arg0: i32, %arg1: memref<2000x128xf32, #tpu.memory_space<vmem>>, %arg2: memref<8x128xf32, #tpu.memory_space<vmem>>, %arg3: memref<1x128xf32, #tpu.memory_space<vmem>>, %arg4: memref<1x128xf32, #tpu.memory_space<vmem>>, %arg5: memref<2000x128xf32, #tpu.memory_space<vmem>>) attributes {dimension_semantics = [#tpu.dimension_semantics<arbitrary>], iteration_bounds = array<i64: 5>, scalar_prefetch = 0 : i64, scratch_operands = 0 : i64, tpu.core_type = #tpu.core_type<tc>, window_params = [{transform_indices = @transform_0, window_bounds = array<i64: 2000, 128>}, {pipeline_mode = #tpu.pipeline_mode<synchronous>, transform_indices = @transform_1, window_bounds = array<i64: 8, 128>}, {pipeline_mode = #tpu.pipeline_mode<synchronous>, transform_indices = @transform_2, window_bounds = array<i64: 1, 128>}, {pipeline_mode = #tpu.pipeline_mode<synchronous>, transform_indices = @transform_3, window_bounds = array<i64: 1, 128>}, {transform_indices = @transform_4, window_bounds = array<i64: 2000, 128>}]} {
    %get3A = arith.constant 0 : index
    %get3A_0 = arith.constant 0 : index
    %get3A_1 = vector.load %arg2[%get3A, %get3A_0] : memref<8x128xf32, #tpu.memory_space<vmem>>, vector<1x128xf32>
    %mul3A = arith.constant 9.99999974E-5 : f32
    %mul3A_2 = vector.broadcast %mul3A : f32 to vector<1x128xf32>
    %mul3A_3 = arith.mulf %get3A_1, %mul3A_2 : vector<1x128xf32>
    %get3A_4 = arith.constant 1 : index
    %get3A_5 = arith.constant 0 : index
    %get3A_6 = vector.load %arg2[%get3A_4, %get3A_5] : memref<8x128xf32, #tpu.memory_space<vmem>>, vector<1x128xf32>
    %mul3A_7 = arith.constant 9.99999974E-5 : f32
    %mul3A_8 = vector.broadcast %mul3A_7 : f32 to vector<1x128xf32>
    %mul3A_9 = arith.mulf %get3A_6, %mul3A_8 : vector<1x128xf32>
    %mul3A_10 = arith.mulf %mul3A_3, %mul3A_3 : vector<1x128xf32>
    %sub3A = arith.subf %mul3A_9, %mul3A_10 : vector<1x128xf32>
    %get3A_11 = arith.constant 0 : index
    %get3A_12 = arith.constant 0 : index
    %get3A_13 = vector.load %arg3[%get3A_11, %get3A_12] : memref<1x128xf32, #tpu.memory_space<vmem>>, vector<1x128xf32>
    %add3A = arith.constant 9.99999974E-6 : f32
    %add3A_14 = vector.broadcast %add3A : f32 to vector<1x128xf32>
    %add3A_15 = arith.addf %sub3A, %add3A_14 : vector<1x128xf32>
    %rsqrt3A = math.rsqrt %add3A_15 : vector<1x128xf32>
    %mul3A_16 = arith.mulf %get3A_13, %rsqrt3A : vector<1x128xf32>
    %get3A_17 = arith.constant 0 : index
    %get3A_18 = arith.constant 0 : index
    %get3A_19 = vector.load %arg4[%get3A_17, %get3A_18] : memref<1x128xf32, #tpu.memory_space<vmem>>, vector<1x128xf32>
    %mul3A_20 = arith.mulf %mul3A_3, %mul3A_16 : vector<1x128xf32>
    %sub3A_21 = arith.subf %get3A_19, %mul3A_20 : vector<1x128xf32>
    %get3A_22 = arith.constant 0 : index
    %get3A_23 = arith.constant 0 : index
    %get3A_24 = vector.load %arg1[%get3A_22, %get3A_23] : memref<2000x128xf32, #tpu.memory_space<vmem>>, vector<2000x128xf32>
    %mul3A_25 = vector.broadcast %mul3A_16 : vector<1x128xf32> to vector<2000x128xf32>
    %mul3A_26 = arith.mulf %get3A_24, %mul3A_25 : vector<2000x128xf32>
    %add3A_27 = vector.broadcast %sub3A_21 : vector<1x128xf32> to vector<2000x128xf32>
    %add3A_28 = arith.addf %mul3A_26, %add3A_27 : vector<2000x128xf32>
    %max3A = arith.constant 0.000000e+00 : f32
    %max3A_29 = vector.broadcast %max3A : f32 to vector<2000x128xf32>
    %max3A_30 = arith.maximumf %add3A_28, %max3A_29 : vector<2000x128xf32>
    %swap3A = arith.constant 0 : index
    %swap3A_31 = arith.constant 0 : index
    %swap3A_32 = vector.load %arg5[%swap3A, %swap3A_31] : memref<2000x128xf32, #tpu.memory_space<vmem>>, vector<2000x128xf32>
    tpu.vector_store %arg5[%swap3A, %swap3A_31], %max3A_30 {strides = array<i32>} : memref<2000x128xf32, #tpu.memory_space<vmem>>, vector<2000x128xf32>,
    return
  }
  func.func @transform_0(%arg0: i32) -> (i32, i32) {
    %c0_i32 = arith.constant 0 : i32
    %c0_i32_0 = arith.constant 0 : i32
    return %arg0, %c0_i32 : i32, i32
  }
  func.func @transform_1(%arg0: i32) -> (i32, i32) {
    %c0_i32 = arith.constant 0 : i32
    %c0_i32_0 = arith.constant 0 : i32
    %c0_i32_1 = arith.constant 0 : i32
    return %c0_i32, %c0_i32_0 : i32, i32
  }
  func.func @transform_2(%arg0: i32) -> (i32, i32) {
    %c0_i32 = arith.constant 0 : i32
    %c0_i32_0 = arith.constant 0 : i32
    %c0_i32_1 = arith.constant 0 : i32
    return %c0_i32, %c0_i32_0 : i32, i32
  }
  func.func @transform_3(%arg0: i32) -> (i32, i32) {
    %c0_i32 = arith.constant 0 : i32
    %c0_i32_0 = arith.constant 0 : i32
    %c0_i32_1 = arith.constant 0 : i32
    return %c0_i32, %c0_i32_0 : i32, i32
  }
  func.func @transform_4(%arg0: i32) -> (i32, i32) {
    %c0_i32 = arith.constant 0 : i32
    %c0_i32_0 = arith.constant 0 : i32
    return %arg0, %c0_i32 : i32, i32
  }
}

module attributes {stable_mosaic.version = 14 : i64} {
  func.func @_lk_body(%arg0: i32, %arg1: memref<2000x128xf32, #tpu.memory_space<vmem>>, %arg2: memref<2000x128xf32, #tpu.memory_space<vmem>>, %arg3: memref<2000x128xf32, #tpu.memory_space<vmem>>, %arg4: memref<1x1xf32, #tpu.memory_space<smem>>, %arg5: memref<128x128xf32, #tpu.memory_space<vmem>>, %arg6: memref<1x128xf32, #tpu.memory_space<vmem>>, %arg7: memref<128x128xf32, #tpu.memory_space<vmem>>, %arg8: memref<1x128xf32, #tpu.memory_space<vmem>>, %arg9: memref<2000x128xf32, #tpu.memory_space<vmem>>, %arg10: memref<8x128xf32, #tpu.memory_space<vmem>>) attributes {dimension_semantics = [#tpu.dimension_semantics<arbitrary>], iteration_bounds = array<i64: 5>, scalar_prefetch = 0 : i64, scratch_operands = 0 : i64, tpu.core_type = #tpu.core_type<tc>, window_params = [{transform_indices = @transform_0, window_bounds = array<i64: 2000, 128>}, {transform_indices = @transform_1, window_bounds = array<i64: 2000, 128>}, {transform_indices = @transform_2, window_bounds = array<i64: 2000, 128>}, {transform_indices = @transform_3, window_bounds = array<i64: 1, 1>}, {pipeline_mode = #tpu.pipeline_mode<synchronous>, transform_indices = @transform_4, window_bounds = array<i64: 128, 128>}, {pipeline_mode = #tpu.pipeline_mode<synchronous>, transform_indices = @transform_5, window_bounds = array<i64: 1, 128>}, {pipeline_mode = #tpu.pipeline_mode<synchronous>, transform_indices = @transform_6, window_bounds = array<i64: 128, 128>}, {pipeline_mode = #tpu.pipeline_mode<synchronous>, transform_indices = @transform_7, window_bounds = array<i64: 1, 128>}, {transform_indices = @transform_8, window_bounds = array<i64: 2000, 128>}, {pipeline_mode = #tpu.pipeline_mode<synchronous>, transform_indices = @transform_9, window_bounds = array<i64: 8, 128>}]} {
    %get3A = arith.constant 0 : index
    %get3A_0 = arith.constant 0 : index
    %get3A_1 = memref.load %arg4[%get3A, %get3A_0] : memref<1x1xf32, #tpu.memory_space<smem>>
    %add3A = arith.constant 1.000000e+00 : f32
    %add3A_2 = arith.addf %add3A, %get3A_1 : f32
    %get3A_3 = arith.constant 0 : index
    %get3A_4 = arith.constant 0 : index
    %get3A_5 = vector.load %arg1[%get3A_3, %get3A_4] : memref<2000x128xf32, #tpu.memory_space<vmem>>, vector<2000x128xf32>
    %mul3A = vector.broadcast %add3A_2 : f32 to vector<2000x128xf32>
    %mul3A_6 = arith.mulf %mul3A, %get3A_5 : vector<2000x128xf32>
    %get3A_7 = arith.constant 0 : index
    %get3A_8 = arith.constant 0 : index
    %get3A_9 = vector.load %arg2[%get3A_7, %get3A_8] : memref<2000x128xf32, #tpu.memory_space<vmem>>, vector<2000x128xf32>
    %add3A_10 = arith.addf %mul3A_6, %get3A_9 : vector<2000x128xf32>
    %get3A_11 = arith.constant 0 : index
    %get3A_12 = arith.constant 0 : index
    %get3A_13 = vector.load %arg3[%get3A_11, %get3A_12] : memref<2000x128xf32, #tpu.memory_space<vmem>>, vector<2000x128xf32>
    %add3A_14 = arith.addf %add3A_10, %get3A_13 : vector<2000x128xf32>
    %get3A_15 = arith.constant 0 : index
    %get3A_16 = arith.constant 0 : index
    %get3A_17 = vector.load %arg5[%get3A_15, %get3A_16] : memref<128x128xf32, #tpu.memory_space<vmem>>, vector<128x128xf32>
    %dot_general3A = arith.constant dense<0.000000e+00> : vector<2000x128xf32>
    %dot_general3A_18 = tpu.matmul %add3A_14, %get3A_17, %dot_general3A {dimension_numbers = #tpu.dot_dimension_numbers<[1], [0], [0], [1], [0, 0, 1, 1], [], []>, transpose_lhs_hint = false} : vector<2000x128xf32>, vector<128x128xf32>, vector<2000x128xf32> -> vector<2000x128xf32>
    %get3A_19 = arith.constant 0 : index
    %get3A_20 = arith.constant 0 : index
    %get3A_21 = vector.load %arg6[%get3A_19, %get3A_20] : memref<1x128xf32, #tpu.memory_space<vmem>>, vector<1x128xf32>
    %add3A_22 = vector.broadcast %get3A_21 : vector<1x128xf32> to vector<2000x128xf32>
    %add3A_23 = arith.addf %dot_general3A_18, %add3A_22 : vector<2000x128xf32>
    %max3A = arith.constant 0.000000e+00 : f32
    %max3A_24 = vector.broadcast %max3A : f32 to vector<2000x128xf32>
    %max3A_25 = arith.maximumf %add3A_23, %max3A_24 : vector<2000x128xf32>
    %get3A_26 = arith.constant 0 : index
    %get3A_27 = arith.constant 0 : index
    %get3A_28 = vector.load %arg7[%get3A_26, %get3A_27] : memref<128x128xf32, #tpu.memory_space<vmem>>, vector<128x128xf32>
    %dot_general3A_29 = arith.constant dense<0.000000e+00> : vector<2000x128xf32>
    %dot_general3A_30 = tpu.matmul %max3A_25, %get3A_28, %dot_general3A_29 {dimension_numbers = #tpu.dot_dimension_numbers<[1], [0], [0], [1], [0, 0, 1, 1], [], []>, transpose_lhs_hint = false} : vector<2000x128xf32>, vector<128x128xf32>, vector<2000x128xf32> -> vector<2000x128xf32>
    %get3A_31 = arith.constant 0 : index
    %get3A_32 = arith.constant 0 : index
    %get3A_33 = vector.load %arg8[%get3A_31, %get3A_32] : memref<1x128xf32, #tpu.memory_space<vmem>>, vector<1x128xf32>
    %add3A_34 = vector.broadcast %get3A_33 : vector<1x128xf32> to vector<2000x128xf32>
    %add3A_35 = arith.addf %dot_general3A_30, %add3A_34 : vector<2000x128xf32>
    %swap3A = arith.constant 0 : index
    %swap3A_36 = arith.constant 0 : index
    %swap3A_37 = vector.load %arg9[%swap3A, %swap3A_36] : memref<2000x128xf32, #tpu.memory_space<vmem>>, vector<2000x128xf32>
    tpu.vector_store %arg9[%swap3A, %swap3A_36], %add3A_35 {strides = array<i32>} : memref<2000x128xf32, #tpu.memory_space<vmem>>, vector<2000x128xf32>,
    %eq3A = arith.constant 0 : i32
    %eq3A_38 = arith.cmpi eq, %arg0, %eq3A : i32
    %convert_element_type3A = arith.extui %eq3A_38 : i1 to i32
    %cond3A = arith.constant 0 : i32
    %cond3A_39 = arith.cmpi ne, %convert_element_type3A, %cond3A : i32
    scf.if %cond3A_39 {
      %broadcast_in_dim3A_59 = arith.constant 0.000000e+00 : f32
      %broadcast_in_dim3A_60 = vector.broadcast %broadcast_in_dim3A_59 : f32 to vector<8x128xf32>
      %swap3A_61 = arith.constant 0 : index
      %swap3A_62 = arith.constant 0 : index
      %swap3A_63 = vector.load %arg10[%swap3A_61, %swap3A_62] : memref<8x128xf32, #tpu.memory_space<vmem>>, vector<8x128xf32>
      tpu.vector_store %arg10[%swap3A_61, %swap3A_62], %broadcast_in_dim3A_60 {strides = array<i32>} : memref<8x128xf32, #tpu.memory_space<vmem>>, vector<8x128xf32>,
    } else {
    }
    %get3A_40 = arith.constant 0 : index
    %get3A_41 = arith.constant 0 : index
    %get3A_42 = vector.load %arg10[%get3A_40, %get3A_41] : memref<8x128xf32, #tpu.memory_space<vmem>>, vector<1x128xf32>
    %reduce_sum3A = arith.constant dense<0.000000e+00> : vector<128xf32>
    %reduce_sum3A_43 = vector.multi_reduction <add>, %add3A_35, %reduce_sum3A [0] : vector<2000x128xf32> to vector<128xf32>
    %broadcast_in_dim3A = vector.shape_cast %reduce_sum3A_43 : vector<128xf32> to vector<1x128xf32>
    %add3A_44 = arith.addf %get3A_42, %broadcast_in_dim3A : vector<1x128xf32>
    %swap3A_45 = arith.constant 0 : index
    %swap3A_46 = arith.constant 0 : index
    %swap3A_47 = vector.load %arg10[%swap3A_45, %swap3A_46] : memref<8x128xf32, #tpu.memory_space<vmem>>, vector<1x128xf32>
    tpu.vector_store %arg10[%swap3A_45, %swap3A_46], %add3A_44 {strides = array<i32>} : memref<8x128xf32, #tpu.memory_space<vmem>>, vector<1x128xf32>,
    %get3A_48 = arith.constant 1 : index
    %get3A_49 = arith.constant 0 : index
    %get3A_50 = vector.load %arg10[%get3A_48, %get3A_49] : memref<8x128xf32, #tpu.memory_space<vmem>>, vector<1x128xf32>
    %mul3A_51 = arith.mulf %add3A_35, %add3A_35 : vector<2000x128xf32>
    %reduce_sum3A_52 = arith.constant dense<0.000000e+00> : vector<128xf32>
    %reduce_sum3A_53 = vector.multi_reduction <add>, %mul3A_51, %reduce_sum3A_52 [0] : vector<2000x128xf32> to vector<128xf32>
    %broadcast_in_dim3A_54 = vector.shape_cast %reduce_sum3A_53 : vector<128xf32> to vector<1x128xf32>
    %add3A_55 = arith.addf %get3A_50, %broadcast_in_dim3A_54 : vector<1x128xf32>
    %swap3A_56 = arith.constant 1 : index
    %swap3A_57 = arith.constant 0 : index
    %swap3A_58 = vector.load %arg10[%swap3A_56, %swap3A_57] : memref<8x128xf32, #tpu.memory_space<vmem>>, vector<1x128xf32>
    tpu.vector_store %arg10[%swap3A_56, %swap3A_57], %add3A_55 {strides = array<i32>} : memref<8x128xf32, #tpu.memory_space<vmem>>, vector<1x128xf32>,
    return
  }
  func.func @transform_0(%arg0: i32) -> (i32, i32) {
    %c0_i32 = arith.constant 0 : i32
    %c0_i32_0 = arith.constant 0 : i32
    return %arg0, %c0_i32 : i32, i32
  }
  func.func @transform_1(%arg0: i32) -> (i32, i32) {
    %c0_i32 = arith.constant 0 : i32
    %c0_i32_0 = arith.constant 0 : i32
    return %arg0, %c0_i32 : i32, i32
  }
  func.func @transform_2(%arg0: i32) -> (i32, i32) {
    %add3A = arith.constant 5 : i32
    %add3A_0 = arith.addi %add3A, %arg0 : i32
    %c0_i32 = arith.constant 0 : i32
    %c0_i32_1 = arith.constant 0 : i32
    return %add3A_0, %c0_i32 : i32, i32
  }
  func.func @transform_3(%arg0: i32) -> (i32, i32) {
    %c0_i32 = arith.constant 0 : i32
    %c0_i32_0 = arith.constant 0 : i32
    %c0_i32_1 = arith.constant 0 : i32
    return %c0_i32, %c0_i32_0 : i32, i32
  }
  func.func @transform_4(%arg0: i32) -> (i32, i32) {
    %c0_i32 = arith.constant 0 : i32
    %c0_i32_0 = arith.constant 0 : i32
    %c0_i32_1 = arith.constant 0 : i32
    return %c0_i32, %c0_i32_0 : i32, i32
  }
  func.func @transform_5(%arg0: i32) -> (i32, i32) {
    %c0_i32 = arith.constant 0 : i32
    %c0_i32_0 = arith.constant 0 : i32
    %c0_i32_1 = arith.constant 0 : i32
    return %c0_i32, %c0_i32_0 : i32, i32
  }
  func.func @transform_6(%arg0: i32) -> (i32, i32) {
    %c0_i32 = arith.constant 0 : i32
    %c0_i32_0 = arith.constant 0 : i32
    %c0_i32_1 = arith.constant 0 : i32
    return %c0_i32, %c0_i32_0 : i32, i32
  }
  func.func @transform_7(%arg0: i32) -> (i32, i32) {
    %c0_i32 = arith.constant 0 : i32
    %c0_i32_0 = arith.constant 0 : i32
    %c0_i32_1 = arith.constant 0 : i32
    return %c0_i32, %c0_i32_0 : i32, i32
  }
  func.func @transform_8(%arg0: i32) -> (i32, i32) {
    %c0_i32 = arith.constant 0 : i32
    %c0_i32_0 = arith.constant 0 : i32
    return %arg0, %c0_i32 : i32, i32
  }
  func.func @transform_9(%arg0: i32) -> (i32, i32) {
    %c0_i32 = arith.constant 0 : i32
    %c0_i32_0 = arith.constant 0 : i32
    %c0_i32_1 = arith.constant 0 : i32
    return %c0_i32, %c0_i32_0 : i32, i32
  }
}

module attributes {stable_mosaic.version = 14 : i64} {
  func.func @_pool_body(%arg0: i32, %arg1: memref<2000x128xf32, #tpu.memory_space<vmem>>, %arg2: memref<8x128xf32, #tpu.memory_space<vmem>>, %arg3: memref<1x128xf32, #tpu.memory_space<vmem>>, %arg4: memref<1x128xf32, #tpu.memory_space<vmem>>, %arg5: memref<1x2000x1xi32, #tpu.memory_space<vmem>>, %arg6: memref<128x128xf32, #tpu.memory_space<vmem>>) attributes {dimension_semantics = [#tpu.dimension_semantics<arbitrary>], iteration_bounds = array<i64: 5>, scalar_prefetch = 0 : i64, scratch_operands = 0 : i64, tpu.core_type = #tpu.core_type<tc>, window_params = [{transform_indices = @transform_0, window_bounds = array<i64: 2000, 128>}, {pipeline_mode = #tpu.pipeline_mode<synchronous>, transform_indices = @transform_1, window_bounds = array<i64: 8, 128>}, {pipeline_mode = #tpu.pipeline_mode<synchronous>, transform_indices = @transform_2, window_bounds = array<i64: 1, 128>}, {pipeline_mode = #tpu.pipeline_mode<synchronous>, transform_indices = @transform_3, window_bounds = array<i64: 1, 128>}, {transform_indices = @transform_4, window_bounds = array<i64: 1, 2000, 1>}, {pipeline_mode = #tpu.pipeline_mode<synchronous>, transform_indices = @transform_5, window_bounds = array<i64: 128, 128>}]} {
    %get3A = arith.constant 0 : index
    %get3A_0 = arith.constant 0 : index
    %get3A_1 = vector.load %arg2[%get3A, %get3A_0] : memref<8x128xf32, #tpu.memory_space<vmem>>, vector<1x128xf32>
    %mul3A = arith.constant 9.99999974E-5 : f32
    %mul3A_2 = vector.broadcast %mul3A : f32 to vector<1x128xf32>
    %mul3A_3 = arith.mulf %get3A_1, %mul3A_2 : vector<1x128xf32>
    %get3A_4 = arith.constant 1 : index
    %get3A_5 = arith.constant 0 : index
    %get3A_6 = vector.load %arg2[%get3A_4, %get3A_5] : memref<8x128xf32, #tpu.memory_space<vmem>>, vector<1x128xf32>
    %mul3A_7 = arith.constant 9.99999974E-5 : f32
    %mul3A_8 = vector.broadcast %mul3A_7 : f32 to vector<1x128xf32>
    %mul3A_9 = arith.mulf %get3A_6, %mul3A_8 : vector<1x128xf32>
    %mul3A_10 = arith.mulf %mul3A_3, %mul3A_3 : vector<1x128xf32>
    %sub3A = arith.subf %mul3A_9, %mul3A_10 : vector<1x128xf32>
    %get3A_11 = arith.constant 0 : index
    %get3A_12 = arith.constant 0 : index
    %get3A_13 = vector.load %arg3[%get3A_11, %get3A_12] : memref<1x128xf32, #tpu.memory_space<vmem>>, vector<1x128xf32>
    %add3A = arith.constant 9.99999974E-6 : f32
    %add3A_14 = vector.broadcast %add3A : f32 to vector<1x128xf32>
    %add3A_15 = arith.addf %sub3A, %add3A_14 : vector<1x128xf32>
    %rsqrt3A = math.rsqrt %add3A_15 : vector<1x128xf32>
    %mul3A_16 = arith.mulf %get3A_13, %rsqrt3A : vector<1x128xf32>
    %get3A_17 = arith.constant 0 : index
    %get3A_18 = arith.constant 0 : index
    %get3A_19 = vector.load %arg4[%get3A_17, %get3A_18] : memref<1x128xf32, #tpu.memory_space<vmem>>, vector<1x128xf32>
    %mul3A_20 = arith.mulf %mul3A_3, %mul3A_16 : vector<1x128xf32>
    %sub3A_21 = arith.subf %get3A_19, %mul3A_20 : vector<1x128xf32>
    %get3A_22 = arith.constant 0 : index
    %get3A_23 = arith.constant 0 : index
    %get3A_24 = vector.load %arg1[%get3A_22, %get3A_23] : memref<2000x128xf32, #tpu.memory_space<vmem>>, vector<2000x128xf32>
    %mul3A_25 = vector.broadcast %mul3A_16 : vector<1x128xf32> to vector<2000x128xf32>
    %mul3A_26 = arith.mulf %get3A_24, %mul3A_25 : vector<2000x128xf32>
    %add3A_27 = vector.broadcast %sub3A_21 : vector<1x128xf32> to vector<2000x128xf32>
    %add3A_28 = arith.addf %mul3A_26, %add3A_27 : vector<2000x128xf32>
    %max3A = arith.constant 0.000000e+00 : f32
    %max3A_29 = vector.broadcast %max3A : f32 to vector<2000x128xf32>
    %max3A_30 = arith.maximumf %add3A_28, %max3A_29 : vector<2000x128xf32>
    %get3A_31 = arith.constant 0 : index
    %get3A_32 = arith.constant 0 : index
    %get3A_33 = arith.constant 0 : index
    %get3A_34 = vector.load %arg5[%get3A_31, %get3A_32, %get3A_33] : memref<1x2000x1xi32, #tpu.memory_space<vmem>>, vector<1x2000x1xi32>
    %get3A_35 = vector.shape_cast %get3A_34 : vector<1x2000x1xi32> to vector<2000x1xi32>
    %iota3A = tpu.iota {dimensions = array<i32: 1>} : vector<2000x128xi32>
    %eq3A = vector.broadcast %get3A_35 : vector<2000x1xi32> to vector<2000x128xi32>
    %eq3A_36 = arith.cmpi eq, %eq3A, %iota3A : vector<2000x128xi32>
    %convert_element_type3A = arith.extui %eq3A_36 : vector<2000x128xi1> to vector<2000x128xi32>
    %convert_element_type3A_37 = arith.sitofp %convert_element_type3A : vector<2000x128xi32> to vector<2000x128xf32>
    %eq3A_38 = arith.constant 0 : i32
    %eq3A_39 = arith.cmpi eq, %arg0, %eq3A_38 : i32
    %convert_element_type3A_40 = arith.extui %eq3A_39 : i1 to i32
    %cond3A = arith.constant 0 : i32
    %cond3A_41 = arith.cmpi ne, %convert_element_type3A_40, %cond3A : i32
    scf.if %cond3A_41 {
      %broadcast_in_dim3A = arith.constant 0.000000e+00 : f32
      %broadcast_in_dim3A_49 = vector.broadcast %broadcast_in_dim3A : f32 to vector<128x128xf32>
      %swap3A_50 = arith.constant 0 : index
      %swap3A_51 = arith.constant 0 : index
      %swap3A_52 = vector.load %arg6[%swap3A_50, %swap3A_51] : memref<128x128xf32, #tpu.memory_space<vmem>>, vector<128x128xf32>
      tpu.vector_store %arg6[%swap3A_50, %swap3A_51], %broadcast_in_dim3A_49 {strides = array<i32>} : memref<128x128xf32, #tpu.memory_space<vmem>>, vector<128x128xf32>,
    } else {
    }
    %get3A_42 = arith.constant 0 : index
    %get3A_43 = arith.constant 0 : index
    %get3A_44 = vector.load %arg6[%get3A_42, %get3A_43] : memref<128x128xf32, #tpu.memory_space<vmem>>, vector<128x128xf32>
    %dot_general3A = arith.constant dense<0.000000e+00> : vector<128x128xf32>
    %dot_general3A_45 = tpu.matmul %convert_element_type3A_37, %max3A_30, %dot_general3A {dimension_numbers = #tpu.dot_dimension_numbers<[0], [0], [1], [1], [0, 1, 1, 1], [], []>, transpose_lhs_hint = false} : vector<2000x128xf32>, vector<2000x128xf32>, vector<128x128xf32> -> vector<128x128xf32>
    %add3A_46 = arith.addf %get3A_44, %dot_general3A_45 : vector<128x128xf32>
    %swap3A = arith.constant 0 : index
    %swap3A_47 = arith.constant 0 : index
    %swap3A_48 = vector.load %arg6[%swap3A, %swap3A_47] : memref<128x128xf32, #tpu.memory_space<vmem>>, vector<128x128xf32>
    tpu.vector_store %arg6[%swap3A, %swap3A_47], %add3A_46 {strides = array<i32>} : memref<128x128xf32, #tpu.memory_space<vmem>>, vector<128x128xf32>,
    return
  }
  func.func @transform_0(%arg0: i32) -> (i32, i32) {
    %c0_i32 = arith.constant 0 : i32
    %c0_i32_0 = arith.constant 0 : i32
    return %arg0, %c0_i32 : i32, i32
  }
  func.func @transform_1(%arg0: i32) -> (i32, i32) {
    %c0_i32 = arith.constant 0 : i32
    %c0_i32_0 = arith.constant 0 : i32
    %c0_i32_1 = arith.constant 0 : i32
    return %c0_i32, %c0_i32_0 : i32, i32
  }
  func.func @transform_2(%arg0: i32) -> (i32, i32) {
    %c0_i32 = arith.constant 0 : i32
    %c0_i32_0 = arith.constant 0 : i32
    %c0_i32_1 = arith.constant 0 : i32
    return %c0_i32, %c0_i32_0 : i32, i32
  }
  func.func @transform_3(%arg0: i32) -> (i32, i32) {
    %c0_i32 = arith.constant 0 : i32
    %c0_i32_0 = arith.constant 0 : i32
    %c0_i32_1 = arith.constant 0 : i32
    return %c0_i32, %c0_i32_0 : i32, i32
  }
  func.func @transform_4(%arg0: i32) -> (i32, i32, i32) {
    %c0_i32 = arith.constant 0 : i32
    %c0_i32_0 = arith.constant 0 : i32
    %c0_i32_1 = arith.constant 0 : i32
    return %arg0, %c0_i32, %c0_i32_0 : i32, i32, i32
  }
  func.func @transform_5(%arg0: i32) -> (i32, i32) {
    %c0_i32 = arith.constant 0 : i32
    %c0_i32_0 = arith.constant 0 : i32
    %c0_i32_1 = arith.constant 0 : i32
    return %c0_i32, %c0_i32_0 : i32, i32
  }
}

</mosaic_0001>

<sc_bundles>
// kernel: kernel.12.cloned.1.call-start
scs
__scs_entry_jumppad:
0x0: {  	(pc) =	sbr.rel $0x88, $3  }
0x1: {  	(tag) =	ssettag $0x0;
	lr =	simm.s32 $0x1  }
0x2: {  	[smem:$0x3F89] =	sst lr;
	_ =	strace $0xD0000000  }
0x3: {  	_ = 	snop  }
0x4: {  	_ = 	snop  }
0x5: {  	_ = 	snop  }
0x6: {  	_ = 	snop  }
0x7: {  	_ = 	snop  }
__scs_overlays_trampoline_lowered:
0x8: {  	[smem:$0x3F98] =	sst s0  }
0x9: {  	[smem:$0x3F99] =	sst s1  }
0xa: {  	[smem:$0x3F9A] =	sst s2  }
0xb: {  	[smem:$0x3F9B] =	sst s3  }
0xc: {  	[smem:$0x3F9C] =	sst s4  }
0xd: {  	[smem:$0x3F9D] =	sst s5  }
0xe: {  	[smem:$0x3F9E] =	sst s6  }
0xf: {  	[smem:$0x3F9F] =	sst s7  }
0x10: {  	[smem:$0x3FA0] =	sst s8  }
0x11: {  	[smem:$0x3FA1] =	sst s9;
	s0 =	simm.s32 @!p0 $0x0  }
0x12: {  	s1 =	sld [smem:$0x3F87];
	s0 =	simm.s32 @p0 $0x1  }
0x13: {  	[smem:$0x3FA2] =	sst s0;
	s0 =	simm.s32 @!p1 $0x0  }
0x14: {  	s2 =	sld [smem:$0x3F86];
	s0 =	simm.s32 @p1 $0x1  }
0x15: {  	[smem:$0x3FA3] =	sst s0;
	s0 =	simm.s32 @!p2 $0x0  }
0x16: {  	s3 =	sld [smem:$0x3FDB];
	s0 =	simm.s32 @p2 $0x1  }
0x17: {  	s4 =	simm.s32 $0x1BF5;
	[smem:$0x3FA5] =	sst s0  }
0x18: {  	s0 =	sld [smem:$0x3F88];
	_ =	swait.ge [sflag:s4], $0x0  }
0x19: {  	s7 =	sld [smem:$0x3F89]  }
0x1a: {  	s8 =	sadd.s32 $0xFFFFE003, lr  }
0x1b: {  	s9 =	sadd.s32 $0xFFFFFEF7, lr;
	s5 =	simm.s32 $0xFFFFFFFF;
	p2 =	slt.u32 s8, $0xFFFFF086  }
0x1c: {  	p1 =	slt.u32 s9, $0xF7A;
	s5 =	simm.s32 @!p2 $0x0  }
0x1d: {  	s5 =	simm.s32 @p1 $0x1;
	p0 =	seq.s32 s7, s2  }
0x1e: {  	s7 =	smul.u32 @!p0 $0xF7A, s2;
	p2 =	seq.s32 @!p0 s5, $0x0  }
0x1f: {  	s9 =	smul.u32 $0xF7A, s1;
	s8 =	simm.s32 @!p0 $0x1BF5;
	p2 =	por !p2, p0  }
0x20: {  	[sflag:s8] =	ssyncset.s32 @!p0 $0xFFFFF086;
	s6 =	sadd.s32 @!p0 s3, s7;
	s7 =	simm.s32 @!p0 $0x108  }
0x21: {  	s3 =	sadd.s32 s3, s9;
	s6 =	sadd.s32 @!p0 $0x88, s6;
	s7 =	simm.s32 @p2 $0x1082  }
0x22: {  	[simem:s7], [sflag:s8] =	dma.local @!p0 [hbm:s6], $0xF7A  }
0x23: {  	s9 =	sor.u32 $0xD0000000, s2;
	s6 =	simm.s32 $0x108;
	_ =	swait.ge @!p0 [sflag:s8], $0x0  }
0x24: {  	s3 =	sadd.s32 $0x88, s3;
	s6 =	simm.s32 @!p1 $0x1082;
	[sflag:s4] =	ssyncset.s32 $0xFFFFF086  }
0x25: {  	[simem:s6], [sflag:s4] =	dma.local [hbm:s3], $0xF7A  }
0x26: {  	[smem:$0x3F89] =	sst s1;
	(tag) =	ssettag s2;
	_ =	strace s9  }
0x27: {  	s1 =	sld [smem:$0x3F99]  }
0x28: {  	s2 =	sld [smem:$0x3F9A]  }
0x29: {  	s4 =	sld [smem:$0x3F9C]  }
0x2a: {  	p0 =	seq.s32 s5, $0x0;
	s5 =	sld [smem:$0x3F9D]  }
0x2b: {  	s6 =	sld [smem:$0x3F9E]  }
0x2c: {  	s7 =	sld [smem:$0x3F9F]  }
0x2d: {  	s3 =	simm.s32 $0x108;
	s8 =	sld [smem:$0x3FA0]  }
0x2e: {  	s3 =	simm.s32 @!p0 $0x1082;
	s9 =	sld [smem:$0x3FA1]  }
0x2f: {  	lr =	sadd.s32 s0, s3;
	s0 =	sld [smem:$0x3F98]  }
0x30: {  	s3 =	sld [smem:$0x3F9B]  }
0x31: {  	[smem:$0x3FA4] =	sst s10  }
0x32: {  	s10 =	sld [smem:$0x3FA2];
	_ =	sdelay $0x3  }
0x33: {  	p0 =	seq.s32 s10, $0x1;
	s10 =	sld [smem:$0x3FA4];
	_ =	sdelay $0x3  }
0x34: {  	[smem:$0x3FA4] =	sst s10  }
0x35: {  	s10 =	sld [smem:$0x3FA3];
	_ =	sdelay $0x3  }
0x36: {  	p1 =	seq.s32 s10, $0x1;
	s10 =	sld [smem:$0x3FA4];
	_ =	sdelay $0x3  }
0x37: {  	[smem:$0x3FA4] =	sst s10  }
0x38: {  	s10 =	sld [smem:$0x3FA5]  }
0x39: {  	_ = 	snop;
	(pc) =	sbr.ind lr, $3  }
0x3a: {  	_ = 	snop  }
0x3b: {  	_ = 	snop  }
0x3c: {  	p2 =	seq.s32 s10, $0x1;
	s10 =	sld [smem:$0x3FA4]  }
0x3d: {  	_ =	shalt  }
0x3e: {  	_ =	shalt  }
0x3f: {  	_ =	shalt  }
0x40: {  	_ =	shalt  }
0x41: {  	_ =	shalt  }
0x42: {  	_ =	shalt  }
0x43: {  	_ =	shalt  }
0x44: {  	_ =	shalt  }
0x45: {  	_ =	shalt  }
0x46: {  	_ =	shalt  }
0x47: {  	_ =	shalt  }
0x48: {  	_ =	shalt  }
0x49: {  	_ =	shalt  }
0x4a: {  	_ =	shalt  }
0x4b: {  	_ =	shalt  }
0x4c: {  	_ =	shalt  }
0x4d: {  	_ =	shalt  }
0x4e: {  	_ =	shalt  }
0x4f: {  	_ =	shalt  }
0x50: {  	_ =	shalt  }
0x51: {  	_ =	shalt  }
0x52: {  	_ =	shalt  }
0x53: {  	_ =	shalt  }
0x54: {  	_ =	shalt  }
0x55: {  	_ =	shalt  }
0x56: {  	_ =	shalt  }
0x57: {  	_ =	shalt  }
0x58: {  	_ =	shalt  }
0x59: {  	_ =	shalt  }
0x5a: {  	_ =	shalt  }
0x5b: {  	_ =	shalt  }
0x5c: {  	_ =	shalt  }
0x5d: {  	_ =	shalt  }
0x5e: {  	_ =	shalt  }
0x5f: {  	_ =	shalt  }
0x60: {  	_ =	shalt  }
0x61: {  	_ =	shalt  }
0x62: {  	_ =	shalt  }
0x63: {  	_ =	shalt  }
0x64: {  	_ =	shalt  }
0x65: {  	_ =	shalt  }
0x66: {  	_ =	shalt  }
0x67: {  	_ =	shalt  }
0x68: {  	_ =	shalt  }
0x69: {  	_ =	shalt  }
0x6a: {  	_ =	shalt  }
0x6b: {  	_ =	shalt  }
0x6c: {  	_ =	shalt  }
0x6d: {  	_ =	shalt  }
0x6e: {  	_ =	shalt  }
0x6f: {  	_ =	shalt  }
0x70: {  	_ =	shalt  }
0x71: {  	_ =	shalt  }
0x72: {  	_ =	shalt  }
0x73: {  	_ =	shalt  }
0x74: {  	_ =	shalt  }
0x75: {  	_ =	shalt  }
0x76: {  	_ =	shalt  }
0x77: {  	_ =	shalt  }
0x78: {  	_ =	shalt  }
0x79: {  	_ =	shalt  }
0x7a: {  	_ =	shalt  }
0x7b: {  	_ =	shalt  }
0x7c: {  	_ =	shalt  }
0x7d: {  	_ =	shalt  }
0x7e: {  	_ =	shalt  }
0x7f: {  	_ =	shalt  }
0x80: {  	_ =	shalt  }
0x81: {  	_ =	shalt  }
0x82: {  	_ =	shalt  }
0x83: {  	_ =	shalt  }
0x84: {  	_ =	shalt  }
0x85: {  	_ =	shalt  }
0x86: {  	_ =	shalt  }
0x87: {  	_ =	shalt  }
.Lfunc_end0:
.L_simem_size_0:
called_computation_lowered:
.L_overlay_start_0:
0x88: {  	s2 =	sld [smem:$0x3FD9]  }
0x89: {  	s3 =	sld [smem:$0x3FFE];
	_ =	sdelay $0x1  }
0x8a: {  	s1 =	srdreg.scid  }
0x8b: {  	s0 =	sand.u32 $0x1, s1  }
0x8c: {  	s16 =	sshll.u32 s0, $0xA;
	s2 =	sadd.s32 s3, s2  }
0x8d: {  	s2 =	sadd.s32 s2, s16  }
0x8e: {  	[smem:$0x3FB0] =	sst s2  }
0x8f: {  	_ = 	snop  }
0x90: {  	(tm) =	ssettm $0x1  }
0x91: {  	s17 =	sld [smem:$0x3FFB];
	_ =	sdelay $0x3  }
0x92: {  	_ =	strace s17  }
0x93: {  	s2 =	sld [smem:$0x3FFC];
	_ =	sdelay $0x3  }
0x94: {  	_ =	strace s2  }
0x95: {  	s2 =	sld [smem:$0x3FFD];
	_ =	sdelay $0x3  }
0x96: {  	_ =	strace s2  }
0x97: {  	_ =	strace $0x8FFFFFFF  }
0x98: {  	s18 =	sld [smem:$0x3FDB];
	_ =	sdelay $0x1  }
0x99: {  	s19 =	simm.s32 $_scs_section_size  }
0x9a: {  	s4 =	simm.s32 $_size__tile_overlayer_lowered;
	s5 =	simm.s32 $_tile_overlayer_lowered  }
0x9b: {  	s22 =	simm.s32 $0x1BFF;
	s21 =	sshll.u32 s5, $0x1;
	s2 =	sadd.s32 s19, s18  }
0x9c: {  	s6 =	simm.s32 $0x0;
	s20 =	sshll.u32 s4, $0x1;
	s4 =	sadd.s32 s21, s2  }
0x9d: {  	[timem:s6], [sflag:s22] =	dma.local [hbm:s4], s20  }
0x9e: {  	_ =	swait.ge [sflag:s22], s20  }
0x9f: {  	s3 =	ssub.s32 $0x0, s20;
	[sflag:s22] =	ssyncset.done $0x0  }
0xa0: {  	[sflag:s22] =	ssyncadd.s32 s3;
	_ =	sdelay $0x1  }
0xa1: {  	s23 =	simm.s32 $0x1B8B  }
0xa2: {  	_ =	swait.ge [sflag:s23], $0x1  }
0xa3: {  	[sflag:s23] =	ssyncset.done $0x0  }
0xa4: {  	s25 =	simm.s32 $0x1B8E;
	s24 =	sld [smem:$0x3FFE];
	[sflag:s23] =	ssyncadd.s32 $0xFFFFFFFF  }
0xa5: {  	s26 =	simm.s32 $execute0_lowered;
	[smem:$0x3FD2] =	sst s25  }
0xa6: {  	s4 =	sshll.u32 s26, $0x1;
	_ =	strace $0x80000046;
	[dreg:$0x1] =	wrdreg $0xFFFFFFFF  }
0xa7: {  	s28 =	simm.s32 $_size_execute0_lowered;
	s2 =	sadd.s32 s2, s4;
	[dreg:$0x0] =	wrdreg $0x0  }
0xa8: {  	s4 =	sshll.u32 s28, $0x1;
	[dreg:$0x2] =	wrdreg s2  }
0xa9: {  	[dreg:$0x3] =	wrdreg s4  }
0xaa: {  	[dreg:$0x4] =	wrdreg $0xC0  }
0xab: {  	_ =	task [dreg:s6], $0x5FFFF  }
0xac: {  	[dreg:$0x1] =	wrdreg $0xFFFFFFFF  }
0xad: {  	[dreg:$0x0] =	wrdreg $0x60  }
0xae: {  	[dreg:$0x2] =	wrdreg s24  }
0xaf: {  	[dreg:$0x3] =	wrdreg $0xBC000  }
0xb0: {  	[dreg:$0x4] =	wrdreg $0x9  }
0xb1: {  	_ =	task.clear_ibuf [dreg:s6], $0x5FFFF;
	_ =	strace $0x90000046  }
0xb2: {  	s29 =	simm.s32 $0x9;
	_ =	strace $0x80000048  }
0xb3: {  	_ =	swait.ge [sflag:s29], $0x1  }
0xb4: {  	[sflag:s29] =	ssyncadd.s32 $0xFFFFFFFF  }
0xb5: {  	_ =	strace $0x90000048  }
0xb6: {  	_ =	sfence  }
0xb7: {  	s30 =	sld [smem:$0x0];
	_ =	sdelay $0x2  }
0xb8: {  	s31 =	sshll.u32 s1, $0xD;
	s1 =	sshrl.u32 s1, $0x2  }
0xb9: {  	s3 =	sand.u32 $0x4000, s31;
	s1 =	sadd.s32 s1, s30  }
0xba: {  	s0 =	sor.u32 s3, s0;
	s1 =	sshll.u32 s1, $0x11  }
0xbb: {  	s0 =	sor.u32 s1, s0  }
0xbc: {  	s0 =	sadd.s32 $0x8F2B, s0  }
0xbd: {  	[sflag:s0] =	ssyncadd.remote.s32 $0x1  }
0xbe: {  	_ =	sfence.sel $0xFFFF  }
0xbf: {  	[dreg:$0x0] =	wrdreg $0xFFFFFFFF;
	(pc) =	sbr.abs _section_cstart, $3  }
0xc0: {  	[dreg:$0x1] =	wrdreg $0xFFFFFFFF  }
0xc1: {  	_ =	task.clear_ibuf [dreg:s6], $0x2FFFF;
	_ =	strace $0x9FFFFFFF  }
0xc2: {  	(tm) =	ssettm $0x7FFFFFFF  }
0xc3: {  	_ =	shalt  }
tec
execute0_lowered:
.L_overlay_start_1:
0x0: {  	(tag) =	ssettag $0x1  }
0x1: {  	s0 =	srdreg.scid;
	s1 =	rddreg [dreg:$0x0]  }
0x2: {  	s17 =	stileid.u32;
	s2 =	rddreg [dreg:$0x1]  }
0x3: {  	s13 =	simm.s32 $0x3C00;
	s14 =	simm.s32 $0x5C00;
	s16 =	simm.s32 $0x7C00  }
0x4: {  	s29 =	simm.s32 $0x3;
	s31 =	simm.s32 $0x6;
	s28 =	simm.s32 $0x8  }
0x5: {  	s30 =	simm.s32 $0x0;
	s0 =	sand.u32 $0x1, s0;
	s9 =	smul.u32 $0x2700, s17  }
0x6: {  	s3 =	sshll.u32 s17, $0x1;
	s10 =	smul.u32 $0x4E000, s17;
	p0 =	sne.s32 s17, $0xF  }
0x7: {  	s26 =	sshll.u32 s17, $0x6;
	s17 =	simm.s32 $0x1400;
	s12 =	smul.u32 $0x138800, s0  }
0x8: {  	s4 =	sor.u32 s0, s3;
	s19 =	ssub.s32 $0x2, s0;
	s0 =	smul.u32 $0x27100, s0  }
0x9: {  	s3 =	simm.s32 $0x0;
	s18 =	sor.u32 $0x1C09, s26;
	s5 =	smul.u32 $0x280, s4  }
0xa: {  	s26 =	simm.s32 $0x5;
	[smem:$0x7FF] =	sst s3;
	s6 =	smul.u32 $0x500, s4  }
0xb: {  	s4 =	sadd.s32 $0x13400, s1;
	s11 =	sshrl.u32 s19, $0x1;
	s22 =	sshrl.u32 s10, $0x2  }
0xc: {  	_ =	strace $0x80000047;
	s11 =	ssub.s32 s19, s11;
	s23 =	sshrl.u32 s12, $0x3  }
0xd: {  	s15 =	sadd.s32 s22, s2;
	s0 =	sadd.s32 s9, s0;
	s12 =	simm.s32 $0x40  }
0xe: {  	s22 =	simm.s32 $0x7;
	s7 =	sadd.s32 s5, s1;
	s8 =	sadd.s32 s6, s1  }
0xf: {  	s5 =	sadd.s32 $0x3A600, s1;
	s1 =	sadd.s32 $0x3CE00, s1;
	s10 =	smax.u32 s11, $0x1  }
0x10: {  	s11 =	simm.s32 $0x9;
	s19 =	sshrl.u32 s15, $0x3;
	s20 =	sadd.s32 $0xE400, s7  }
.Ltmp0:
0x11: {  	s21 =	sadd.s32 $0x4400, s8;
	[dreg:$0x3] =	wrdreg s20;
	(pc) =	sbr.rel .LBB2_1-.Ltmp0, $4  }
0x12: {  	s24 =	sadd.s32 s1, s23;
	s0 =	sadd.s32 s1, s0;
	[dreg:$0x4] =	wrdreg s21  }
0x13: {  	s23 =	simm.s32 $0x9C00;
	s20 =	sadd.s32 $0x138000, s2;
	[dreg:$0x5] =	wrdreg s0  }
0x14: {  	s25 =	sadd.s32 $0x27000, s24;
	s21 =	simm.s32 $0x1;
	s24 =	simm.s32 $0x2  }
0x15: {  	s0 =	simm.s32 $0x4;
	[dreg:$0x6] =	wrdreg s25;
	s20 =	sshrl.u32 @!p0 s20, $0x3  }
.LBB2_4:
0x16: {  	_ =	swait.ge [sflag:s26], $0x2000  }
0x17: {  	[sflag:s26] =	ssyncset.done $0x0  }
0x18: {  	[sflag:s26] =	ssyncadd.s32 $0xFFFFE000  }
0x19: {  	_ =	swait.ge [sflag:s31], $0x2000  }
0x1a: {  	[sflag:s31] =	ssyncset.done $0x0  }
0x1b: {  	[sflag:s31] =	ssyncadd.s32 $0xFFFFE000  }
0x1c: {  	_ =	swait.ge [sflag:s22], $0x2000  }
0x1d: {  	[sflag:s22] =	ssyncset.done $0x0  }
0x1e: {  	[sflag:s22] =	ssyncadd.s32 $0xFFFFE000  }
0x1f: {  	_ =	swait.ge [sflag:s28], $0x2000  }
0x20: {  	[sflag:s28] =	ssyncset.done $0x0  }
0x21: {  	[sflag:s28] =	ssyncadd.s32 $0xFFFFE000  }
0x22: {  	[bflag:$0x0] =	sbarrier.arrive $0xFFFF  }
0x23: {  	s1 =	rddreg [dreg:$0x5]  }
0x24: {  	[hbm:s1], [sflag:s18] =	dma.local [spmem:s19], $0x2700  }
0x25: {  	_ =	swait.ge [sflag:s11], $0x2700  }
0x26: {  	s30 =	sadd.s32 $0x1, s30;
	[sflag:s11] =	ssyncset.done $0x0  }
0x27: {  	p1 =	sne.s32 s30, s10;
	s1 =	rddreg [dreg:$0x6];
	[sflag:s11] =	ssyncadd.s32 $0xFFFFD900  }
0x28: {  	[hbm:s1], [sflag:s18] =	dma.local @!p0 [spmem:s20], $0x100  }
.Ltmp1:
0x29: {  	_ = 	snop;
	(pc) =	sbr.rel @!p1 .LBB2_5-.Ltmp1, $4  }
0x2a: {  	s1 =	simm.s32 @!p0 $0x9  }
0x2b: {  	_ =	swait.ge @!p0 [sflag:s1], $0x100  }
0x2c: {  	[sflag:s1] =	ssyncset.done @!p0 $0x0  }
0x2d: {  	[sflag:s1] =	ssyncadd.s32 @!p0 $0xFFFFFF00  }
.LBB2_1:
0x2e: {  	s1 =	rddreg [dreg:$0x3]  }
0x2f: {  	[tilespmem:s3], [sflag:$0x9] =	stream.linear.gather [hbm4b:s1+s3], $0x1400, $0x38;
	[tilespmem:$0x1F4C0] =	vst v63  }
0x30: {  	_ =	swait.ge [sflag:s11], $0x1400  }
0x31: {  	[sflag:s11] =	ssyncset.done $0x0  }
0x32: {  	[sflag:s11] =	ssyncadd.s32 $0xFFFFEC00  }
0x33: {  	[tilespmem:s13], [sflag:$0x1] =	stream.indirect.gather [hbm4b:s4+s12], $0x80, s3, s12, $0xb8;
	[tilespmem:$0x1F4C0] =	vst v63  }
0x34: {  	_ = 	snop  }
0x35: {  	[tilespmem:s14], [sflag:$0x2] =	stream.indirect.gather [hbm4b:s4+s12], $0x80, s12, s12, $0xb8;
	[tilespmem:$0x1F4C0] =	vst v63  }
0x36: {  	s9 =	simm.s32 $0x80  }
0x37: {  	[tilespmem:s16], [sflag:$0x3] =	stream.indirect.gather [hbm4b:s4+s12], $0x80, s9, s12, $0xb8;
	[tilespmem:$0x1F4C0] =	vst v63  }
0x38: {  	s15 =	rddreg [dreg:$0x4]  }
0x39: {  	[tilespmem:s17], [sflag:$0x9] =	stream.linear.gather [hbm4b:s15+s3], $0x2800, $0x38;
	[tilespmem:$0x1F4C0] =	vst v63  }
0x3a: {  	_ =	swait.ge [sflag:s11], $0x2800  }
0x3b: {  	[sflag:s11] =	ssyncset.done $0x0  }
0x3c: {  	[sflag:s11] =	ssyncadd.s32 $0xFFFFD800  }
0x3d: {  	[spmem:s19], [sflag:s18] =	dma.local [hbm:s5], $0x2700  }
0x3e: {  	_ =	swait.ge [sflag:s11], $0x2700  }
0x3f: {  	[sflag:s11] =	ssyncset.done $0x0  }
0x40: {  	s1 =	simm.s32 @!p0 $0x9;
	[sflag:s11] =	ssyncadd.s32 $0xFFFFD900  }
0x41: {  	[spmem:s20], [sflag:s18] =	dma.local @!p0 [hbm:s5], $0x100  }
0x42: {  	_ =	swait.ge @!p0 [sflag:s1], $0x100  }
0x43: {  	[sflag:s1] =	ssyncset.done @!p0 $0x0  }
0x44: {  	[sflag:s1] =	ssyncadd.s32 @!p0 $0xFFFFFF00  }
0x45: {  	[bflag:$0x0] =	sbarrier.arrive $0xFFFF  }
0x46: {  	_ =	swait.ge [sflag:s21], $0x2000  }
0x47: {  	[sflag:s21] =	ssyncset.done $0x0  }
0x48: {  	[sflag:s21] =	ssyncadd.s32 $0xFFFFE000  }
0x49: {  	[spmem:s2] =	stream.indirect.scatter.add.f32 [tilespmem:s13], [sflag:$0x5], $0x80, s17, s12, $0xb8;
	[tilespmem:$0x1F4C0] =	vst v63  }
0x4a: {  	s25 =	simm.s32 $0xC0  }
0x4b: {  	[tilespmem:s23], [sflag:$0x4] =	stream.indirect.gather [hbm4b:s4+s12], $0x80, s25, s12, $0xb8;
	[tilespmem:$0x1F4C0] =	vst v63  }
0x4c: {  	_ =	swait.ge [sflag:s24], $0x2000  }
0x4d: {  	[sflag:s24] =	ssyncset.done $0x0  }
0x4e: {  	s6 =	simm.s32 $0x1480;
	[sflag:s24] =	ssyncadd.s32 $0xFFFFE000  }
0x4f: {  	[spmem:s2] =	stream.indirect.scatter.add.f32 [tilespmem:s14], [sflag:$0x6], $0x80, s6, s12, $0xb8;
	[tilespmem:$0x1F4C0] =	vst v63  }
0x50: {  	_ =	swait.ge [sflag:s26], $0x2000  }
0x51: {  	[sflag:s26] =	ssyncset.done $0x0  }
0x52: {  	s7 =	simm.s32 $0x100;
	[sflag:s26] =	ssyncadd.s32 $0xFFFFE000  }
0x53: {  	[tilespmem:s13], [sflag:$0x1] =	stream.indirect.gather [hbm4b:s4+s12], $0x80, s7, s12, $0xb8;
	[tilespmem:$0x1F4C0] =	vst v63  }
0x54: {  	_ =	swait.ge [sflag:s29], $0x2000  }
0x55: {  	[sflag:s29] =	ssyncset.done $0x0  }
0x56: {  	s8 =	simm.s32 $0x1500;
	[sflag:s29] =	ssyncadd.s32 $0xFFFFE000  }
0x57: {  	[spmem:s2] =	stream.indirect.scatter.add.f32 [tilespmem:s16], [sflag:$0x7], $0x80, s8, s12, $0xb8;
	[tilespmem:$0x1F4C0] =	vst v63  }
0x58: {  	_ =	swait.ge [sflag:s31], $0x2000  }
0x59: {  	[sflag:s31] =	ssyncset.done $0x0  }
0x5a: {  	s9 =	simm.s32 $0x140;
	[sflag:s31] =	ssyncadd.s32 $0xFFFFE000  }
0x5b: {  	[tilespmem:s14], [sflag:$0x2] =	stream.indirect.gather [hbm4b:s4+s12], $0x80, s9, s12, $0xb8;
	[tilespmem:$0x1F4C0] =	vst v63  }
0x5c: {  	_ =	swait.ge [sflag:s0], $0x2000  }
0x5d: {  	[sflag:s0] =	ssyncset.done $0x0  }
0x5e: {  	s15 =	simm.s32 $0x1580;
	[sflag:s0] =	ssyncadd.s32 $0xFFFFE000  }
0x5f: {  	[spmem:s2] =	stream.indirect.scatter.add.f32 [tilespmem:s23], [sflag:$0x8], $0x80, s15, s12, $0xb8;
	[tilespmem:$0x1F4C0] =	vst v63  }
0x60: {  	_ =	swait.ge [sflag:s22], $0x2000  }
0x61: {  	s1 =	simm.s32 $0x1780;
	[sflag:s22] =	ssyncset.done $0x0  }
0x62: {  	s25 =	simm.s32 $0x180;
	s15 =	simm.s32 $0x0;
	[sflag:s22] =	ssyncadd.s32 $0xFFFFE000  }
0x63: {  	[tilespmem:s16], [sflag:$0x3] =	stream.indirect.gather [hbm4b:s4+s12], $0x80, s25, s12, $0xb8;
	[tilespmem:$0x1F4C0] =	vst v63  }
.LBB2_2:
0x64: {  	_ =	swait.ge [sflag:s21], $0x2000  }
0x65: {  	[sflag:s21] =	ssyncset.done $0x0  }
0x66: {  	s25 =	sadd.s32 $0xFFFFFE80, s1;
	[sflag:s21] =	ssyncadd.s32 $0xFFFFE000  }
0x67: {  	[spmem:s2] =	stream.indirect.scatter.add.f32 [tilespmem:s13], [sflag:$0x5], $0x80, s25, s12, $0xb8;
	[tilespmem:$0x1F4C0] =	vst v63  }
0x68: {  	_ =	swait.ge [sflag:s28], $0x2000  }
0x69: {  	s25 =	sshra.s32 s15, $0x2;
	[sflag:s28] =	ssyncset.done $0x0  }
0x6a: {  	s6 =	sadd.s32 $0x1C0, s25;
	[sflag:s28] =	ssyncadd.s32 $0xFFFFE000  }
0x6b: {  	[tilespmem:s23], [sflag:$0x4] =	stream.indirect.gather [hbm4b:s4+s12], $0x80, s6, s12, $0xb8;
	[tilespmem:$0x1F4C0] =	vst v63  }
0x6c: {  	_ =	swait.ge [sflag:s24], $0x2000  }
0x6d: {  	p1 =	seq.s32 s15, $0x4800;
	[sflag:s24] =	ssyncset.done $0x0  }
0x6e: {  	s9 =	sadd.s32 $0xFFFFFF00, s1;
	s6 =	simm.s32 @p1 $0x3;
	[sflag:s24] =	ssyncadd.s32 $0xFFFFE000  }
0x6f: {  	[spmem:s2] =	stream.indirect.scatter.add.f32 [tilespmem:s14], [sflag:$0x6], $0x80, s9, s12, $0xb8;
	[tilespmem:$0x1F4C0] =	vst v63  }
0x70: {  	_ =	swait.ge @p1 [sflag:s6], $0x2000  }
0x71: {  	s7 =	simm.s32 @p1 $0x40;
	[sflag:s6] =	ssyncset.done @p1 $0x0  }
0x72: {  	s8 =	simm.s32 @p1 $0x7C00;
	[sflag:s6] =	ssyncadd.s32 @p1 $0xFFFFE000;
	s6 =	sadd.s32 @p1 $0xFFFFFF80, s1  }
0x73: {  	[spmem:s2] =	stream.indirect.scatter.add.f32 @p1 [tilespmem:s8], [sflag:$0x7], $0x80, s6, s7, $0xb8;
	[tilespmem:$0x1F4C0] =	vst v63  }
0x74: {  	s6 =	simm.s32 @!p1 $0x5  }
0x75: {  	_ =	swait.ge @!p1 [sflag:s6], $0x2000  }
0x76: {  	[sflag:s6] =	ssyncset.done @!p1 $0x0  }
0x77: {  	[sflag:s6] =	ssyncadd.s32 @!p1 $0xFFFFE000;
	s6 =	sshra.s32 @!p1 s15, $0x2  }
0x78: {  	s9 =	simm.s32 @!p1 $0x3C00;
	s8 =	simm.s32 @!p1 $0x40;
	s7 =	sadd.s32 @!p1 $0x200, s6  }
0x79: {  	[tilespmem:s9], [sflag:$0x1] =	stream.indirect.gather @!p1 [hbm4b:s4+s8], $0x80, s7, s8, $0xb8;
	[tilespmem:$0x1F4C0] =	vst v63  }
0x7a: {  	s7 =	simm.s32 @!p1 $0x3  }
0x7b: {  	_ =	swait.ge @!p1 [sflag:s7], $0x2000  }
0x7c: {  	[sflag:s7] =	ssyncset.done @!p1 $0x0  }
0x7d: {  	s9 =	simm.s32 @!p1 $0x7C00;
	[sflag:s7] =	ssyncadd.s32 @!p1 $0xFFFFE000;
	s7 =	sadd.s32 @!p1 $0xFFFFFF80, s1  }
0x7e: {  	[spmem:s2] =	stream.indirect.scatter.add.f32 @!p1 [tilespmem:s9], [sflag:$0x7], $0x80, s7, s8, $0xb8;
	[tilespmem:$0x1F4C0] =	vst v63  }
0x7f: {  	s7 =	simm.s32 @!p1 $0x6  }
0x80: {  	_ =	swait.ge @!p1 [sflag:s7], $0x2000  }
0x81: {  	[sflag:s7] =	ssyncset.done @!p1 $0x0  }
0x82: {  	s6 =	sadd.s32 @!p1 $0x240, s6;
	[sflag:s7] =	ssyncadd.s32 @!p1 $0xFFFFE000;
	s7 =	simm.s32 @!p1 $0x5C00  }
0x83: {  	[tilespmem:s7], [sflag:$0x2] =	stream.indirect.gather @!p1 [hbm4b:s4+s8], $0x80, s6, s8, $0xb8;
	[tilespmem:$0x1F4C0] =	vst v63  }
.Ltmp2:
0x84: {  	_ = 	snop;
	(pc) =	sbr.rel @p1 .LBB2_4-.Ltmp2, $4  }
0x85: {  	_ =	swait.ge [sflag:s0], $0x2000  }
0x86: {  	[sflag:s0] =	ssyncset.done $0x0  }
0x87: {  	[sflag:s0] =	ssyncadd.s32 $0xFFFFE000  }
0x88: {  	[spmem:s2] =	stream.indirect.scatter.add.f32 [tilespmem:s23], [sflag:$0x8], $0x80, s1, s12, $0xb8;
	[tilespmem:$0x1F4C0] =	vst v63  }
.Ltmp3:
0x89: {  	(pc) =	sbr.rel .LBB2_2-.Ltmp3, $4  }
0x8a: {  	_ =	swait.ge [sflag:s22], $0x2000  }
0x8b: {  	s6 =	sadd.s32 $0x280, s25;
	[sflag:s22] =	ssyncset.done $0x0  }
0x8c: {  	s15 =	sadd.s32 $0x400, s15;
	s1 =	sadd.s32 $0x200, s1;
	[sflag:s22] =	ssyncadd.s32 $0xFFFFE000  }
0x8d: {  	[tilespmem:s16], [sflag:$0x3] =	stream.indirect.gather [hbm4b:s4+s12], $0x80, s6, s12, $0xb8;
	[tilespmem:$0x1F4C0] =	vst v63  }
.LBB2_5:
0x8e: {  	_ =	sfence.sel $0x180000  }
0x8f: {  	[bflag:$0x0] =	sbarrier.arrive $0xFFFF  }
0x90: {  	_ =	strace $0x90000047  }
0x91: {  	s0 =	stileid.u32;
	[bflag:$0x2] =	sbarrier.arrive $0xFFFF  }
0x92: {  	p0 =	sne.s32 s0, $0x0;
	s0 =	rddreg [dreg:$0x2]  }
0x93: {  	s0 =	sadd.s32 @!p0 $0x100000, s0  }
0x94: {  	[sflag:s0] =	ssyncadd.tile.s32 @!p0 $0x1;
	_ =	shalt  }
.Lfunc_end2:
_tile_overlayer_lowered:
.L_overlay_start_2:
0x95: {  	(tag) =	ssettag $0x2  }
0x96: {  	s0 =	rddreg [dreg:$0x0];
	s2 =	stileid.u32  }
0x97: {  	s1 =	rddreg [dreg:$0x1];
	p0 =	sne.s32 s2, $0x0  }
0x98: {  	s3 =	rddreg [dreg:$0x2];
	[bflag:$0x3] =	sbarrier.arrive $0xFFFF;
	s2 =	simm.s32 @!p0 $0x1C09  }
0x99: {  	[timem:s3], [sflag:s2] =	dma.local @!p0 [hbm:s0], s1  }
0x9a: {  	s0 =	simm.s32 @!p0 $0x9  }
0x9b: {  	_ =	swait.ge @!p0 [sflag:s0], s1  }
0x9c: {  	s1 =	ssub.s32 @!p0 $0x0, s1;
	[sflag:s0] =	ssyncset.done @!p0 $0x0  }
0x9d: {  	[sflag:s0] =	ssyncadd.s32 @!p0 s1  }
0x9e: {  	[bflag:$0x3] =	sbarrier.arrive $0xFFFF  }
0x9f: {  	_ =	shalt  }

// kernel: kernel.15.cloned.1.call-start
scs
__scs_entry_jumppad:
0x0: {  	(pc) =	sbr.rel $0x88, $3  }
0x1: {  	(tag) =	ssettag $0x0;
	lr =	simm.s32 $0x1  }
0x2: {  	[smem:$0x3F89] =	sst lr;
	_ =	strace $0xD0000000  }
0x3: {  	_ = 	snop  }
0x4: {  	_ = 	snop  }
0x5: {  	_ = 	snop  }
0x6: {  	_ = 	snop  }
0x7: {  	_ = 	snop  }
__scs_overlays_trampoline_lowered:
0x8: {  	[smem:$0x3F98] =	sst s0  }
0x9: {  	[smem:$0x3F99] =	sst s1  }
0xa: {  	[smem:$0x3F9A] =	sst s2  }
0xb: {  	[smem:$0x3F9B] =	sst s3  }
0xc: {  	[smem:$0x3F9C] =	sst s4  }
0xd: {  	[smem:$0x3F9D] =	sst s5  }
0xe: {  	[smem:$0x3F9E] =	sst s6  }
0xf: {  	[smem:$0x3F9F] =	sst s7  }
0x10: {  	[smem:$0x3FA0] =	sst s8  }
0x11: {  	[smem:$0x3FA1] =	sst s9;
	s0 =	simm.s32 @!p0 $0x0  }
0x12: {  	s1 =	sld [smem:$0x3F87];
	s0 =	simm.s32 @p0 $0x1  }
0x13: {  	[smem:$0x3FA2] =	sst s0;
	s0 =	simm.s32 @!p1 $0x0  }
0x14: {  	s2 =	sld [smem:$0x3F86];
	s0 =	simm.s32 @p1 $0x1  }
0x15: {  	[smem:$0x3FA3] =	sst s0;
	s0 =	simm.s32 @!p2 $0x0  }
0x16: {  	s3 =	sld [smem:$0x3FDB];
	s0 =	simm.s32 @p2 $0x1  }
0x17: {  	s4 =	simm.s32 $0x1BF5;
	[smem:$0x3FA5] =	sst s0  }
0x18: {  	s0 =	sld [smem:$0x3F88];
	_ =	swait.ge [sflag:s4], $0x0  }
0x19: {  	s7 =	sld [smem:$0x3F89]  }
0x1a: {  	s8 =	sadd.s32 $0xFFFFE003, lr  }
0x1b: {  	s9 =	sadd.s32 $0xFFFFFEF7, lr;
	s5 =	simm.s32 $0xFFFFFFFF;
	p2 =	slt.u32 s8, $0xFFFFF086  }
0x1c: {  	p1 =	slt.u32 s9, $0xF7A;
	s5 =	simm.s32 @!p2 $0x0  }
0x1d: {  	s5 =	simm.s32 @p1 $0x1;
	p0 =	seq.s32 s7, s2  }
0x1e: {  	s7 =	smul.u32 @!p0 $0xF7A, s2;
	p2 =	seq.s32 @!p0 s5, $0x0  }
0x1f: {  	s9 =	smul.u32 $0xF7A, s1;
	s8 =	simm.s32 @!p0 $0x1BF5;
	p2 =	por !p2, p0  }
0x20: {  	[sflag:s8] =	ssyncset.s32 @!p0 $0xFFFFF086;
	s6 =	sadd.s32 @!p0 s3, s7;
	s7 =	simm.s32 @!p0 $0x108  }
0x21: {  	s3 =	sadd.s32 s3, s9;
	s6 =	sadd.s32 @!p0 $0x88, s6;
	s7 =	simm.s32 @p2 $0x1082  }
0x22: {  	[simem:s7], [sflag:s8] =	dma.local @!p0 [hbm:s6], $0xF7A  }
0x23: {  	s9 =	sor.u32 $0xD0000000, s2;
	s6 =	simm.s32 $0x108;
	_ =	swait.ge @!p0 [sflag:s8], $0x0  }
0x24: {  	s3 =	sadd.s32 $0x88, s3;
	s6 =	simm.s32 @!p1 $0x1082;
	[sflag:s4] =	ssyncset.s32 $0xFFFFF086  }
0x25: {  	[simem:s6], [sflag:s4] =	dma.local [hbm:s3], $0xF7A  }
0x26: {  	[smem:$0x3F89] =	sst s1;
	(tag) =	ssettag s2;
	_ =	strace s9  }
0x27: {  	s1 =	sld [smem:$0x3F99]  }
0x28: {  	s2 =	sld [smem:$0x3F9A]  }
0x29: {  	s4 =	sld [smem:$0x3F9C]  }
0x2a: {  	p0 =	seq.s32 s5, $0x0;
	s5 =	sld [smem:$0x3F9D]  }
0x2b: {  	s6 =	sld [smem:$0x3F9E]  }
0x2c: {  	s7 =	sld [smem:$0x3F9F]  }
0x2d: {  	s3 =	simm.s32 $0x108;
	s8 =	sld [smem:$0x3FA0]  }
0x2e: {  	s3 =	simm.s32 @!p0 $0x1082;
	s9 =	sld [smem:$0x3FA1]  }
0x2f: {  	lr =	sadd.s32 s0, s3;
	s0 =	sld [smem:$0x3F98]  }
0x30: {  	s3 =	sld [smem:$0x3F9B]  }
0x31: {  	[smem:$0x3FA4] =	sst s10  }
0x32: {  	s10 =	sld [smem:$0x3FA2];
	_ =	sdelay $0x3  }
0x33: {  	p0 =	seq.s32 s10, $0x1;
	s10 =	sld [smem:$0x3FA4];
	_ =	sdelay $0x3  }
0x34: {  	[smem:$0x3FA4] =	sst s10  }
0x35: {  	s10 =	sld [smem:$0x3FA3];
	_ =	sdelay $0x3  }
0x36: {  	p1 =	seq.s32 s10, $0x1;
	s10 =	sld [smem:$0x3FA4];
	_ =	sdelay $0x3  }
0x37: {  	[smem:$0x3FA4] =	sst s10  }
0x38: {  	s10 =	sld [smem:$0x3FA5]  }
0x39: {  	_ = 	snop;
	(pc) =	sbr.ind lr, $3  }
0x3a: {  	_ = 	snop  }
0x3b: {  	_ = 	snop  }
0x3c: {  	p2 =	seq.s32 s10, $0x1;
	s10 =	sld [smem:$0x3FA4]  }
0x3d: {  	_ =	shalt  }
0x3e: {  	_ =	shalt  }
0x3f: {  	_ =	shalt  }
0x40: {  	_ =	shalt  }
0x41: {  	_ =	shalt  }
0x42: {  	_ =	shalt  }
0x43: {  	_ =	shalt  }
0x44: {  	_ =	shalt  }
0x45: {  	_ =	shalt  }
0x46: {  	_ =	shalt  }
0x47: {  	_ =	shalt  }
0x48: {  	_ =	shalt  }
0x49: {  	_ =	shalt  }
0x4a: {  	_ =	shalt  }
0x4b: {  	_ =	shalt  }
0x4c: {  	_ =	shalt  }
0x4d: {  	_ =	shalt  }
0x4e: {  	_ =	shalt  }
0x4f: {  	_ =	shalt  }
0x50: {  	_ =	shalt  }
0x51: {  	_ =	shalt  }
0x52: {  	_ =	shalt  }
0x53: {  	_ =	shalt  }
0x54: {  	_ =	shalt  }
0x55: {  	_ =	shalt  }
0x56: {  	_ =	shalt  }
0x57: {  	_ =	shalt  }
0x58: {  	_ =	shalt  }
0x59: {  	_ =	shalt  }
0x5a: {  	_ =	shalt  }
0x5b: {  	_ =	shalt  }
0x5c: {  	_ =	shalt  }
0x5d: {  	_ =	shalt  }
0x5e: {  	_ =	shalt  }
0x5f: {  	_ =	shalt  }
0x60: {  	_ =	shalt  }
0x61: {  	_ =	shalt  }
0x62: {  	_ =	shalt  }
0x63: {  	_ =	shalt  }
0x64: {  	_ =	shalt  }
0x65: {  	_ =	shalt  }
0x66: {  	_ =	shalt  }
0x67: {  	_ =	shalt  }
0x68: {  	_ =	shalt  }
0x69: {  	_ =	shalt  }
0x6a: {  	_ =	shalt  }
0x6b: {  	_ =	shalt  }
0x6c: {  	_ =	shalt  }
0x6d: {  	_ =	shalt  }
0x6e: {  	_ =	shalt  }
0x6f: {  	_ =	shalt  }
0x70: {  	_ =	shalt  }
0x71: {  	_ =	shalt  }
0x72: {  	_ =	shalt  }
0x73: {  	_ =	shalt  }
0x74: {  	_ =	shalt  }
0x75: {  	_ =	shalt  }
0x76: {  	_ =	shalt  }
0x77: {  	_ =	shalt  }
0x78: {  	_ =	shalt  }
0x79: {  	_ =	shalt  }
0x7a: {  	_ =	shalt  }
0x7b: {  	_ =	shalt  }
0x7c: {  	_ =	shalt  }
0x7d: {  	_ =	shalt  }
0x7e: {  	_ =	shalt  }
0x7f: {  	_ =	shalt  }
0x80: {  	_ =	shalt  }
0x81: {  	_ =	shalt  }
0x82: {  	_ =	shalt  }
0x83: {  	_ =	shalt  }
0x84: {  	_ =	shalt  }
0x85: {  	_ =	shalt  }
0x86: {  	_ =	shalt  }
0x87: {  	_ =	shalt  }
.Lfunc_end0:
.L_simem_size_0:
called_computation.1_lowered:
.L_overlay_start_0:
0x88: {  	s2 =	sld [smem:$0x3FD9]  }
0x89: {  	s3 =	sld [smem:$0x3FFE];
	_ =	sdelay $0x1  }
0x8a: {  	s1 =	srdreg.scid  }
0x8b: {  	s0 =	sand.u32 $0x1, s1  }
0x8c: {  	s16 =	sshll.u32 s0, $0xA;
	s2 =	sadd.s32 s3, s2  }
0x8d: {  	s2 =	sadd.s32 s2, s16  }
0x8e: {  	[smem:$0x3FB0] =	sst s2  }
0x8f: {  	_ = 	snop  }
0x90: {  	(tm) =	ssettm $0x1  }
0x91: {  	s17 =	sld [smem:$0x3FFB];
	_ =	sdelay $0x3  }
0x92: {  	_ =	strace s17  }
0x93: {  	s2 =	sld [smem:$0x3FFC];
	_ =	sdelay $0x3  }
0x94: {  	_ =	strace s2  }
0x95: {  	s2 =	sld [smem:$0x3FFD];
	_ =	sdelay $0x3  }
0x96: {  	_ =	strace s2  }
0x97: {  	_ =	strace $0x8FFFFFFF  }
0x98: {  	s18 =	sld [smem:$0x3FDB];
	_ =	sdelay $0x1  }
0x99: {  	s19 =	simm.s32 $_scs_section_size  }
0x9a: {  	s4 =	simm.s32 $_size__tile_overlayer_lowered;
	s5 =	simm.s32 $_tile_overlayer_lowered  }
0x9b: {  	s22 =	simm.s32 $0x1BFF;
	s21 =	sshll.u32 s5, $0x1;
	s2 =	sadd.s32 s19, s18  }
0x9c: {  	s6 =	simm.s32 $0x0;
	s20 =	sshll.u32 s4, $0x1;
	s4 =	sadd.s32 s21, s2  }
0x9d: {  	[timem:s6], [sflag:s22] =	dma.local [hbm:s4], s20  }
0x9e: {  	_ =	swait.ge [sflag:s22], s20  }
0x9f: {  	s3 =	ssub.s32 $0x0, s20;
	[sflag:s22] =	ssyncset.done $0x0  }
0xa0: {  	[sflag:s22] =	ssyncadd.s32 s3;
	_ =	sdelay $0x1  }
0xa1: {  	s23 =	simm.s32 $0x1B8B  }
0xa2: {  	_ =	swait.ge [sflag:s23], $0x1  }
0xa3: {  	[sflag:s23] =	ssyncset.done $0x0  }
0xa4: {  	s25 =	simm.s32 $0x1B8E;
	s24 =	sld [smem:$0x3FFE];
	[sflag:s23] =	ssyncadd.s32 $0xFFFFFFFF  }
0xa5: {  	s26 =	simm.s32 $execute0_lowered;
	[smem:$0x3FD2] =	sst s25  }
0xa6: {  	s4 =	sshll.u32 s26, $0x1;
	_ =	strace $0x80000049;
	[dreg:$0x1] =	wrdreg $0xFFFFFFFF  }
0xa7: {  	s28 =	simm.s32 $_size_execute0_lowered;
	s2 =	sadd.s32 s2, s4;
	[dreg:$0x0] =	wrdreg $0x0  }
0xa8: {  	s4 =	sshll.u32 s28, $0x1;
	[dreg:$0x2] =	wrdreg s2  }
0xa9: {  	[dreg:$0x3] =	wrdreg s4  }
0xaa: {  	[dreg:$0x4] =	wrdreg $0xC0  }
0xab: {  	_ =	task [dreg:s6], $0x5FFFF  }
0xac: {  	[dreg:$0x1] =	wrdreg $0xFFFFFFFF  }
0xad: {  	[dreg:$0x0] =	wrdreg $0x60  }
0xae: {  	[dreg:$0x2] =	wrdreg s24  }
0xaf: {  	[dreg:$0x3] =	wrdreg $0xBC000  }
0xb0: {  	[dreg:$0x4] =	wrdreg $0x9  }
0xb1: {  	_ =	task.clear_ibuf [dreg:s6], $0x5FFFF;
	_ =	strace $0x90000049  }
0xb2: {  	s29 =	simm.s32 $0x9;
	_ =	strace $0x8000004B  }
0xb3: {  	_ =	swait.ge [sflag:s29], $0x1  }
0xb4: {  	[sflag:s29] =	ssyncadd.s32 $0xFFFFFFFF  }
0xb5: {  	_ =	strace $0x9000004B  }
0xb6: {  	_ =	sfence  }
0xb7: {  	s30 =	sld [smem:$0x0];
	_ =	sdelay $0x2  }
0xb8: {  	s31 =	sshll.u32 s1, $0xD;
	s1 =	sshrl.u32 s1, $0x2  }
0xb9: {  	s3 =	sand.u32 $0x4000, s31;
	s1 =	sadd.s32 s1, s30  }
0xba: {  	s0 =	sor.u32 s3, s0;
	s1 =	sshll.u32 s1, $0x11  }
0xbb: {  	s0 =	sor.u32 s1, s0  }
0xbc: {  	s0 =	sadd.s32 $0x8F2B, s0  }
0xbd: {  	[sflag:s0] =	ssyncadd.remote.s32 $0x1  }
0xbe: {  	_ =	sfence.sel $0xFFFF  }
0xbf: {  	[dreg:$0x0] =	wrdreg $0xFFFFFFFF;
	(pc) =	sbr.abs _section_cstart, $3  }
0xc0: {  	[dreg:$0x1] =	wrdreg $0xFFFFFFFF  }
0xc1: {  	_ =	task.clear_ibuf [dreg:s6], $0x2FFFF;
	_ =	strace $0x9FFFFFFF  }
0xc2: {  	(tm) =	ssettm $0x7FFFFFFF  }
0xc3: {  	_ =	shalt  }
tec
execute0_lowered:
.L_overlay_start_1:
0x0: {  	(tag) =	ssettag $0x1  }
0x1: {  	s0 =	srdreg.scid;
	s1 =	rddreg [dreg:$0x0]  }
0x2: {  	s17 =	stileid.u32;
	s2 =	rddreg [dreg:$0x1]  }
0x3: {  	s13 =	simm.s32 $0x3C00;
	s14 =	simm.s32 $0x5C00;
	s16 =	simm.s32 $0x7C00  }
0x4: {  	s29 =	simm.s32 $0x3;
	s31 =	simm.s32 $0x6;
	s28 =	simm.s32 $0x8  }
0x5: {  	s30 =	simm.s32 $0x0;
	s0 =	sand.u32 $0x1, s0;
	s9 =	smul.u32 $0x2700, s17  }
0x6: {  	s3 =	sshll.u32 s17, $0x1;
	s10 =	smul.u32 $0x4E000, s17;
	p0 =	sne.s32 s17, $0xF  }
0x7: {  	s26 =	sshll.u32 s17, $0x6;
	s17 =	simm.s32 $0x1400;
	s12 =	smul.u32 $0x138800, s0  }
0x8: {  	s4 =	sor.u32 s0, s3;
	s19 =	ssub.s32 $0x2, s0;
	s0 =	smul.u32 $0x27100, s0  }
0x9: {  	s3 =	simm.s32 $0x0;
	s18 =	sor.u32 $0x1C09, s26;
	s5 =	smul.u32 $0x280, s4  }
0xa: {  	s26 =	simm.s32 $0x5;
	[smem:$0x7FF] =	sst s3;
	s6 =	smul.u32 $0x500, s4  }
0xb: {  	s4 =	sadd.s32 $0x13400, s1;
	s11 =	sshrl.u32 s19, $0x1;
	s22 =	sshrl.u32 s10, $0x2  }
0xc: {  	_ =	strace $0x8000004A;
	s11 =	ssub.s32 s19, s11;
	s23 =	sshrl.u32 s12, $0x3  }
0xd: {  	s15 =	sadd.s32 s22, s2;
	s0 =	sadd.s32 s9, s0;
	s12 =	simm.s32 $0x40  }
0xe: {  	s22 =	simm.s32 $0x7;
	s7 =	sadd.s32 s5, s1;
	s8 =	sadd.s32 s6, s1  }
0xf: {  	s5 =	sadd.s32 $0x3A600, s1;
	s1 =	sadd.s32 $0x3CE00, s1;
	s10 =	smax.u32 s11, $0x1  }
0x10: {  	s11 =	simm.s32 $0x9;
	s19 =	sshrl.u32 s15, $0x3;
	s20 =	sadd.s32 $0xE400, s7  }
.Ltmp0:
0x11: {  	s21 =	sadd.s32 $0x4400, s8;
	[dreg:$0x3] =	wrdreg s20;
	(pc) =	sbr.rel .LBB2_1-.Ltmp0, $4  }
0x12: {  	s24 =	sadd.s32 s1, s23;
	s0 =	sadd.s32 s1, s0;
	[dreg:$0x4] =	wrdreg s21  }
0x13: {  	s23 =	simm.s32 $0x9C00;
	s20 =	sadd.s32 $0x138000, s2;
	[dreg:$0x5] =	wrdreg s0  }
0x14: {  	s25 =	sadd.s32 $0x27000, s24;
	s21 =	simm.s32 $0x1;
	s24 =	simm.s32 $0x2  }
0x15: {  	s0 =	simm.s32 $0x4;
	[dreg:$0x6] =	wrdreg s25;
	s20 =	sshrl.u32 @!p0 s20, $0x3  }
.LBB2_4:
0x16: {  	_ =	swait.ge [sflag:s26], $0x2000  }
0x17: {  	[sflag:s26] =	ssyncset.done $0x0  }
0x18: {  	[sflag:s26] =	ssyncadd.s32 $0xFFFFE000  }
0x19: {  	_ =	swait.ge [sflag:s31], $0x2000  }
0x1a: {  	[sflag:s31] =	ssyncset.done $0x0  }
0x1b: {  	[sflag:s31] =	ssyncadd.s32 $0xFFFFE000  }
0x1c: {  	_ =	swait.ge [sflag:s22], $0x2000  }
0x1d: {  	[sflag:s22] =	ssyncset.done $0x0  }
0x1e: {  	[sflag:s22] =	ssyncadd.s32 $0xFFFFE000  }
0x1f: {  	_ =	swait.ge [sflag:s28], $0x2000  }
0x20: {  	[sflag:s28] =	ssyncset.done $0x0  }
0x21: {  	[sflag:s28] =	ssyncadd.s32 $0xFFFFE000  }
0x22: {  	[bflag:$0x0] =	sbarrier.arrive $0xFFFF  }
0x23: {  	s1 =	rddreg [dreg:$0x5]  }
0x24: {  	[hbm:s1], [sflag:s18] =	dma.local [spmem:s19], $0x2700  }
0x25: {  	_ =	swait.ge [sflag:s11], $0x2700  }
0x26: {  	s30 =	sadd.s32 $0x1, s30;
	[sflag:s11] =	ssyncset.done $0x0  }
0x27: {  	p1 =	sne.s32 s30, s10;
	s1 =	rddreg [dreg:$0x6];
	[sflag:s11] =	ssyncadd.s32 $0xFFFFD900  }
0x28: {  	[hbm:s1], [sflag:s18] =	dma.local @!p0 [spmem:s20], $0x100  }
.Ltmp1:
0x29: {  	_ = 	snop;
	(pc) =	sbr.rel @!p1 .LBB2_5-.Ltmp1, $4  }
0x2a: {  	s1 =	simm.s32 @!p0 $0x9  }
0x2b: {  	_ =	swait.ge @!p0 [sflag:s1], $0x100  }
0x2c: {  	[sflag:s1] =	ssyncset.done @!p0 $0x0  }
0x2d: {  	[sflag:s1] =	ssyncadd.s32 @!p0 $0xFFFFFF00  }
.LBB2_1:
0x2e: {  	s1 =	rddreg [dreg:$0x3]  }
0x2f: {  	[tilespmem:s3], [sflag:$0x9] =	stream.linear.gather [hbm4b:s1+s3], $0x1400, $0x38;
	[tilespmem:$0x1F4C0] =	vst v63  }
0x30: {  	_ =	swait.ge [sflag:s11], $0x1400  }
0x31: {  	[sflag:s11] =	ssyncset.done $0x0  }
0x32: {  	[sflag:s11] =	ssyncadd.s32 $0xFFFFEC00  }
0x33: {  	[tilespmem:s13], [sflag:$0x1] =	stream.indirect.gather [hbm4b:s4+s12], $0x80, s3, s12, $0xb8;
	[tilespmem:$0x1F4C0] =	vst v63  }
0x34: {  	_ = 	snop  }
0x35: {  	[tilespmem:s14], [sflag:$0x2] =	stream.indirect.gather [hbm4b:s4+s12], $0x80, s12, s12, $0xb8;
	[tilespmem:$0x1F4C0] =	vst v63  }
0x36: {  	s9 =	simm.s32 $0x80  }
0x37: {  	[tilespmem:s16], [sflag:$0x3] =	stream.indirect.gather [hbm4b:s4+s12], $0x80, s9, s12, $0xb8;
	[tilespmem:$0x1F4C0] =	vst v63  }
0x38: {  	s15 =	rddreg [dreg:$0x4]  }
0x39: {  	[tilespmem:s17], [sflag:$0x9] =	stream.linear.gather [hbm4b:s15+s3], $0x2800, $0x38;
	[tilespmem:$0x1F4C0] =	vst v63  }
0x3a: {  	_ =	swait.ge [sflag:s11], $0x2800  }
0x3b: {  	[sflag:s11] =	ssyncset.done $0x0  }
0x3c: {  	[sflag:s11] =	ssyncadd.s32 $0xFFFFD800  }
0x3d: {  	[spmem:s19], [sflag:s18] =	dma.local [hbm:s5], $0x2700  }
0x3e: {  	_ =	swait.ge [sflag:s11], $0x2700  }
0x3f: {  	[sflag:s11] =	ssyncset.done $0x0  }
0x40: {  	s1 =	simm.s32 @!p0 $0x9;
	[sflag:s11] =	ssyncadd.s32 $0xFFFFD900  }
0x41: {  	[spmem:s20], [sflag:s18] =	dma.local @!p0 [hbm:s5], $0x100  }
0x42: {  	_ =	swait.ge @!p0 [sflag:s1], $0x100  }
0x43: {  	[sflag:s1] =	ssyncset.done @!p0 $0x0  }
0x44: {  	[sflag:s1] =	ssyncadd.s32 @!p0 $0xFFFFFF00  }
0x45: {  	[bflag:$0x0] =	sbarrier.arrive $0xFFFF  }
0x46: {  	_ =	swait.ge [sflag:s21], $0x2000  }
0x47: {  	[sflag:s21] =	ssyncset.done $0x0  }
0x48: {  	[sflag:s21] =	ssyncadd.s32 $0xFFFFE000  }
0x49: {  	[spmem:s2] =	stream.indirect.scatter.add.f32 [tilespmem:s13], [sflag:$0x5], $0x80, s17, s12, $0xb8;
	[tilespmem:$0x1F4C0] =	vst v63  }
0x4a: {  	s25 =	simm.s32 $0xC0  }
0x4b: {  	[tilespmem:s23], [sflag:$0x4] =	stream.indirect.gather [hbm4b:s4+s12], $0x80, s25, s12, $0xb8;
	[tilespmem:$0x1F4C0] =	vst v63  }
0x4c: {  	_ =	swait.ge [sflag:s24], $0x2000  }
0x4d: {  	[sflag:s24] =	ssyncset.done $0x0  }
0x4e: {  	s6 =	simm.s32 $0x1480;
	[sflag:s24] =	ssyncadd.s32 $0xFFFFE000  }
0x4f: {  	[spmem:s2] =	stream.indirect.scatter.add.f32 [tilespmem:s14], [sflag:$0x6], $0x80, s6, s12, $0xb8;
	[tilespmem:$0x1F4C0] =	vst v63  }
0x50: {  	_ =	swait.ge [sflag:s26], $0x2000  }
0x51: {  	[sflag:s26] =	ssyncset.done $0x0  }
0x52: {  	s7 =	simm.s32 $0x100;
	[sflag:s26] =	ssyncadd.s32 $0xFFFFE000  }
0x53: {  	[tilespmem:s13], [sflag:$0x1] =	stream.indirect.gather [hbm4b:s4+s12], $0x80, s7, s12, $0xb8;
	[tilespmem:$0x1F4C0] =	vst v63  }
0x54: {  	_ =	swait.ge [sflag:s29], $0x2000  }
0x55: {  	[sflag:s29] =	ssyncset.done $0x0  }
0x56: {  	s8 =	simm.s32 $0x1500;
	[sflag:s29] =	ssyncadd.s32 $0xFFFFE000  }
0x57: {  	[spmem:s2] =	stream.indirect.scatter.add.f32 [tilespmem:s16], [sflag:$0x7], $0x80, s8, s12, $0xb8;
	[tilespmem:$0x1F4C0] =	vst v63  }
0x58: {  	_ =	swait.ge [sflag:s31], $0x2000  }
0x59: {  	[sflag:s31] =	ssyncset.done $0x0  }
0x5a: {  	s9 =	simm.s32 $0x140;
	[sflag:s31] =	ssyncadd.s32 $0xFFFFE000  }
0x5b: {  	[tilespmem:s14], [sflag:$0x2] =	stream.indirect.gather [hbm4b:s4+s12], $0x80, s9, s12, $0xb8;
	[tilespmem:$0x1F4C0] =	vst v63  }
0x5c: {  	_ =	swait.ge [sflag:s0], $0x2000  }
0x5d: {  	[sflag:s0] =	ssyncset.done $0x0  }
0x5e: {  	s15 =	simm.s32 $0x1580;
	[sflag:s0] =	ssyncadd.s32 $0xFFFFE000  }
0x5f: {  	[spmem:s2] =	stream.indirect.scatter.add.f32 [tilespmem:s23], [sflag:$0x8], $0x80, s15, s12, $0xb8;
	[tilespmem:$0x1F4C0] =	vst v63  }
0x60: {  	_ =	swait.ge [sflag:s22], $0x2000  }
0x61: {  	s1 =	simm.s32 $0x1780;
	[sflag:s22] =	ssyncset.done $0x0  }
0x62: {  	s25 =	simm.s32 $0x180;
	s15 =	simm.s32 $0x0;
	[sflag:s22] =	ssyncadd.s32 $0xFFFFE000  }
0x63: {  	[tilespmem:s16], [sflag:$0x3] =	stream.indirect.gather [hbm4b:s4+s12], $0x80, s25, s12, $0xb8;
	[tilespmem:$0x1F4C0] =	vst v63  }
.LBB2_2:
0x64: {  	_ =	swait.ge [sflag:s21], $0x2000  }
0x65: {  	[sflag:s21] =	ssyncset.done $0x0  }
0x66: {  	s25 =	sadd.s32 $0xFFFFFE80, s1;
	[sflag:s21] =	ssyncadd.s32 $0xFFFFE000  }
0x67: {  	[spmem:s2] =	stream.indirect.scatter.add.f32 [tilespmem:s13], [sflag:$0x5], $0x80, s25, s12, $0xb8;
	[tilespmem:$0x1F4C0] =	vst v63  }
0x68: {  	_ =	swait.ge [sflag:s28], $0x2000  }
0x69: {  	s25 =	sshra.s32 s15, $0x2;
	[sflag:s28] =	ssyncset.done $0x0  }
0x6a: {  	s6 =	sadd.s32 $0x1C0, s25;
	[sflag:s28] =	ssyncadd.s32 $0xFFFFE000  }
0x6b: {  	[tilespmem:s23], [sflag:$0x4] =	stream.indirect.gather [hbm4b:s4+s12], $0x80, s6, s12, $0xb8;
	[tilespmem:$0x1F4C0] =	vst v63  }
0x6c: {  	_ =	swait.ge [sflag:s24], $0x2000  }
0x6d: {  	p1 =	seq.s32 s15, $0x4800;
	[sflag:s24] =	ssyncset.done $0x0  }
0x6e: {  	s9 =	sadd.s32 $0xFFFFFF00, s1;
	s6 =	simm.s32 @p1 $0x3;
	[sflag:s24] =	ssyncadd.s32 $0xFFFFE000  }
0x6f: {  	[spmem:s2] =	stream.indirect.scatter.add.f32 [tilespmem:s14], [sflag:$0x6], $0x80, s9, s12, $0xb8;
	[tilespmem:$0x1F4C0] =	vst v63  }
0x70: {  	_ =	swait.ge @p1 [sflag:s6], $0x2000  }
0x71: {  	s7 =	simm.s32 @p1 $0x40;
	[sflag:s6] =	ssyncset.done @p1 $0x0  }
0x72: {  	s8 =	simm.s32 @p1 $0x7C00;
	[sflag:s6] =	ssyncadd.s32 @p1 $0xFFFFE000;
	s6 =	sadd.s32 @p1 $0xFFFFFF80, s1  }
0x73: {  	[spmem:s2] =	stream.indirect.scatter.add.f32 @p1 [tilespmem:s8], [sflag:$0x7], $0x80, s6, s7, $0xb8;
	[tilespmem:$0x1F4C0] =	vst v63  }
0x74: {  	s6 =	simm.s32 @!p1 $0x5  }
0x75: {  	_ =	swait.ge @!p1 [sflag:s6], $0x2000  }
0x76: {  	[sflag:s6] =	ssyncset.done @!p1 $0x0  }
0x77: {  	[sflag:s6] =	ssyncadd.s32 @!p1 $0xFFFFE000;
	s6 =	sshra.s32 @!p1 s15, $0x2  }
0x78: {  	s9 =	simm.s32 @!p1 $0x3C00;
	s8 =	simm.s32 @!p1 $0x40;
	s7 =	sadd.s32 @!p1 $0x200, s6  }
0x79: {  	[tilespmem:s9], [sflag:$0x1] =	stream.indirect.gather @!p1 [hbm4b:s4+s8], $0x80, s7, s8, $0xb8;
	[tilespmem:$0x1F4C0] =	vst v63  }
0x7a: {  	s7 =	simm.s32 @!p1 $0x3  }
0x7b: {  	_ =	swait.ge @!p1 [sflag:s7], $0x2000  }
0x7c: {  	[sflag:s7] =	ssyncset.done @!p1 $0x0  }
0x7d: {  	s9 =	simm.s32 @!p1 $0x7C00;
	[sflag:s7] =	ssyncadd.s32 @!p1 $0xFFFFE000;
	s7 =	sadd.s32 @!p1 $0xFFFFFF80, s1  }
0x7e: {  	[spmem:s2] =	stream.indirect.scatter.add.f32 @!p1 [tilespmem:s9], [sflag:$0x7], $0x80, s7, s8, $0xb8;
	[tilespmem:$0x1F4C0] =	vst v63  }
0x7f: {  	s7 =	simm.s32 @!p1 $0x6  }
0x80: {  	_ =	swait.ge @!p1 [sflag:s7], $0x2000  }
0x81: {  	[sflag:s7] =	ssyncset.done @!p1 $0x0  }
0x82: {  	s6 =	sadd.s32 @!p1 $0x240, s6;
	[sflag:s7] =	ssyncadd.s32 @!p1 $0xFFFFE000;
	s7 =	simm.s32 @!p1 $0x5C00  }
0x83: {  	[tilespmem:s7], [sflag:$0x2] =	stream.indirect.gather @!p1 [hbm4b:s4+s8], $0x80, s6, s8, $0xb8;
	[tilespmem:$0x1F4C0] =	vst v63  }
.Ltmp2:
0x84: {  	_ = 	snop;
	(pc) =	sbr.rel @p1 .LBB2_4-.Ltmp2, $4  }
0x85: {  	_ =	swait.ge [sflag:s0], $0x2000  }
0x86: {  	[sflag:s0] =	ssyncset.done $0x0  }
0x87: {  	[sflag:s0] =	ssyncadd.s32 $0xFFFFE000  }
0x88: {  	[spmem:s2] =	stream.indirect.scatter.add.f32 [tilespmem:s23], [sflag:$0x8], $0x80, s1, s12, $0xb8;
	[tilespmem:$0x1F4C0] =	vst v63  }
.Ltmp3:
0x89: {  	(pc) =	sbr.rel .LBB2_2-.Ltmp3, $4  }
0x8a: {  	_ =	swait.ge [sflag:s22], $0x2000  }
0x8b: {  	s6 =	sadd.s32 $0x280, s25;
	[sflag:s22] =	ssyncset.done $0x0  }
0x8c: {  	s15 =	sadd.s32 $0x400, s15;
	s1 =	sadd.s32 $0x200, s1;
	[sflag:s22] =	ssyncadd.s32 $0xFFFFE000  }
0x8d: {  	[tilespmem:s16], [sflag:$0x3] =	stream.indirect.gather [hbm4b:s4+s12], $0x80, s6, s12, $0xb8;
	[tilespmem:$0x1F4C0] =	vst v63  }
.LBB2_5:
0x8e: {  	_ =	sfence.sel $0x180000  }
0x8f: {  	[bflag:$0x0] =	sbarrier.arrive $0xFFFF  }
0x90: {  	_ =	strace $0x9000004A  }
0x91: {  	s0 =	stileid.u32;
	[bflag:$0x2] =	sbarrier.arrive $0xFFFF  }
0x92: {  	p0 =	sne.s32 s0, $0x0;
	s0 =	rddreg [dreg:$0x2]  }
0x93: {  	s0 =	sadd.s32 @!p0 $0x100000, s0  }
0x94: {  	[sflag:s0] =	ssyncadd.tile.s32 @!p0 $0x1;
	_ =	shalt  }
.Lfunc_end2:
_tile_overlayer_lowered:
.L_overlay_start_2:
0x95: {  	(tag) =	ssettag $0x2  }
0x96: {  	s0 =	rddreg [dreg:$0x0];
	s2 =	stileid.u32  }
0x97: {  	s1 =	rddreg [dreg:$0x1];
	p0 =	sne.s32 s2, $0x0  }
0x98: {  	s3 =	rddreg [dreg:$0x2];
	[bflag:$0x3] =	sbarrier.arrive $0xFFFF;
	s2 =	simm.s32 @!p0 $0x1C09  }
0x99: {  	[timem:s3], [sflag:s2] =	dma.local @!p0 [hbm:s0], s1  }
0x9a: {  	s0 =	simm.s32 @!p0 $0x9  }
0x9b: {  	_ =	swait.ge @!p0 [sflag:s0], s1  }
0x9c: {  	s1 =	ssub.s32 @!p0 $0x0, s1;
	[sflag:s0] =	ssyncset.done @!p0 $0x0  }
0x9d: {  	[sflag:s0] =	ssyncadd.s32 @!p0 s1  }
0x9e: {  	[bflag:$0x3] =	sbarrier.arrive $0xFFFF  }
0x9f: {  	_ =	shalt  }

// kernel: kernel.18.cloned.1.call-start
scs
__scs_entry_jumppad:
0x0: {  	(pc) =	sbr.rel $0x88, $3  }
0x1: {  	(tag) =	ssettag $0x0;
	lr =	simm.s32 $0x1  }
0x2: {  	[smem:$0x3F89] =	sst lr;
	_ =	strace $0xD0000000  }
0x3: {  	_ = 	snop  }
0x4: {  	_ = 	snop  }
0x5: {  	_ = 	snop  }
0x6: {  	_ = 	snop  }
0x7: {  	_ = 	snop  }
__scs_overlays_trampoline_lowered:
0x8: {  	[smem:$0x3F98] =	sst s0  }
0x9: {  	[smem:$0x3F99] =	sst s1  }
0xa: {  	[smem:$0x3F9A] =	sst s2  }
0xb: {  	[smem:$0x3F9B] =	sst s3  }
0xc: {  	[smem:$0x3F9C] =	sst s4  }
0xd: {  	[smem:$0x3F9D] =	sst s5  }
0xe: {  	[smem:$0x3F9E] =	sst s6  }
0xf: {  	[smem:$0x3F9F] =	sst s7  }
0x10: {  	[smem:$0x3FA0] =	sst s8  }
0x11: {  	[smem:$0x3FA1] =	sst s9;
	s0 =	simm.s32 @!p0 $0x0  }
0x12: {  	s1 =	sld [smem:$0x3F87];
	s0 =	simm.s32 @p0 $0x1  }
0x13: {  	[smem:$0x3FA2] =	sst s0;
	s0 =	simm.s32 @!p1 $0x0  }
0x14: {  	s2 =	sld [smem:$0x3F86];
	s0 =	simm.s32 @p1 $0x1  }
0x15: {  	[smem:$0x3FA3] =	sst s0;
	s0 =	simm.s32 @!p2 $0x0  }
0x16: {  	s3 =	sld [smem:$0x3FDB];
	s0 =	simm.s32 @p2 $0x1  }
0x17: {  	s4 =	simm.s32 $0x1BF5;
	[smem:$0x3FA5] =	sst s0  }
0x18: {  	s0 =	sld [smem:$0x3F88];
	_ =	swait.ge [sflag:s4], $0x0  }
0x19: {  	s7 =	sld [smem:$0x3F89]  }
0x1a: {  	s8 =	sadd.s32 $0xFFFFE003, lr  }
0x1b: {  	s9 =	sadd.s32 $0xFFFFFEF7, lr;
	s5 =	simm.s32 $0xFFFFFFFF;
	p2 =	slt.u32 s8, $0xFFFFF086  }
0x1c: {  	p1 =	slt.u32 s9, $0xF7A;
	s5 =	simm.s32 @!p2 $0x0  }
0x1d: {  	s5 =	simm.s32 @p1 $0x1;
	p0 =	seq.s32 s7, s2  }
0x1e: {  	s7 =	smul.u32 @!p0 $0xF7A, s2;
	p2 =	seq.s32 @!p0 s5, $0x0  }
0x1f: {  	s9 =	smul.u32 $0xF7A, s1;
	s8 =	simm.s32 @!p0 $0x1BF5;
	p2 =	por !p2, p0  }
0x20: {  	[sflag:s8] =	ssyncset.s32 @!p0 $0xFFFFF086;
	s6 =	sadd.s32 @!p0 s3, s7;
	s7 =	simm.s32 @!p0 $0x108  }
0x21: {  	s3 =	sadd.s32 s3, s9;
	s6 =	sadd.s32 @!p0 $0x88, s6;
	s7 =	simm.s32 @p2 $0x1082  }
0x22: {  	[simem:s7], [sflag:s8] =	dma.local @!p0 [hbm:s6], $0xF7A  }
0x23: {  	s9 =	sor.u32 $0xD0000000, s2;
	s6 =	simm.s32 $0x108;
	_ =	swait.ge @!p0 [sflag:s8], $0x0  }
0x24: {  	s3 =	sadd.s32 $0x88, s3;
	s6 =	simm.s32 @!p1 $0x1082;
	[sflag:s4] =	ssyncset.s32 $0xFFFFF086  }
0x25: {  	[simem:s6], [sflag:s4] =	dma.local [hbm:s3], $0xF7A  }
0x26: {  	[smem:$0x3F89] =	sst s1;
	(tag) =	ssettag s2;
	_ =	strace s9  }
0x27: {  	s1 =	sld [smem:$0x3F99]  }
0x28: {  	s2 =	sld [smem:$0x3F9A]  }
0x29: {  	s4 =	sld [smem:$0x3F9C]  }
0x2a: {  	p0 =	seq.s32 s5, $0x0;
	s5 =	sld [smem:$0x3F9D]  }
0x2b: {  	s6 =	sld [smem:$0x3F9E]  }
0x2c: {  	s7 =	sld [smem:$0x3F9F]  }
0x2d: {  	s3 =	simm.s32 $0x108;
	s8 =	sld [smem:$0x3FA0]  }
0x2e: {  	s3 =	simm.s32 @!p0 $0x1082;
	s9 =	sld [smem:$0x3FA1]  }
0x2f: {  	lr =	sadd.s32 s0, s3;
	s0 =	sld [smem:$0x3F98]  }
0x30: {  	s3 =	sld [smem:$0x3F9B]  }
0x31: {  	[smem:$0x3FA4] =	sst s10  }
0x32: {  	s10 =	sld [smem:$0x3FA2];
	_ =	sdelay $0x3  }
0x33: {  	p0 =	seq.s32 s10, $0x1;
	s10 =	sld [smem:$0x3FA4];
	_ =	sdelay $0x3  }
0x34: {  	[smem:$0x3FA4] =	sst s10  }
0x35: {  	s10 =	sld [smem:$0x3FA3];
	_ =	sdelay $0x3  }
0x36: {  	p1 =	seq.s32 s10, $0x1;
	s10 =	sld [smem:$0x3FA4];
	_ =	sdelay $0x3  }
0x37: {  	[smem:$0x3FA4] =	sst s10  }
0x38: {  	s10 =	sld [smem:$0x3FA5]  }
0x39: {  	_ = 	snop;
	(pc) =	sbr.ind lr, $3  }
0x3a: {  	_ = 	snop  }
0x3b: {  	_ = 	snop  }
0x3c: {  	p2 =	seq.s32 s10, $0x1;
	s10 =	sld [smem:$0x3FA4]  }
0x3d: {  	_ =	shalt  }
0x3e: {  	_ =	shalt  }
0x3f: {  	_ =	shalt  }
0x40: {  	_ =	shalt  }
0x41: {  	_ =	shalt  }
0x42: {  	_ =	shalt  }
0x43: {  	_ =	shalt  }
0x44: {  	_ =	shalt  }
0x45: {  	_ =	shalt  }
0x46: {  	_ =	shalt  }
0x47: {  	_ =	shalt  }
0x48: {  	_ =	shalt  }
0x49: {  	_ =	shalt  }
0x4a: {  	_ =	shalt  }
0x4b: {  	_ =	shalt  }
0x4c: {  	_ =	shalt  }
0x4d: {  	_ =	shalt  }
0x4e: {  	_ =	shalt  }
0x4f: {  	_ =	shalt  }
0x50: {  	_ =	shalt  }
0x51: {  	_ =	shalt  }
0x52: {  	_ =	shalt  }
0x53: {  	_ =	shalt  }
0x54: {  	_ =	shalt  }
0x55: {  	_ =	shalt  }
0x56: {  	_ =	shalt  }
0x57: {  	_ =	shalt  }
0x58: {  	_ =	shalt  }
0x59: {  	_ =	shalt  }
0x5a: {  	_ =	shalt  }
0x5b: {  	_ =	shalt  }
0x5c: {  	_ =	shalt  }
0x5d: {  	_ =	shalt  }
0x5e: {  	_ =	shalt  }
0x5f: {  	_ =	shalt  }
0x60: {  	_ =	shalt  }
0x61: {  	_ =	shalt  }
0x62: {  	_ =	shalt  }
0x63: {  	_ =	shalt  }
0x64: {  	_ =	shalt  }
0x65: {  	_ =	shalt  }
0x66: {  	_ =	shalt  }
0x67: {  	_ =	shalt  }
0x68: {  	_ =	shalt  }
0x69: {  	_ =	shalt  }
0x6a: {  	_ =	shalt  }
0x6b: {  	_ =	shalt  }
0x6c: {  	_ =	shalt  }
0x6d: {  	_ =	shalt  }
0x6e: {  	_ =	shalt  }
0x6f: {  	_ =	shalt  }
0x70: {  	_ =	shalt  }
0x71: {  	_ =	shalt  }
0x72: {  	_ =	shalt  }
0x73: {  	_ =	shalt  }
0x74: {  	_ =	shalt  }
0x75: {  	_ =	shalt  }
0x76: {  	_ =	shalt  }
0x77: {  	_ =	shalt  }
0x78: {  	_ =	shalt  }
0x79: {  	_ =	shalt  }
0x7a: {  	_ =	shalt  }
0x7b: {  	_ =	shalt  }
0x7c: {  	_ =	shalt  }
0x7d: {  	_ =	shalt  }
0x7e: {  	_ =	shalt  }
0x7f: {  	_ =	shalt  }
0x80: {  	_ =	shalt  }
0x81: {  	_ =	shalt  }
0x82: {  	_ =	shalt  }
0x83: {  	_ =	shalt  }
0x84: {  	_ =	shalt  }
0x85: {  	_ =	shalt  }
0x86: {  	_ =	shalt  }
0x87: {  	_ =	shalt  }
.Lfunc_end0:
.L_simem_size_0:
called_computation.2_lowered:
.L_overlay_start_0:
0x88: {  	s2 =	sld [smem:$0x3FD9]  }
0x89: {  	s3 =	sld [smem:$0x3FFE];
	_ =	sdelay $0x1  }
0x8a: {  	s1 =	srdreg.scid  }
0x8b: {  	s0 =	sand.u32 $0x1, s1  }
0x8c: {  	s16 =	sshll.u32 s0, $0xA;
	s2 =	sadd.s32 s3, s2  }
0x8d: {  	s2 =	sadd.s32 s2, s16  }
0x8e: {  	[smem:$0x3FB0] =	sst s2  }
0x8f: {  	_ = 	snop  }
0x90: {  	(tm) =	ssettm $0x1  }
0x91: {  	s17 =	sld [smem:$0x3FFB];
	_ =	sdelay $0x3  }
0x92: {  	_ =	strace s17  }
0x93: {  	s2 =	sld [smem:$0x3FFC];
	_ =	sdelay $0x3  }
0x94: {  	_ =	strace s2  }
0x95: {  	s2 =	sld [smem:$0x3FFD];
	_ =	sdelay $0x3  }
0x96: {  	_ =	strace s2  }
0x97: {  	_ =	strace $0x8FFFFFFF  }
0x98: {  	s18 =	sld [smem:$0x3FDB];
	_ =	sdelay $0x1  }
0x99: {  	s19 =	simm.s32 $_scs_section_size  }
0x9a: {  	s4 =	simm.s32 $_size__tile_overlayer_lowered;
	s5 =	simm.s32 $_tile_overlayer_lowered  }
0x9b: {  	s22 =	simm.s32 $0x1BFF;
	s21 =	sshll.u32 s5, $0x1;
	s2 =	sadd.s32 s19, s18  }
0x9c: {  	s6 =	simm.s32 $0x0;
	s20 =	sshll.u32 s4, $0x1;
	s4 =	sadd.s32 s21, s2  }
0x9d: {  	[timem:s6], [sflag:s22] =	dma.local [hbm:s4], s20  }
0x9e: {  	_ =	swait.ge [sflag:s22], s20  }
0x9f: {  	s3 =	ssub.s32 $0x0, s20;
	[sflag:s22] =	ssyncset.done $0x0  }
0xa0: {  	[sflag:s22] =	ssyncadd.s32 s3;
	_ =	sdelay $0x1  }
0xa1: {  	s23 =	simm.s32 $0x1B8B  }
0xa2: {  	_ =	swait.ge [sflag:s23], $0x1  }
0xa3: {  	[sflag:s23] =	ssyncset.done $0x0  }
0xa4: {  	s25 =	simm.s32 $0x1B8E;
	s24 =	sld [smem:$0x3FFE];
	[sflag:s23] =	ssyncadd.s32 $0xFFFFFFFF  }
0xa5: {  	s26 =	simm.s32 $execute0_lowered;
	[smem:$0x3FD2] =	sst s25  }
0xa6: {  	s4 =	sshll.u32 s26, $0x1;
	_ =	strace $0x8000004C;
	[dreg:$0x1] =	wrdreg $0xFFFFFFFF  }
0xa7: {  	s28 =	simm.s32 $_size_execute0_lowered;
	s2 =	sadd.s32 s2, s4;
	[dreg:$0x0] =	wrdreg $0x0  }
0xa8: {  	s4 =	sshll.u32 s28, $0x1;
	[dreg:$0x2] =	wrdreg s2  }
0xa9: {  	[dreg:$0x3] =	wrdreg s4  }
0xaa: {  	[dreg:$0x4] =	wrdreg $0xC0  }
0xab: {  	_ =	task [dreg:s6], $0x5FFFF  }
0xac: {  	[dreg:$0x1] =	wrdreg $0xFFFFFFFF  }
0xad: {  	[dreg:$0x0] =	wrdreg $0x60  }
0xae: {  	[dreg:$0x2] =	wrdreg s24  }
0xaf: {  	[dreg:$0x3] =	wrdreg $0xBC000  }
0xb0: {  	[dreg:$0x4] =	wrdreg $0x9  }
0xb1: {  	_ =	task.clear_ibuf [dreg:s6], $0x5FFFF;
	_ =	strace $0x9000004C  }
0xb2: {  	s29 =	simm.s32 $0x9;
	_ =	strace $0x8000004E  }
0xb3: {  	_ =	swait.ge [sflag:s29], $0x1  }
0xb4: {  	[sflag:s29] =	ssyncadd.s32 $0xFFFFFFFF  }
0xb5: {  	_ =	strace $0x9000004E  }
0xb6: {  	_ =	sfence  }
0xb7: {  	s30 =	sld [smem:$0x0];
	_ =	sdelay $0x2  }
0xb8: {  	s31 =	sshll.u32 s1, $0xD;
	s1 =	sshrl.u32 s1, $0x2  }
0xb9: {  	s3 =	sand.u32 $0x4000, s31;
	s1 =	sadd.s32 s1, s30  }
0xba: {  	s0 =	sor.u32 s3, s0;
	s1 =	sshll.u32 s1, $0x11  }
0xbb: {  	s0 =	sor.u32 s1, s0  }
0xbc: {  	s0 =	sadd.s32 $0x8F2B, s0  }
0xbd: {  	[sflag:s0] =	ssyncadd.remote.s32 $0x1  }
0xbe: {  	_ =	sfence.sel $0xFFFF  }
0xbf: {  	[dreg:$0x0] =	wrdreg $0xFFFFFFFF;
	(pc) =	sbr.abs _section_cstart, $3  }
0xc0: {  	[dreg:$0x1] =	wrdreg $0xFFFFFFFF  }
0xc1: {  	_ =	task.clear_ibuf [dreg:s6], $0x2FFFF;
	_ =	strace $0x9FFFFFFF  }
0xc2: {  	(tm) =	ssettm $0x7FFFFFFF  }
0xc3: {  	_ =	shalt  }
tec
execute0_lowered:
.L_overlay_start_1:
0x0: {  	(tag) =	ssettag $0x1  }
0x1: {  	s0 =	srdreg.scid;
	s1 =	rddreg [dreg:$0x0]  }
0x2: {  	s17 =	stileid.u32;
	s2 =	rddreg [dreg:$0x1]  }
0x3: {  	s13 =	simm.s32 $0x3C00;
	s14 =	simm.s32 $0x5C00;
	s16 =	simm.s32 $0x7C00  }
0x4: {  	s29 =	simm.s32 $0x3;
	s31 =	simm.s32 $0x6;
	s28 =	simm.s32 $0x8  }
0x5: {  	s30 =	simm.s32 $0x0;
	s0 =	sand.u32 $0x1, s0;
	s9 =	smul.u32 $0x2700, s17  }
0x6: {  	s3 =	sshll.u32 s17, $0x1;
	s10 =	smul.u32 $0x4E000, s17;
	p0 =	sne.s32 s17, $0xF  }
0x7: {  	s26 =	sshll.u32 s17, $0x6;
	s17 =	simm.s32 $0x1400;
	s12 =	smul.u32 $0x138800, s0  }
0x8: {  	s4 =	sor.u32 s0, s3;
	s19 =	ssub.s32 $0x2, s0;
	s0 =	smul.u32 $0x27100, s0  }
0x9: {  	s3 =	simm.s32 $0x0;
	s18 =	sor.u32 $0x1C09, s26;
	s5 =	smul.u32 $0x280, s4  }
0xa: {  	s26 =	simm.s32 $0x5;
	[smem:$0x7FF] =	sst s3;
	s6 =	smul.u32 $0x500, s4  }
0xb: {  	s4 =	sadd.s32 $0x13400, s1;
	s11 =	sshrl.u32 s19, $0x1;
	s22 =	sshrl.u32 s10, $0x2  }
0xc: {  	_ =	strace $0x8000004D;
	s11 =	ssub.s32 s19, s11;
	s23 =	sshrl.u32 s12, $0x3  }
0xd: {  	s15 =	sadd.s32 s22, s2;
	s0 =	sadd.s32 s9, s0;
	s12 =	simm.s32 $0x40  }
0xe: {  	s22 =	simm.s32 $0x7;
	s7 =	sadd.s32 s5, s1;
	s8 =	sadd.s32 s6, s1  }
0xf: {  	s5 =	sadd.s32 $0x3A600, s1;
	s1 =	sadd.s32 $0x3CE00, s1;
	s10 =	smax.u32 s11, $0x1  }
0x10: {  	s11 =	simm.s32 $0x9;
	s19 =	sshrl.u32 s15, $0x3;
	s20 =	sadd.s32 $0xE400, s7  }
.Ltmp0:
0x11: {  	s21 =	sadd.s32 $0x4400, s8;
	[dreg:$0x3] =	wrdreg s20;
	(pc) =	sbr.rel .LBB2_1-.Ltmp0, $4  }
0x12: {  	s24 =	sadd.s32 s1, s23;
	s0 =	sadd.s32 s1, s0;
	[dreg:$0x4] =	wrdreg s21  }
0x13: {  	s23 =	simm.s32 $0x9C00;
	s20 =	sadd.s32 $0x138000, s2;
	[dreg:$0x5] =	wrdreg s0  }
0x14: {  	s25 =	sadd.s32 $0x27000, s24;
	s21 =	simm.s32 $0x1;
	s24 =	simm.s32 $0x2  }
0x15: {  	s0 =	simm.s32 $0x4;
	[dreg:$0x6] =	wrdreg s25;
	s20 =	sshrl.u32 @!p0 s20, $0x3  }
.LBB2_4:
0x16: {  	_ =	swait.ge [sflag:s26], $0x2000  }
0x17: {  	[sflag:s26] =	ssyncset.done $0x0  }
0x18: {  	[sflag:s26] =	ssyncadd.s32 $0xFFFFE000  }
0x19: {  	_ =	swait.ge [sflag:s31], $0x2000  }
0x1a: {  	[sflag:s31] =	ssyncset.done $0x0  }
0x1b: {  	[sflag:s31] =	ssyncadd.s32 $0xFFFFE000  }
0x1c: {  	_ =	swait.ge [sflag:s22], $0x2000  }
0x1d: {  	[sflag:s22] =	ssyncset.done $0x0  }
0x1e: {  	[sflag:s22] =	ssyncadd.s32 $0xFFFFE000  }
0x1f: {  	_ =	swait.ge [sflag:s28], $0x2000  }
0x20: {  	[sflag:s28] =	ssyncset.done $0x0  }
0x21: {  	[sflag:s28] =	ssyncadd.s32 $0xFFFFE000  }
0x22: {  	[bflag:$0x0] =	sbarrier.arrive $0xFFFF  }
0x23: {  	s1 =	rddreg [dreg:$0x5]  }
0x24: {  	[hbm:s1], [sflag:s18] =	dma.local [spmem:s19], $0x2700  }
0x25: {  	_ =	swait.ge [sflag:s11], $0x2700  }
0x26: {  	s30 =	sadd.s32 $0x1, s30;
	[sflag:s11] =	ssyncset.done $0x0  }
0x27: {  	p1 =	sne.s32 s30, s10;
	s1 =	rddreg [dreg:$0x6];
	[sflag:s11] =	ssyncadd.s32 $0xFFFFD900  }
0x28: {  	[hbm:s1], [sflag:s18] =	dma.local @!p0 [spmem:s20], $0x100  }
.Ltmp1:
0x29: {  	_ = 	snop;
	(pc) =	sbr.rel @!p1 .LBB2_5-.Ltmp1, $4  }
0x2a: {  	s1 =	simm.s32 @!p0 $0x9  }
0x2b: {  	_ =	swait.ge @!p0 [sflag:s1], $0x100  }
0x2c: {  	[sflag:s1] =	ssyncset.done @!p0 $0x0  }
0x2d: {  	[sflag:s1] =	ssyncadd.s32 @!p0 $0xFFFFFF00  }
.LBB2_1:
0x2e: {  	s1 =	rddreg [dreg:$0x3]  }
0x2f: {  	[tilespmem:s3], [sflag:$0x9] =	stream.linear.gather [hbm4b:s1+s3], $0x1400, $0x38;
	[tilespmem:$0x1F4C0] =	vst v63  }
0x30: {  	_ =	swait.ge [sflag:s11], $0x1400  }
0x31: {  	[sflag:s11] =	ssyncset.done $0x0  }
0x32: {  	[sflag:s11] =	ssyncadd.s32 $0xFFFFEC00  }
0x33: {  	[tilespmem:s13], [sflag:$0x1] =	stream.indirect.gather [hbm4b:s4+s12], $0x80, s3, s12, $0xb8;
	[tilespmem:$0x1F4C0] =	vst v63  }
0x34: {  	_ = 	snop  }
0x35: {  	[tilespmem:s14], [sflag:$0x2] =	stream.indirect.gather [hbm4b:s4+s12], $0x80, s12, s12, $0xb8;
	[tilespmem:$0x1F4C0] =	vst v63  }
0x36: {  	s9 =	simm.s32 $0x80  }
0x37: {  	[tilespmem:s16], [sflag:$0x3] =	stream.indirect.gather [hbm4b:s4+s12], $0x80, s9, s12, $0xb8;
	[tilespmem:$0x1F4C0] =	vst v63  }
0x38: {  	s15 =	rddreg [dreg:$0x4]  }
0x39: {  	[tilespmem:s17], [sflag:$0x9] =	stream.linear.gather [hbm4b:s15+s3], $0x2800, $0x38;
	[tilespmem:$0x1F4C0] =	vst v63  }
0x3a: {  	_ =	swait.ge [sflag:s11], $0x2800  }
0x3b: {  	[sflag:s11] =	ssyncset.done $0x0  }
0x3c: {  	[sflag:s11] =	ssyncadd.s32 $0xFFFFD800  }
0x3d: {  	[spmem:s19], [sflag:s18] =	dma.local [hbm:s5], $0x2700  }
0x3e: {  	_ =	swait.ge [sflag:s11], $0x2700  }
0x3f: {  	[sflag:s11] =	ssyncset.done $0x0  }
0x40: {  	s1 =	simm.s32 @!p0 $0x9;
	[sflag:s11] =	ssyncadd.s32 $0xFFFFD900  }
0x41: {  	[spmem:s20], [sflag:s18] =	dma.local @!p0 [hbm:s5], $0x100  }
0x42: {  	_ =	swait.ge @!p0 [sflag:s1], $0x100  }
0x43: {  	[sflag:s1] =	ssyncset.done @!p0 $0x0  }
0x44: {  	[sflag:s1] =	ssyncadd.s32 @!p0 $0xFFFFFF00  }
0x45: {  	[bflag:$0x0] =	sbarrier.arrive $0xFFFF  }
0x46: {  	_ =	swait.ge [sflag:s21], $0x2000  }
0x47: {  	[sflag:s21] =	ssyncset.done $0x0  }
0x48: {  	[sflag:s21] =	ssyncadd.s32 $0xFFFFE000  }
0x49: {  	[spmem:s2] =	stream.indirect.scatter.add.f32 [tilespmem:s13], [sflag:$0x5], $0x80, s17, s12, $0xb8;
	[tilespmem:$0x1F4C0] =	vst v63  }
0x4a: {  	s25 =	simm.s32 $0xC0  }
0x4b: {  	[tilespmem:s23], [sflag:$0x4] =	stream.indirect.gather [hbm4b:s4+s12], $0x80, s25, s12, $0xb8;
	[tilespmem:$0x1F4C0] =	vst v63  }
0x4c: {  	_ =	swait.ge [sflag:s24], $0x2000  }
0x4d: {  	[sflag:s24] =	ssyncset.done $0x0  }
0x4e: {  	s6 =	simm.s32 $0x1480;
	[sflag:s24] =	ssyncadd.s32 $0xFFFFE000  }
0x4f: {  	[spmem:s2] =	stream.indirect.scatter.add.f32 [tilespmem:s14], [sflag:$0x6], $0x80, s6, s12, $0xb8;
	[tilespmem:$0x1F4C0] =	vst v63  }
0x50: {  	_ =	swait.ge [sflag:s26], $0x2000  }
0x51: {  	[sflag:s26] =	ssyncset.done $0x0  }
0x52: {  	s7 =	simm.s32 $0x100;
	[sflag:s26] =	ssyncadd.s32 $0xFFFFE000  }
0x53: {  	[tilespmem:s13], [sflag:$0x1] =	stream.indirect.gather [hbm4b:s4+s12], $0x80, s7, s12, $0xb8;
	[tilespmem:$0x1F4C0] =	vst v63  }
0x54: {  	_ =	swait.ge [sflag:s29], $0x2000  }
0x55: {  	[sflag:s29] =	ssyncset.done $0x0  }
0x56: {  	s8 =	simm.s32 $0x1500;
	[sflag:s29] =	ssyncadd.s32 $0xFFFFE000  }
0x57: {  	[spmem:s2] =	stream.indirect.scatter.add.f32 [tilespmem:s16], [sflag:$0x7], $0x80, s8, s12, $0xb8;
	[tilespmem:$0x1F4C0] =	vst v63  }
0x58: {  	_ =	swait.ge [sflag:s31], $0x2000  }
0x59: {  	[sflag:s31] =	ssyncset.done $0x0  }
0x5a: {  	s9 =	simm.s32 $0x140;
	[sflag:s31] =	ssyncadd.s32 $0xFFFFE000  }
0x5b: {  	[tilespmem:s14], [sflag:$0x2] =	stream.indirect.gather [hbm4b:s4+s12], $0x80, s9, s12, $0xb8;
	[tilespmem:$0x1F4C0] =	vst v63  }
0x5c: {  	_ =	swait.ge [sflag:s0], $0x2000  }
0x5d: {  	[sflag:s0] =	ssyncset.done $0x0  }
0x5e: {  	s15 =	simm.s32 $0x1580;
	[sflag:s0] =	ssyncadd.s32 $0xFFFFE000  }
0x5f: {  	[spmem:s2] =	stream.indirect.scatter.add.f32 [tilespmem:s23], [sflag:$0x8], $0x80, s15, s12, $0xb8;
	[tilespmem:$0x1F4C0] =	vst v63  }
0x60: {  	_ =	swait.ge [sflag:s22], $0x2000  }
0x61: {  	s1 =	simm.s32 $0x1780;
	[sflag:s22] =	ssyncset.done $0x0  }
0x62: {  	s25 =	simm.s32 $0x180;
	s15 =	simm.s32 $0x0;
	[sflag:s22] =	ssyncadd.s32 $0xFFFFE000  }
0x63: {  	[tilespmem:s16], [sflag:$0x3] =	stream.indirect.gather [hbm4b:s4+s12], $0x80, s25, s12, $0xb8;
	[tilespmem:$0x1F4C0] =	vst v63  }
.LBB2_2:
0x64: {  	_ =	swait.ge [sflag:s21], $0x2000  }
0x65: {  	[sflag:s21] =	ssyncset.done $0x0  }
0x66: {  	s25 =	sadd.s32 $0xFFFFFE80, s1;
	[sflag:s21] =	ssyncadd.s32 $0xFFFFE000  }
0x67: {  	[spmem:s2] =	stream.indirect.scatter.add.f32 [tilespmem:s13], [sflag:$0x5], $0x80, s25, s12, $0xb8;
	[tilespmem:$0x1F4C0] =	vst v63  }
0x68: {  	_ =	swait.ge [sflag:s28], $0x2000  }
0x69: {  	s25 =	sshra.s32 s15, $0x2;
	[sflag:s28] =	ssyncset.done $0x0  }
0x6a: {  	s6 =	sadd.s32 $0x1C0, s25;
	[sflag:s28] =	ssyncadd.s32 $0xFFFFE000  }
0x6b: {  	[tilespmem:s23], [sflag:$0x4] =	stream.indirect.gather [hbm4b:s4+s12], $0x80, s6, s12, $0xb8;
	[tilespmem:$0x1F4C0] =	vst v63  }
0x6c: {  	_ =	swait.ge [sflag:s24], $0x2000  }
0x6d: {  	p1 =	seq.s32 s15, $0x4800;
	[sflag:s24] =	ssyncset.done $0x0  }
0x6e: {  	s9 =	sadd.s32 $0xFFFFFF00, s1;
	s6 =	simm.s32 @p1 $0x3;
	[sflag:s24] =	ssyncadd.s32 $0xFFFFE000  }
0x6f: {  	[spmem:s2] =	stream.indirect.scatter.add.f32 [tilespmem:s14], [sflag:$0x6], $0x80, s9, s12, $0xb8;
	[tilespmem:$0x1F4C0] =	vst v63  }
0x70: {  	_ =	swait.ge @p1 [sflag:s6], $0x2000  }
0x71: {  	s7 =	simm.s32 @p1 $0x40;
	[sflag:s6] =	ssyncset.done @p1 $0x0  }
0x72: {  	s8 =	simm.s32 @p1 $0x7C00;
	[sflag:s6] =	ssyncadd.s32 @p1 $0xFFFFE000;
	s6 =	sadd.s32 @p1 $0xFFFFFF80, s1  }
0x73: {  	[spmem:s2] =	stream.indirect.scatter.add.f32 @p1 [tilespmem:s8], [sflag:$0x7], $0x80, s6, s7, $0xb8;
	[tilespmem:$0x1F4C0] =	vst v63  }
0x74: {  	s6 =	simm.s32 @!p1 $0x5  }
0x75: {  	_ =	swait.ge @!p1 [sflag:s6], $0x2000  }
0x76: {  	[sflag:s6] =	ssyncset.done @!p1 $0x0  }
0x77: {  	[sflag:s6] =	ssyncadd.s32 @!p1 $0xFFFFE000;
	s6 =	sshra.s32 @!p1 s15, $0x2  }
0x78: {  	s9 =	simm.s32 @!p1 $0x3C00;
	s8 =	simm.s32 @!p1 $0x40;
	s7 =	sadd.s32 @!p1 $0x200, s6  }
0x79: {  	[tilespmem:s9], [sflag:$0x1] =	stream.indirect.gather @!p1 [hbm4b:s4+s8], $0x80, s7, s8, $0xb8;
	[tilespmem:$0x1F4C0] =	vst v63  }
0x7a: {  	s7 =	simm.s32 @!p1 $0x3  }
0x7b: {  	_ =	swait.ge @!p1 [sflag:s7], $0x2000  }
0x7c: {  	[sflag:s7] =	ssyncset.done @!p1 $0x0  }
0x7d: {  	s9 =	simm.s32 @!p1 $0x7C00;
	[sflag:s7] =	ssyncadd.s32 @!p1 $0xFFFFE000;
	s7 =	sadd.s32 @!p1 $0xFFFFFF80, s1  }
0x7e: {  	[spmem:s2] =	stream.indirect.scatter.add.f32 @!p1 [tilespmem:s9], [sflag:$0x7], $0x80, s7, s8, $0xb8;
	[tilespmem:$0x1F4C0] =	vst v63  }
0x7f: {  	s7 =	simm.s32 @!p1 $0x6  }
0x80: {  	_ =	swait.ge @!p1 [sflag:s7], $0x2000  }
0x81: {  	[sflag:s7] =	ssyncset.done @!p1 $0x0  }
0x82: {  	s6 =	sadd.s32 @!p1 $0x240, s6;
	[sflag:s7] =	ssyncadd.s32 @!p1 $0xFFFFE000;
	s7 =	simm.s32 @!p1 $0x5C00  }
0x83: {  	[tilespmem:s7], [sflag:$0x2] =	stream.indirect.gather @!p1 [hbm4b:s4+s8], $0x80, s6, s8, $0xb8;
	[tilespmem:$0x1F4C0] =	vst v63  }
.Ltmp2:
0x84: {  	_ = 	snop;
	(pc) =	sbr.rel @p1 .LBB2_4-.Ltmp2, $4  }
0x85: {  	_ =	swait.ge [sflag:s0], $0x2000  }
0x86: {  	[sflag:s0] =	ssyncset.done $0x0  }
0x87: {  	[sflag:s0] =	ssyncadd.s32 $0xFFFFE000  }
0x88: {  	[spmem:s2] =	stream.indirect.scatter.add.f32 [tilespmem:s23], [sflag:$0x8], $0x80, s1, s12, $0xb8;
	[tilespmem:$0x1F4C0] =	vst v63  }
.Ltmp3:
0x89: {  	(pc) =	sbr.rel .LBB2_2-.Ltmp3, $4  }
0x8a: {  	_ =	swait.ge [sflag:s22], $0x2000  }
0x8b: {  	s6 =	sadd.s32 $0x280, s25;
	[sflag:s22] =	ssyncset.done $0x0  }
0x8c: {  	s15 =	sadd.s32 $0x400, s15;
	s1 =	sadd.s32 $0x200, s1;
	[sflag:s22] =	ssyncadd.s32 $0xFFFFE000  }
0x8d: {  	[tilespmem:s16], [sflag:$0x3] =	stream.indirect.gather [hbm4b:s4+s12], $0x80, s6, s12, $0xb8;
	[tilespmem:$0x1F4C0] =	vst v63  }
.LBB2_5:
0x8e: {  	_ =	sfence.sel $0x180000  }
0x8f: {  	[bflag:$0x0] =	sbarrier.arrive $0xFFFF  }
0x90: {  	_ =	strace $0x9000004D  }
0x91: {  	s0 =	stileid.u32;
	[bflag:$0x2] =	sbarrier.arrive $0xFFFF  }
0x92: {  	p0 =	sne.s32 s0, $0x0;
	s0 =	rddreg [dreg:$0x2]  }
0x93: {  	s0 =	sadd.s32 @!p0 $0x100000, s0  }
0x94: {  	[sflag:s0] =	ssyncadd.tile.s32 @!p0 $0x1;
	_ =	shalt  }
.Lfunc_end2:
_tile_overlayer_lowered:
.L_overlay_start_2:
0x95: {  	(tag) =	ssettag $0x2  }
0x96: {  	s0 =	rddreg [dreg:$0x0];
	s2 =	stileid.u32  }
0x97: {  	s1 =	rddreg [dreg:$0x1];
	p0 =	sne.s32 s2, $0x0  }
0x98: {  	s3 =	rddreg [dreg:$0x2];
	[bflag:$0x3] =	sbarrier.arrive $0xFFFF;
	s2 =	simm.s32 @!p0 $0x1C09  }
0x99: {  	[timem:s3], [sflag:s2] =	dma.local @!p0 [hbm:s0], s1  }
0x9a: {  	s0 =	simm.s32 @!p0 $0x9  }
0x9b: {  	_ =	swait.ge @!p0 [sflag:s0], s1  }
0x9c: {  	s1 =	ssub.s32 @!p0 $0x0, s1;
	[sflag:s0] =	ssyncset.done @!p0 $0x0  }
0x9d: {  	[sflag:s0] =	ssyncadd.s32 @!p0 s1  }
0x9e: {  	[bflag:$0x3] =	sbarrier.arrive $0xFFFF  }
0x9f: {  	_ =	shalt  }

</sc_bundles>
